<compile_context>
chip_gen: v7x
topology: tpu7x:2x2x1
jax: 0.10.2.dev20260603
libtpu: 0.0.44.dev20260713+nightly
codegen_flags: <defaults>
</compile_context>

<pallas_src>
import functools

import jax
import jax.numpy as jnp
from jax import lax
from jax.experimental import pallas as pl
from jax.experimental.pallas import tpu as pltpu, tpu_sc as plsc

_INFO = plsc.get_sparse_core_info()
_NC = _INFO.num_cores
_NS = _INFO.num_subcores
_NW = _NC * _NS
_L = _INFO.num_lanes

_N = 1000000
_BATCH = 16384
_LD = 16
_BPW = _BATCH // _NW
_CHUNK = 128
_NCHUNK = _BPW // _CHUNK
_G = 8
_NGROUP = _BPW // _G
_PAD = _BPW + _L


def _fire(g, slot, idx_u, idx_i, uw3_hbm, iw3_hbm, u_bufs, i_bufs, sems):
    uc = idx_u[pl.ds(g * _G, _L)]
    ic = idx_i[pl.ds(g * _G, _L)]
    ub = (uc >> 7) << 7
    ib = (ic >> 7) << 7
    for j in range(_G):
        cu = pl.multiple_of(ub[j], 128)
        ci = pl.multiple_of(ib[j], 128)
        pltpu.async_copy(uw3_hbm.at[:, :, pl.ds(cu, 128)],
                         u_bufs.at[slot, j], sems.at[slot])
        pltpu.async_copy(iw3_hbm.at[:, :, pl.ds(ci, 128)],
                         i_bufs.at[slot, j], sems.at[slot])


def _dots_body(uid_hbm, iid_hbm, uw3_hbm, iw3_hbm, out_hbm,
               idx_u, idx_i, out_v, u_bufs, i_bufs, sems):
    wid = lax.axis_index("s") * _NC + lax.axis_index("c")
    base = wid * _BPW
    pltpu.sync_copy(uid_hbm.at[pl.ds(base, _BPW)], idx_u.at[pl.ds(0, _BPW)])
    pltpu.sync_copy(iid_hbm.at[pl.ds(base, _BPW)], idx_i.at[pl.ds(0, _BPW)])

    _fire(0, 0, idx_u, idx_i, uw3_hbm, iw3_hbm, u_bufs, i_bufs, sems)

    lane = lax.iota(jnp.int32, _L)
    elem = lane & (_G - 1)
    zero = jnp.zeros((_L,), jnp.float32)

    def group(g, _):
        slot = g & 1

        @pl.when(g + 1 < _NGROUP)
        def _():
            _fire(g + 1, slot ^ 1, idx_u, idx_i, uw3_hbm, iw3_hbm,
                  u_bufs, i_bufs, sems)

        for j in range(_G):
            pltpu.make_async_copy(uw3_hbm.at[:, :, pl.ds(0, 128)],
                                  u_bufs.at[slot, j], sems.at[slot]).wait()
            pltpu.make_async_copy(iw3_hbm.at[:, :, pl.ds(0, 128)],
                                  i_bufs.at[slot, j], sems.at[slot]).wait()

        sl = pl.ds(g * _G, _L)
        uc = idx_u[sl]
        ic = idx_i[sl]
        lu = uc & 127
        li = ic & 127
        slot_vec = jnp.full((_L,), slot, jnp.int32)
        acc = zero
        for f in range(_LD):
            half = jnp.full((_L,), f // 8, jnp.int32)
            feat = jnp.full((_L,), f % 8, jnp.int32)
            uv = plsc.load_gather(u_bufs, [slot_vec, elem, half, feat, lu])
            iv = plsc.load_gather(i_bufs, [slot_vec, elem, half, feat, li])
            acc = acc + uv * iv
        out_v[sl] = acc
        return 0

    lax.fori_loop(0, _NGROUP, group, 0)
    pltpu.sync_copy(out_v.at[pl.ds(0, _BPW)], out_hbm.at[pl.ds(base, _BPW)])


@functools.partial(
    pl.kernel,
    out_type=jax.ShapeDtypeStruct((_BATCH,), jnp.float32),
    mesh=plsc.VectorSubcoreMesh(core_axis_name="c", subcore_axis_name="s"),
    scratch_types=[
        pltpu.VMEM((_PAD,), jnp.int32),
        pltpu.VMEM((_PAD,), jnp.int32),
        pltpu.VMEM((_PAD,), jnp.float32),
        pltpu.VMEM((2, _G, 2, 8, 128), jnp.float32),
        pltpu.VMEM((2, _G, 2, 8, 128), jnp.float32),
        pltpu.SemaphoreType.DMA((2,)),
    ],
    compiler_params=pltpu.CompilerParams(needs_layout_passes=False,
                                         use_tc_tiling_on_sc=True,
                                         disable_bounds_checks=True),
)
def _dots_kernel(*args):
    _dots_body(*args)


def _bias_body(uid_hbm, iid_hbm, bu_hbm, bi_hbm, bias_hbm, dots_hbm, out_hbm,
               idx_u, idx_i, bu_v, bi_v, bias_v, dots_v, out_v, sem):
    wid = lax.axis_index("s") * _NC + lax.axis_index("c")
    base = wid * _BPW
    pltpu.sync_copy(uid_hbm.at[pl.ds(base, _BPW)], idx_u)
    pltpu.sync_copy(iid_hbm.at[pl.ds(base, _BPW)], idx_i)
    pltpu.sync_copy(dots_hbm.at[pl.ds(base, _BPW)], dots_v)
    pltpu.sync_copy(bias_hbm, bias_v)
    copies = []
    for j in range(_NCHUNK):
        sl = pl.ds(j * _CHUNK, _CHUNK)
        copies.append(pltpu.async_copy(bu_hbm.at[idx_u.at[sl]], bu_v.at[sl], sem))
        copies.append(pltpu.async_copy(bi_hbm.at[idx_i.at[sl]], bi_v.at[sl], sem))
    for cp in copies:
        cp.wait()
    bias_vec = bias_v[...]

    def group(g, _):
        sl = pl.ds(g * _L, _L)
        out_v[sl] = dots_v[sl] + bu_v[sl] + bi_v[sl] + bias_vec
        return 0

    lax.fori_loop(0, _BPW // _L, group, 0)
    pltpu.sync_copy(out_v, out_hbm.at[pl.ds(base, _BPW)])


@functools.partial(
    pl.kernel,
    out_type=jax.ShapeDtypeStruct((_BATCH,), jnp.float32),
    mesh=plsc.VectorSubcoreMesh(core_axis_name="c", subcore_axis_name="s"),
    scratch_types=[
        pltpu.VMEM((_BPW,), jnp.int32),
        pltpu.VMEM((_BPW,), jnp.int32),
        pltpu.VMEM((_BPW,), jnp.float32),
        pltpu.VMEM((_BPW,), jnp.float32),
        pltpu.VMEM((_L,), jnp.float32),
        pltpu.VMEM((_BPW,), jnp.float32),
        pltpu.VMEM((_BPW,), jnp.float32),
        pltpu.SemaphoreType.DMA,
    ],
    compiler_params=pltpu.CompilerParams(needs_layout_passes=False,
                                         use_tc_tiling_on_sc=False),
)
def _bias_kernel(*args):
    _bias_body(*args)


def kernel(train_x, user_weight, item_weight, bias_user_weight, bias_item_weight, bias):
    uid = train_x[:, 0]
    iid = train_x[:, 1]
    bias16 = jnp.broadcast_to(bias, (_L,))
    uw3 = user_weight.T.reshape(2, 8, _N)
    iw3 = item_weight.T.reshape(2, 8, _N)
    dots = _dots_kernel(uid, iid, uw3, iw3)
    return _bias_kernel(uid, iid, bias_user_weight.reshape(-1),
                        bias_item_weight.reshape(-1), bias16, dots)

# --- scband reference (transcript-rebuilt; emitter-appended) ---
"""Pipeline reference for scband-mf-27719718928486 (READ-ONLY COPY).

The authoritative reference and input builder live on the scoring server;
editing this copy changes nothing except your own understanding.
"""

import jax, jax.numpy as jnp
import numpy as np

N_USER = 1000000
N_ITEM = 1000000
LD = 16
BATCH = 16384


def setup_inputs(seed: int = 0) -> dict:
    key = jax.random.key(seed)
    k1, k2, k3, k4, k5, k6 = jax.random.split(key, 6)
    train_x = jax.random.randint(k1, (BATCH, 2), 0, N_USER, dtype=jnp.int64 if jax.config.jax_enable_x64 else jnp.int32).astype(jnp.int32)
    user_weight = jax.random.normal(k2, (N_USER, LD), dtype=jnp.float32)
    item_weight = jax.random.normal(k3, (N_ITEM, LD), dtype=jnp.float32)
    bias_user_weight = jax.random.normal(k4, (N_USER, 1), dtype=jnp.float32)
    bias_item_weight = jax.random.normal(k5, (N_ITEM, 1), dtype=jnp.float32)
    bias = jnp.ones((1,), dtype=jnp.float32)
    return {
        "train_x": train_x,
        "user_weight": user_weight,
        "item_weight": item_weight,
        "bias_user_weight": bias_user_weight,
        "bias_item_weight": bias_item_weight,
        "bias": bias,
    }


def reference(train_x, user_weight, item_weight, bias_user_weight, bias_item_weight, bias):
    user_id = train_x[:, 0]
    item_id = train_x[:, 1]
    vector_user = jnp.take(user_weight, user_id, axis=0)
    vector_item = jnp.take(item_weight, item_id, axis=0)
    ui_interaction = jnp.sum(vector_user * vector_item, axis=1)
    bias_user = jnp.take(bias_user_weight, user_id, axis=0).squeeze(-1)
    bias_item = jnp.take(bias_item_weight, item_id, axis=0).squeeze(-1)
    biases = bias + bias_user + bias_item
    prediction = ui_interaction + biases
    return prediction

if __name__ == "__main__":
    import jax
    _d = setup_inputs()
    print(jax.jit(kernel)(*tuple(_d.values())))

</pallas_src>

<mosaic_0001>
#map = affine_map<(d0, d1) -> (0)>
module attributes {stable_mosaic.version = 14 : i64} {
  func.func @_bias_kernel(%arg0: i32, %arg1: i32, %arg2: memref<16384xi32, #tpu.memory_space<hbm>>, %arg3: memref<16384xi32, #tpu.memory_space<hbm>>, %arg4: memref<1000000xf32, #tpu.memory_space<hbm>>, %arg5: memref<1000000xf32, #tpu.memory_space<hbm>>, %arg6: memref<16xf32, #tpu.memory_space<hbm>>, %arg7: memref<16384xf32, #tpu.memory_space<hbm>>, %arg8: memref<16384xf32, #tpu.memory_space<hbm>>, %arg9: memref<512xi32, #tpu.memory_space<vmem>>, %arg10: memref<512xi32, #tpu.memory_space<vmem>>, %arg11: memref<512xf32, #tpu.memory_space<vmem>>, %arg12: memref<512xf32, #tpu.memory_space<vmem>>, %arg13: memref<16xf32, #tpu.memory_space<vmem>>, %arg14: memref<512xf32, #tpu.memory_space<vmem>>, %arg15: memref<512xf32, #tpu.memory_space<vmem>>, %arg16: memref<!tpu.dma_semaphore, #tpu.memory_space<semaphore_mem>>) attributes {dimension_semantics = [#tpu.dimension_semantics<core_parallel>, #tpu.dimension_semantics<subcore_parallel>], iteration_bounds = array<i64: 2, 16>, scalar_prefetch = 0 : i64, scratch_operands = 8 : i64, tpu.core_type = #tpu.core_type<sc_vector_subcore>, window_params = [{transform_indices = #map}, {transform_indices = #map}, {transform_indices = #map}, {transform_indices = #map}, {transform_indices = #map}, {transform_indices = #map}, {transform_indices = #map}]} {
    %mul3A = arith.constant 2 : i32
    %mul3A_0 = arith.muli %arg1, %mul3A : i32
    %add3A = arith.addi %mul3A_0, %arg0 : i32
    %mul3A_1 = arith.constant 512 : i32
    %mul3A_2 = arith.muli %add3A, %mul3A_1 : i32
    "tpu.region"() ({
      %run_scoped3A = tpu.sem_alloc : memref<!tpu.dma_semaphore, #tpu.memory_space<semaphore_mem>>
      %dma_start3A_104 = tpu.memref_slice %arg2[%mul3A_2] : memref<16384xi32, #tpu.memory_space<hbm>> -> memref<512xi32, #tpu.memory_space<hbm>>
      %dma_start3A_105 = tpu.memref_slice %arg2[%mul3A_2] : memref<16384xi32, #tpu.memory_space<hbm>> -> memref<512xi32, #tpu.memory_space<hbm>>
      tpu.enqueue_dma source(%dma_start3A_105 : memref<512xi32, #tpu.memory_space<hbm>>) target(%arg9 : memref<512xi32, #tpu.memory_space<vmem>>) target_semaphore(%run_scoped3A : memref<!tpu.dma_semaphore, #tpu.memory_space<semaphore_mem>>)
      %dma_wait3A_106 = tpu.memref_slice %arg2[%mul3A_2] : memref<16384xi32, #tpu.memory_space<hbm>> -> memref<512xi32, #tpu.memory_space<hbm>>
      %dma_wait3A_107 = tpu.memref_slice %arg2[%mul3A_2] : memref<16384xi32, #tpu.memory_space<hbm>> -> memref<512xi32, #tpu.memory_space<hbm>>
      tpu.wait_dma2 semaphore(%run_scoped3A : memref<!tpu.dma_semaphore, #tpu.memory_space<semaphore_mem>>) src(%dma_wait3A_107 : memref<512xi32, #tpu.memory_space<hbm>>) dst(%arg9 : memref<512xi32, #tpu.memory_space<vmem>>)
      tpu.yield
    }) : () -> ()
    "tpu.region"() ({
      %run_scoped3A = tpu.sem_alloc : memref<!tpu.dma_semaphore, #tpu.memory_space<semaphore_mem>>
      %dma_start3A_104 = tpu.memref_slice %arg3[%mul3A_2] : memref<16384xi32, #tpu.memory_space<hbm>> -> memref<512xi32, #tpu.memory_space<hbm>>
      %dma_start3A_105 = tpu.memref_slice %arg3[%mul3A_2] : memref<16384xi32, #tpu.memory_space<hbm>> -> memref<512xi32, #tpu.memory_space<hbm>>
      tpu.enqueue_dma source(%dma_start3A_105 : memref<512xi32, #tpu.memory_space<hbm>>) target(%arg10 : memref<512xi32, #tpu.memory_space<vmem>>) target_semaphore(%run_scoped3A : memref<!tpu.dma_semaphore, #tpu.memory_space<semaphore_mem>>)
      %dma_wait3A_106 = tpu.memref_slice %arg3[%mul3A_2] : memref<16384xi32, #tpu.memory_space<hbm>> -> memref<512xi32, #tpu.memory_space<hbm>>
      %dma_wait3A_107 = tpu.memref_slice %arg3[%mul3A_2] : memref<16384xi32, #tpu.memory_space<hbm>> -> memref<512xi32, #tpu.memory_space<hbm>>
      tpu.wait_dma2 semaphore(%run_scoped3A : memref<!tpu.dma_semaphore, #tpu.memory_space<semaphore_mem>>) src(%dma_wait3A_107 : memref<512xi32, #tpu.memory_space<hbm>>) dst(%arg10 : memref<512xi32, #tpu.memory_space<vmem>>)
      tpu.yield
    }) : () -> ()
    "tpu.region"() ({
      %run_scoped3A = tpu.sem_alloc : memref<!tpu.dma_semaphore, #tpu.memory_space<semaphore_mem>>
      %dma_start3A_104 = tpu.memref_slice %arg7[%mul3A_2] : memref<16384xf32, #tpu.memory_space<hbm>> -> memref<512xf32, #tpu.memory_space<hbm>>
      %dma_start3A_105 = tpu.memref_slice %arg7[%mul3A_2] : memref<16384xf32, #tpu.memory_space<hbm>> -> memref<512xf32, #tpu.memory_space<hbm>>
      tpu.enqueue_dma source(%dma_start3A_105 : memref<512xf32, #tpu.memory_space<hbm>>) target(%arg14 : memref<512xf32, #tpu.memory_space<vmem>>) target_semaphore(%run_scoped3A : memref<!tpu.dma_semaphore, #tpu.memory_space<semaphore_mem>>)
      %dma_wait3A_106 = tpu.memref_slice %arg7[%mul3A_2] : memref<16384xf32, #tpu.memory_space<hbm>> -> memref<512xf32, #tpu.memory_space<hbm>>
      %dma_wait3A_107 = tpu.memref_slice %arg7[%mul3A_2] : memref<16384xf32, #tpu.memory_space<hbm>> -> memref<512xf32, #tpu.memory_space<hbm>>
      tpu.wait_dma2 semaphore(%run_scoped3A : memref<!tpu.dma_semaphore, #tpu.memory_space<semaphore_mem>>) src(%dma_wait3A_107 : memref<512xf32, #tpu.memory_space<hbm>>) dst(%arg14 : memref<512xf32, #tpu.memory_space<vmem>>)
      tpu.yield
    }) : () -> ()
    "tpu.region"() ({
      %run_scoped3A = tpu.sem_alloc : memref<!tpu.dma_semaphore, #tpu.memory_space<semaphore_mem>>
      tpu.enqueue_dma source(%arg6 : memref<16xf32, #tpu.memory_space<hbm>>) target(%arg13 : memref<16xf32, #tpu.memory_space<vmem>>) target_semaphore(%run_scoped3A : memref<!tpu.dma_semaphore, #tpu.memory_space<semaphore_mem>>)
      tpu.wait_dma2 semaphore(%run_scoped3A : memref<!tpu.dma_semaphore, #tpu.memory_space<semaphore_mem>>) src(%arg6 : memref<16xf32, #tpu.memory_space<hbm>>) dst(%arg13 : memref<16xf32, #tpu.memory_space<vmem>>)
      tpu.yield
    }) : () -> ()
    %dma_start3A = arith.constant 0 : i32
    %dma_start3A_3 = tpu.memref_slice %arg11[%dma_start3A] : memref<512xf32, #tpu.memory_space<vmem>> -> memref<128xf32, #tpu.memory_space<vmem>>
    %dma_start3A_4 = arith.constant 0 : i32
    %dma_start3A_5 = tpu.memref_slice %arg9[%dma_start3A_4] : memref<512xi32, #tpu.memory_space<vmem>> -> memref<128xi32, #tpu.memory_space<vmem>>
    %dma_start3A_6 = arith.constant 0 : i32
    %dma_start3A_7 = tpu.memref_slice %arg4[%dma_start3A_6] : memref<1000000xf32, #tpu.memory_space<hbm>> -> memref<1000000xf32, #tpu.memory_space<hbm>>
    tpu.enqueue_indirect_dma source(%dma_start3A_7 : memref<1000000xf32, #tpu.memory_space<hbm>>) target(%dma_start3A_3 : memref<128xf32, #tpu.memory_space<vmem>>) offsets(%dma_start3A_5 : memref<128xi32, #tpu.memory_space<vmem>>) semaphore(%arg16 : memref<!tpu.dma_semaphore, #tpu.memory_space<semaphore_mem>>)
    %dma_start3A_8 = arith.constant 0 : i32
    %dma_start3A_9 = tpu.memref_slice %arg12[%dma_start3A_8] : memref<512xf32, #tpu.memory_space<vmem>> -> memref<128xf32, #tpu.memory_space<vmem>>
    %dma_start3A_10 = arith.constant 0 : i32
    %dma_start3A_11 = tpu.memref_slice %arg10[%dma_start3A_10] : memref<512xi32, #tpu.memory_space<vmem>> -> memref<128xi32, #tpu.memory_space<vmem>>
    %dma_start3A_12 = arith.constant 0 : i32
    %dma_start3A_13 = tpu.memref_slice %arg5[%dma_start3A_12] : memref<1000000xf32, #tpu.memory_space<hbm>> -> memref<1000000xf32, #tpu.memory_space<hbm>>
    tpu.enqueue_indirect_dma source(%dma_start3A_13 : memref<1000000xf32, #tpu.memory_space<hbm>>) target(%dma_start3A_9 : memref<128xf32, #tpu.memory_space<vmem>>) offsets(%dma_start3A_11 : memref<128xi32, #tpu.memory_space<vmem>>) semaphore(%arg16 : memref<!tpu.dma_semaphore, #tpu.memory_space<semaphore_mem>>)
    %dma_start3A_14 = arith.constant 128 : i32
    %dma_start3A_15 = tpu.memref_slice %arg11[%dma_start3A_14] : memref<512xf32, #tpu.memory_space<vmem>> -> memref<128xf32, #tpu.memory_space<vmem>>
    %dma_start3A_16 = arith.constant 128 : i32
    %dma_start3A_17 = tpu.memref_slice %arg9[%dma_start3A_16] : memref<512xi32, #tpu.memory_space<vmem>> -> memref<128xi32, #tpu.memory_space<vmem>>
    %dma_start3A_18 = arith.constant 0 : i32
    %dma_start3A_19 = tpu.memref_slice %arg4[%dma_start3A_18] : memref<1000000xf32, #tpu.memory_space<hbm>> -> memref<1000000xf32, #tpu.memory_space<hbm>>
    tpu.enqueue_indirect_dma source(%dma_start3A_19 : memref<1000000xf32, #tpu.memory_space<hbm>>) target(%dma_start3A_15 : memref<128xf32, #tpu.memory_space<vmem>>) offsets(%dma_start3A_17 : memref<128xi32, #tpu.memory_space<vmem>>) semaphore(%arg16 : memref<!tpu.dma_semaphore, #tpu.memory_space<semaphore_mem>>)
    %dma_start3A_20 = arith.constant 128 : i32
    %dma_start3A_21 = tpu.memref_slice %arg12[%dma_start3A_20] : memref<512xf32, #tpu.memory_space<vmem>> -> memref<128xf32, #tpu.memory_space<vmem>>
    %dma_start3A_22 = arith.constant 128 : i32
    %dma_start3A_23 = tpu.memref_slice %arg10[%dma_start3A_22] : memref<512xi32, #tpu.memory_space<vmem>> -> memref<128xi32, #tpu.memory_space<vmem>>
    %dma_start3A_24 = arith.constant 0 : i32
    %dma_start3A_25 = tpu.memref_slice %arg5[%dma_start3A_24] : memref<1000000xf32, #tpu.memory_space<hbm>> -> memref<1000000xf32, #tpu.memory_space<hbm>>
    tpu.enqueue_indirect_dma source(%dma_start3A_25 : memref<1000000xf32, #tpu.memory_space<hbm>>) target(%dma_start3A_21 : memref<128xf32, #tpu.memory_space<vmem>>) offsets(%dma_start3A_23 : memref<128xi32, #tpu.memory_space<vmem>>) semaphore(%arg16 : memref<!tpu.dma_semaphore, #tpu.memory_space<semaphore_mem>>)
    %dma_start3A_26 = arith.constant 256 : i32
    %dma_start3A_27 = tpu.memref_slice %arg11[%dma_start3A_26] : memref<512xf32, #tpu.memory_space<vmem>> -> memref<128xf32, #tpu.memory_space<vmem>>
    %dma_start3A_28 = arith.constant 256 : i32
    %dma_start3A_29 = tpu.memref_slice %arg9[%dma_start3A_28] : memref<512xi32, #tpu.memory_space<vmem>> -> memref<128xi32, #tpu.memory_space<vmem>>
    %dma_start3A_30 = arith.constant 0 : i32
    %dma_start3A_31 = tpu.memref_slice %arg4[%dma_start3A_30] : memref<1000000xf32, #tpu.memory_space<hbm>> -> memref<1000000xf32, #tpu.memory_space<hbm>>
    tpu.enqueue_indirect_dma source(%dma_start3A_31 : memref<1000000xf32, #tpu.memory_space<hbm>>) target(%dma_start3A_27 : memref<128xf32, #tpu.memory_space<vmem>>) offsets(%dma_start3A_29 : memref<128xi32, #tpu.memory_space<vmem>>) semaphore(%arg16 : memref<!tpu.dma_semaphore, #tpu.memory_space<semaphore_mem>>)
    %dma_start3A_32 = arith.constant 256 : i32
    %dma_start3A_33 = tpu.memref_slice %arg12[%dma_start3A_32] : memref<512xf32, #tpu.memory_space<vmem>> -> memref<128xf32, #tpu.memory_space<vmem>>
    %dma_start3A_34 = arith.constant 256 : i32
    %dma_start3A_35 = tpu.memref_slice %arg10[%dma_start3A_34] : memref<512xi32, #tpu.memory_space<vmem>> -> memref<128xi32, #tpu.memory_space<vmem>>
    %dma_start3A_36 = arith.constant 0 : i32
    %dma_start3A_37 = tpu.memref_slice %arg5[%dma_start3A_36] : memref<1000000xf32, #tpu.memory_space<hbm>> -> memref<1000000xf32, #tpu.memory_space<hbm>>
    tpu.enqueue_indirect_dma source(%dma_start3A_37 : memref<1000000xf32, #tpu.memory_space<hbm>>) target(%dma_start3A_33 : memref<128xf32, #tpu.memory_space<vmem>>) offsets(%dma_start3A_35 : memref<128xi32, #tpu.memory_space<vmem>>) semaphore(%arg16 : memref<!tpu.dma_semaphore, #tpu.memory_space<semaphore_mem>>)
    %dma_start3A_38 = arith.constant 384 : i32
    %dma_start3A_39 = tpu.memref_slice %arg11[%dma_start3A_38] : memref<512xf32, #tpu.memory_space<vmem>> -> memref<128xf32, #tpu.memory_space<vmem>>
    %dma_start3A_40 = arith.constant 384 : i32
    %dma_start3A_41 = tpu.memref_slice %arg9[%dma_start3A_40] : memref<512xi32, #tpu.memory_space<vmem>> -> memref<128xi32, #tpu.memory_space<vmem>>
    %dma_start3A_42 = arith.constant 0 : i32
    %dma_start3A_43 = tpu.memref_slice %arg4[%dma_start3A_42] : memref<1000000xf32, #tpu.memory_space<hbm>> -> memref<1000000xf32, #tpu.memory_space<hbm>>
    tpu.enqueue_indirect_dma source(%dma_start3A_43 : memref<1000000xf32, #tpu.memory_space<hbm>>) target(%dma_start3A_39 : memref<128xf32, #tpu.memory_space<vmem>>) offsets(%dma_start3A_41 : memref<128xi32, #tpu.memory_space<vmem>>) semaphore(%arg16 : memref<!tpu.dma_semaphore, #tpu.memory_space<semaphore_mem>>)
    %dma_start3A_44 = arith.constant 384 : i32
    %dma_start3A_45 = tpu.memref_slice %arg12[%dma_start3A_44] : memref<512xf32, #tpu.memory_space<vmem>> -> memref<128xf32, #tpu.memory_space<vmem>>
    %dma_start3A_46 = arith.constant 384 : i32
    %dma_start3A_47 = tpu.memref_slice %arg10[%dma_start3A_46] : memref<512xi32, #tpu.memory_space<vmem>> -> memref<128xi32, #tpu.memory_space<vmem>>
    %dma_start3A_48 = arith.constant 0 : i32
    %dma_start3A_49 = tpu.memref_slice %arg5[%dma_start3A_48] : memref<1000000xf32, #tpu.memory_space<hbm>> -> memref<1000000xf32, #tpu.memory_space<hbm>>
    tpu.enqueue_indirect_dma source(%dma_start3A_49 : memref<1000000xf32, #tpu.memory_space<hbm>>) target(%dma_start3A_45 : memref<128xf32, #tpu.memory_space<vmem>>) offsets(%dma_start3A_47 : memref<128xi32, #tpu.memory_space<vmem>>) semaphore(%arg16 : memref<!tpu.dma_semaphore, #tpu.memory_space<semaphore_mem>>)
    %dma_wait3A = arith.constant 0 : i32
    %dma_wait3A_50 = tpu.memref_slice %arg11[%dma_wait3A] : memref<512xf32, #tpu.memory_space<vmem>> -> memref<128xf32, #tpu.memory_space<vmem>>
    %dma_wait3A_51 = arith.constant 0 : i32
    %dma_wait3A_52 = tpu.memref_slice %arg9[%dma_wait3A_51] : memref<512xi32, #tpu.memory_space<vmem>> -> memref<128xi32, #tpu.memory_space<vmem>>
    %dma_wait3A_53 = arith.constant 0 : i32
    %dma_wait3A_54 = tpu.memref_slice %arg4[%dma_wait3A_53] : memref<1000000xf32, #tpu.memory_space<hbm>> -> memref<1000000xf32, #tpu.memory_space<hbm>>
    tpu.wait_indirect_dma semaphore(%arg16 : memref<!tpu.dma_semaphore, #tpu.memory_space<semaphore_mem>>) src(%dma_wait3A_54 : memref<1000000xf32, #tpu.memory_space<hbm>>) dst(%dma_wait3A_50 : memref<128xf32, #tpu.memory_space<vmem>>)
    %dma_wait3A_55 = arith.constant 0 : i32
    %dma_wait3A_56 = tpu.memref_slice %arg12[%dma_wait3A_55] : memref<512xf32, #tpu.memory_space<vmem>> -> memref<128xf32, #tpu.memory_space<vmem>>
    %dma_wait3A_57 = arith.constant 0 : i32
    %dma_wait3A_58 = tpu.memref_slice %arg10[%dma_wait3A_57] : memref<512xi32, #tpu.memory_space<vmem>> -> memref<128xi32, #tpu.memory_space<vmem>>
    %dma_wait3A_59 = arith.constant 0 : i32
    %dma_wait3A_60 = tpu.memref_slice %arg5[%dma_wait3A_59] : memref<1000000xf32, #tpu.memory_space<hbm>> -> memref<1000000xf32, #tpu.memory_space<hbm>>
    tpu.wait_indirect_dma semaphore(%arg16 : memref<!tpu.dma_semaphore, #tpu.memory_space<semaphore_mem>>) src(%dma_wait3A_60 : memref<1000000xf32, #tpu.memory_space<hbm>>) dst(%dma_wait3A_56 : memref<128xf32, #tpu.memory_space<vmem>>)
    %dma_wait3A_61 = arith.constant 128 : i32
    %dma_wait3A_62 = tpu.memref_slice %arg11[%dma_wait3A_61] : memref<512xf32, #tpu.memory_space<vmem>> -> memref<128xf32, #tpu.memory_space<vmem>>
    %dma_wait3A_63 = arith.constant 128 : i32
    %dma_wait3A_64 = tpu.memref_slice %arg9[%dma_wait3A_63] : memref<512xi32, #tpu.memory_space<vmem>> -> memref<128xi32, #tpu.memory_space<vmem>>
    %dma_wait3A_65 = arith.constant 0 : i32
    %dma_wait3A_66 = tpu.memref_slice %arg4[%dma_wait3A_65] : memref<1000000xf32, #tpu.memory_space<hbm>> -> memref<1000000xf32, #tpu.memory_space<hbm>>
    tpu.wait_indirect_dma semaphore(%arg16 : memref<!tpu.dma_semaphore, #tpu.memory_space<semaphore_mem>>) src(%dma_wait3A_66 : memref<1000000xf32, #tpu.memory_space<hbm>>) dst(%dma_wait3A_62 : memref<128xf32, #tpu.memory_space<vmem>>)
    %dma_wait3A_67 = arith.constant 128 : i32
    %dma_wait3A_68 = tpu.memref_slice %arg12[%dma_wait3A_67] : memref<512xf32, #tpu.memory_space<vmem>> -> memref<128xf32, #tpu.memory_space<vmem>>
    %dma_wait3A_69 = arith.constant 128 : i32
    %dma_wait3A_70 = tpu.memref_slice %arg10[%dma_wait3A_69] : memref<512xi32, #tpu.memory_space<vmem>> -> memref<128xi32, #tpu.memory_space<vmem>>
    %dma_wait3A_71 = arith.constant 0 : i32
    %dma_wait3A_72 = tpu.memref_slice %arg5[%dma_wait3A_71] : memref<1000000xf32, #tpu.memory_space<hbm>> -> memref<1000000xf32, #tpu.memory_space<hbm>>
    tpu.wait_indirect_dma semaphore(%arg16 : memref<!tpu.dma_semaphore, #tpu.memory_space<semaphore_mem>>) src(%dma_wait3A_72 : memref<1000000xf32, #tpu.memory_space<hbm>>) dst(%dma_wait3A_68 : memref<128xf32, #tpu.memory_space<vmem>>)
    %dma_wait3A_73 = arith.constant 256 : i32
    %dma_wait3A_74 = tpu.memref_slice %arg11[%dma_wait3A_73] : memref<512xf32, #tpu.memory_space<vmem>> -> memref<128xf32, #tpu.memory_space<vmem>>
    %dma_wait3A_75 = arith.constant 256 : i32
    %dma_wait3A_76 = tpu.memref_slice %arg9[%dma_wait3A_75] : memref<512xi32, #tpu.memory_space<vmem>> -> memref<128xi32, #tpu.memory_space<vmem>>
    %dma_wait3A_77 = arith.constant 0 : i32
    %dma_wait3A_78 = tpu.memref_slice %arg4[%dma_wait3A_77] : memref<1000000xf32, #tpu.memory_space<hbm>> -> memref<1000000xf32, #tpu.memory_space<hbm>>
    tpu.wait_indirect_dma semaphore(%arg16 : memref<!tpu.dma_semaphore, #tpu.memory_space<semaphore_mem>>) src(%dma_wait3A_78 : memref<1000000xf32, #tpu.memory_space<hbm>>) dst(%dma_wait3A_74 : memref<128xf32, #tpu.memory_space<vmem>>)
    %dma_wait3A_79 = arith.constant 256 : i32
    %dma_wait3A_80 = tpu.memref_slice %arg12[%dma_wait3A_79] : memref<512xf32, #tpu.memory_space<vmem>> -> memref<128xf32, #tpu.memory_space<vmem>>
    %dma_wait3A_81 = arith.constant 256 : i32
    %dma_wait3A_82 = tpu.memref_slice %arg10[%dma_wait3A_81] : memref<512xi32, #tpu.memory_space<vmem>> -> memref<128xi32, #tpu.memory_space<vmem>>
    %dma_wait3A_83 = arith.constant 0 : i32
    %dma_wait3A_84 = tpu.memref_slice %arg5[%dma_wait3A_83] : memref<1000000xf32, #tpu.memory_space<hbm>> -> memref<1000000xf32, #tpu.memory_space<hbm>>
    tpu.wait_indirect_dma semaphore(%arg16 : memref<!tpu.dma_semaphore, #tpu.memory_space<semaphore_mem>>) src(%dma_wait3A_84 : memref<1000000xf32, #tpu.memory_space<hbm>>) dst(%dma_wait3A_80 : memref<128xf32, #tpu.memory_space<vmem>>)
    %dma_wait3A_85 = arith.constant 384 : i32
    %dma_wait3A_86 = tpu.memref_slice %arg11[%dma_wait3A_85] : memref<512xf32, #tpu.memory_space<vmem>> -> memref<128xf32, #tpu.memory_space<vmem>>
    %dma_wait3A_87 = arith.constant 384 : i32
    %dma_wait3A_88 = tpu.memref_slice %arg9[%dma_wait3A_87] : memref<512xi32, #tpu.memory_space<vmem>> -> memref<128xi32, #tpu.memory_space<vmem>>
    %dma_wait3A_89 = arith.constant 0 : i32
    %dma_wait3A_90 = tpu.memref_slice %arg4[%dma_wait3A_89] : memref<1000000xf32, #tpu.memory_space<hbm>> -> memref<1000000xf32, #tpu.memory_space<hbm>>
    tpu.wait_indirect_dma semaphore(%arg16 : memref<!tpu.dma_semaphore, #tpu.memory_space<semaphore_mem>>) src(%dma_wait3A_90 : memref<1000000xf32, #tpu.memory_space<hbm>>) dst(%dma_wait3A_86 : memref<128xf32, #tpu.memory_space<vmem>>)
    %dma_wait3A_91 = arith.constant 384 : i32
    %dma_wait3A_92 = tpu.memref_slice %arg12[%dma_wait3A_91] : memref<512xf32, #tpu.memory_space<vmem>> -> memref<128xf32, #tpu.memory_space<vmem>>
    %dma_wait3A_93 = arith.constant 384 : i32
    %dma_wait3A_94 = tpu.memref_slice %arg10[%dma_wait3A_93] : memref<512xi32, #tpu.memory_space<vmem>> -> memref<128xi32, #tpu.memory_space<vmem>>
    %dma_wait3A_95 = arith.constant 0 : i32
    %dma_wait3A_96 = tpu.memref_slice %arg5[%dma_wait3A_95] : memref<1000000xf32, #tpu.memory_space<hbm>> -> memref<1000000xf32, #tpu.memory_space<hbm>>
    tpu.wait_indirect_dma semaphore(%arg16 : memref<!tpu.dma_semaphore, #tpu.memory_space<semaphore_mem>>) src(%dma_wait3A_96 : memref<1000000xf32, #tpu.memory_space<hbm>>) dst(%dma_wait3A_92 : memref<128xf32, #tpu.memory_space<vmem>>)
    %get3A = arith.constant 0 : index
    %get3A_97 = tpu.vector_load %arg13[%get3A] {strides = array<i32>} : memref<16xf32, #tpu.memory_space<vmem>>, vector<16xf32>,
    %scan3A = arith.constant 0 : i32
    %scan3A_98 = arith.constant 0 : i32
    %scan3A_99 = arith.constant 32 : i32
    %scan3A_100 = arith.addi %scan3A_98, %scan3A_99 : i32
    %scan3A_101 = arith.constant 1 : i32
    %scan3A_102 = scf.for %scan3A_104 = %scan3A_98 to %scan3A_100 step %scan3A_101 iter_args(%scan3A_105 = %scan3A) -> (i32)  : i32 {
      %mul3A_106 = arith.constant 16 : i32
      %mul3A_107 = arith.muli %scan3A_104, %mul3A_106 : i32
      %get3A_108 = arith.index_cast %mul3A_107 : i32 to index
      %get3A_109 = tpu.vector_load %arg14[%get3A_108] {strides = array<i32>} : memref<512xf32, #tpu.memory_space<vmem>>, vector<16xf32>,
      %get3A_110 = arith.index_cast %mul3A_107 : i32 to index
      %get3A_111 = tpu.vector_load %arg11[%get3A_110] {strides = array<i32>} : memref<512xf32, #tpu.memory_space<vmem>>, vector<16xf32>,
      %add3A_112 = arith.addf %get3A_109, %get3A_111 : vector<16xf32>
      %get3A_113 = arith.index_cast %mul3A_107 : i32 to index
      %get3A_114 = tpu.vector_load %arg12[%get3A_113] {strides = array<i32>} : memref<512xf32, #tpu.memory_space<vmem>>, vector<16xf32>,
      %add3A_115 = arith.addf %add3A_112, %get3A_114 : vector<16xf32>
      %add3A_116 = arith.addf %add3A_115, %get3A_97 : vector<16xf32>
      %swap3A = arith.index_cast %mul3A_107 : i32 to index
      %swap3A_117 = tpu.vector_load %arg15[%swap3A] {strides = array<i32>} : memref<512xf32, #tpu.memory_space<vmem>>, vector<16xf32>,
      tpu.vector_store %arg15[%swap3A], %add3A_116 {strides = array<i32>} : memref<512xf32, #tpu.memory_space<vmem>>, vector<16xf32>,
      %scan3A_118 = arith.constant 0 : i32
      scf.yield %scan3A_118 : i32
    }
    %scan3A_103 = arith.constant 32 : i32
    "tpu.region"() ({
      %run_scoped3A = tpu.sem_alloc : memref<!tpu.dma_semaphore, #tpu.memory_space<semaphore_mem>>
      %dma_start3A_104 = tpu.memref_slice %arg8[%mul3A_2] : memref<16384xf32, #tpu.memory_space<hbm>> -> memref<512xf32, #tpu.memory_space<hbm>>
      %dma_start3A_105 = tpu.memref_slice %arg8[%mul3A_2] : memref<16384xf32, #tpu.memory_space<hbm>> -> memref<512xf32, #tpu.memory_space<hbm>>
      tpu.enqueue_dma source(%arg15 : memref<512xf32, #tpu.memory_space<vmem>>) target(%dma_start3A_105 : memref<512xf32, #tpu.memory_space<hbm>>) target_semaphore(%run_scoped3A : memref<!tpu.dma_semaphore, #tpu.memory_space<semaphore_mem>>)
      %dma_wait3A_106 = tpu.memref_slice %arg8[%mul3A_2] : memref<16384xf32, #tpu.memory_space<hbm>> -> memref<512xf32, #tpu.memory_space<hbm>>
      %dma_wait3A_107 = tpu.memref_slice %arg8[%mul3A_2] : memref<16384xf32, #tpu.memory_space<hbm>> -> memref<512xf32, #tpu.memory_space<hbm>>
      tpu.wait_dma2 semaphore(%run_scoped3A : memref<!tpu.dma_semaphore, #tpu.memory_space<semaphore_mem>>) src(%arg15 : memref<512xf32, #tpu.memory_space<vmem>>) dst(%dma_wait3A_107 : memref<512xf32, #tpu.memory_space<hbm>>)
      tpu.yield
    }) : () -> ()
    return
  }
}

#map = affine_map<(d0, d1) -> (0)>
#map1 = affine_map<(d0, d1) -> (0, 0, 0)>
module attributes {stable_mosaic.version = 14 : i64} {
  func.func @_dots_kernel(%arg0: i32, %arg1: i32, %arg2: memref<16384xi32, #tpu.memory_space<hbm>>, %arg3: memref<16384xi32, #tpu.memory_space<hbm>>, %arg4: memref<2x8x1000000xf32, #tpu.memory_space<hbm>>, %arg5: memref<2x8x1000000xf32, #tpu.memory_space<hbm>>, %arg6: memref<16384xf32, #tpu.memory_space<hbm>>, %arg7: memref<528xi32, #tpu.memory_space<vmem>>, %arg8: memref<528xi32, #tpu.memory_space<vmem>>, %arg9: memref<528xf32, #tpu.memory_space<vmem>>, %arg10: memref<2x8x2x8x128xf32, #tpu.memory_space<vmem>>, %arg11: memref<2x8x2x8x128xf32, #tpu.memory_space<vmem>>, %arg12: memref<2x!tpu.dma_semaphore, #tpu.memory_space<semaphore_mem>>) attributes {dimension_semantics = [#tpu.dimension_semantics<core_parallel>, #tpu.dimension_semantics<subcore_parallel>], iteration_bounds = array<i64: 2, 16>, scalar_prefetch = 0 : i64, scratch_operands = 6 : i64, tpu.core_type = #tpu.core_type<sc_vector_subcore>, window_params = [{transform_indices = #map}, {transform_indices = #map}, {transform_indices = #map1}, {transform_indices = #map1}, {transform_indices = #map}]} {
    %mul3A = arith.constant 2 : i32
    %mul3A_0 = arith.muli %arg1, %mul3A : i32
    %add3A = arith.addi %mul3A_0, %arg0 : i32
    %mul3A_1 = arith.constant 512 : i32
    %mul3A_2 = arith.muli %add3A, %mul3A_1 : i32
    "tpu.region"() ({
      %run_scoped3A = tpu.sem_alloc : memref<!tpu.dma_semaphore, #tpu.memory_space<semaphore_mem>>
      %dma_start3A_405 = arith.constant 0 : i32
      %dma_start3A_406 = tpu.memref_slice %arg7[%dma_start3A_405] : memref<528xi32, #tpu.memory_space<vmem>> -> memref<512xi32, #tpu.memory_space<vmem>>
      %dma_start3A_407 = tpu.memref_slice %arg2[%mul3A_2] : memref<16384xi32, #tpu.memory_space<hbm>> -> memref<512xi32, #tpu.memory_space<hbm>>
      %dma_start3A_408 = arith.constant 0 : i32
      %dma_start3A_409 = tpu.memref_slice %arg7[%dma_start3A_408] : memref<528xi32, #tpu.memory_space<vmem>> -> memref<512xi32, #tpu.memory_space<vmem>>
      %dma_start3A_410 = tpu.memref_slice %arg2[%mul3A_2] : memref<16384xi32, #tpu.memory_space<hbm>> -> memref<512xi32, #tpu.memory_space<hbm>>
      tpu.enqueue_dma source(%dma_start3A_410 : memref<512xi32, #tpu.memory_space<hbm>>) target(%dma_start3A_409 : memref<512xi32, #tpu.memory_space<vmem>>) target_semaphore(%run_scoped3A : memref<!tpu.dma_semaphore, #tpu.memory_space<semaphore_mem>>)
      %dma_wait3A = arith.constant 0 : i32
      %dma_wait3A_411 = tpu.memref_slice %arg7[%dma_wait3A] : memref<528xi32, #tpu.memory_space<vmem>> -> memref<512xi32, #tpu.memory_space<vmem>>
      %dma_wait3A_412 = tpu.memref_slice %arg2[%mul3A_2] : memref<16384xi32, #tpu.memory_space<hbm>> -> memref<512xi32, #tpu.memory_space<hbm>>
      %dma_wait3A_413 = arith.constant 0 : i32
      %dma_wait3A_414 = tpu.memref_slice %arg7[%dma_wait3A_413] : memref<528xi32, #tpu.memory_space<vmem>> -> memref<512xi32, #tpu.memory_space<vmem>>
      %dma_wait3A_415 = tpu.memref_slice %arg2[%mul3A_2] : memref<16384xi32, #tpu.memory_space<hbm>> -> memref<512xi32, #tpu.memory_space<hbm>>
      tpu.wait_dma2 semaphore(%run_scoped3A : memref<!tpu.dma_semaphore, #tpu.memory_space<semaphore_mem>>) src(%dma_wait3A_415 : memref<512xi32, #tpu.memory_space<hbm>>) dst(%dma_wait3A_414 : memref<512xi32, #tpu.memory_space<vmem>>)
      tpu.yield
    }) : () -> ()
    "tpu.region"() ({
      %run_scoped3A = tpu.sem_alloc : memref<!tpu.dma_semaphore, #tpu.memory_space<semaphore_mem>>
      %dma_start3A_405 = arith.constant 0 : i32
      %dma_start3A_406 = tpu.memref_slice %arg8[%dma_start3A_405] : memref<528xi32, #tpu.memory_space<vmem>> -> memref<512xi32, #tpu.memory_space<vmem>>
      %dma_start3A_407 = tpu.memref_slice %arg3[%mul3A_2] : memref<16384xi32, #tpu.memory_space<hbm>> -> memref<512xi32, #tpu.memory_space<hbm>>
      %dma_start3A_408 = arith.constant 0 : i32
      %dma_start3A_409 = tpu.memref_slice %arg8[%dma_start3A_408] : memref<528xi32, #tpu.memory_space<vmem>> -> memref<512xi32, #tpu.memory_space<vmem>>
      %dma_start3A_410 = tpu.memref_slice %arg3[%mul3A_2] : memref<16384xi32, #tpu.memory_space<hbm>> -> memref<512xi32, #tpu.memory_space<hbm>>
      tpu.enqueue_dma source(%dma_start3A_410 : memref<512xi32, #tpu.memory_space<hbm>>) target(%dma_start3A_409 : memref<512xi32, #tpu.memory_space<vmem>>) target_semaphore(%run_scoped3A : memref<!tpu.dma_semaphore, #tpu.memory_space<semaphore_mem>>)
      %dma_wait3A = arith.constant 0 : i32
      %dma_wait3A_411 = tpu.memref_slice %arg8[%dma_wait3A] : memref<528xi32, #tpu.memory_space<vmem>> -> memref<512xi32, #tpu.memory_space<vmem>>
      %dma_wait3A_412 = tpu.memref_slice %arg3[%mul3A_2] : memref<16384xi32, #tpu.memory_space<hbm>> -> memref<512xi32, #tpu.memory_space<hbm>>
      %dma_wait3A_413 = arith.constant 0 : i32
      %dma_wait3A_414 = tpu.memref_slice %arg8[%dma_wait3A_413] : memref<528xi32, #tpu.memory_space<vmem>> -> memref<512xi32, #tpu.memory_space<vmem>>
      %dma_wait3A_415 = tpu.memref_slice %arg3[%mul3A_2] : memref<16384xi32, #tpu.memory_space<hbm>> -> memref<512xi32, #tpu.memory_space<hbm>>
      tpu.wait_dma2 semaphore(%run_scoped3A : memref<!tpu.dma_semaphore, #tpu.memory_space<semaphore_mem>>) src(%dma_wait3A_415 : memref<512xi32, #tpu.memory_space<hbm>>) dst(%dma_wait3A_414 : memref<512xi32, #tpu.memory_space<vmem>>)
      tpu.yield
    }) : () -> ()
    %get3A = arith.constant 0 : index
    %get3A_3 = tpu.vector_load %arg7[%get3A] {strides = array<i32>} : memref<528xi32, #tpu.memory_space<vmem>>, vector<16xi32>,
    %get3A_4 = arith.constant 0 : index
    %get3A_5 = tpu.vector_load %arg8[%get3A_4] {strides = array<i32>} : memref<528xi32, #tpu.memory_space<vmem>>, vector<16xi32>,
    %shift_right_arithmetic3A = arith.constant 7 : i32
    %shift_right_arithmetic3A_6 = vector.broadcast %shift_right_arithmetic3A : i32 to vector<16xi32>
    %shift_right_arithmetic3A_7 = arith.shrsi %get3A_3, %shift_right_arithmetic3A_6 : vector<16xi32>
    %shift_left3A = arith.constant 7 : i32
    %shift_left3A_8 = vector.broadcast %shift_left3A : i32 to vector<16xi32>
    %shift_left3A_9 = arith.shli %shift_right_arithmetic3A_7, %shift_left3A_8 : vector<16xi32>
    %shift_right_arithmetic3A_10 = arith.constant 7 : i32
    %shift_right_arithmetic3A_11 = vector.broadcast %shift_right_arithmetic3A_10 : i32 to vector<16xi32>
    %shift_right_arithmetic3A_12 = arith.shrsi %get3A_5, %shift_right_arithmetic3A_11 : vector<16xi32>
    %shift_left3A_13 = arith.constant 7 : i32
    %shift_left3A_14 = vector.broadcast %shift_left3A_13 : i32 to vector<16xi32>
    %shift_left3A_15 = arith.shli %shift_right_arithmetic3A_12, %shift_left3A_14 : vector<16xi32>
    %slice3A = vector.extract_strided_slice %shift_left3A_9 {offsets = [0], sizes = [1], strides = [1]} : vector<16xi32> to vector<1xi32>
    %squeeze3A = vector.extract %slice3A[0] : i32 from vector<1xi32>
    %multiple_of3A = tpu.assume_multiple %squeeze3A, 128 : i32
    %slice3A_16 = vector.extract_strided_slice %shift_left3A_15 {offsets = [0], sizes = [1], strides = [1]} : vector<16xi32> to vector<1xi32>
    %squeeze3A_17 = vector.extract %slice3A_16[0] : i32 from vector<1xi32>
    %multiple_of3A_18 = tpu.assume_multiple %squeeze3A_17, 128 : i32
    %dma_start3A = arith.constant 0 : i32
    %dma_start3A_19 = arith.constant 0 : i32
    %dma_start3A_20 = arith.constant 0 : i32
    %dma_start3A_21 = arith.constant 0 : i32
    %dma_start3A_22 = arith.constant 0 : i32
    %dma_start3A_23 = arith.constant 0 : i32
    %dma_start3A_24 = tpu.memref_slice %arg10[%dma_start3A, %dma_start3A_19, %dma_start3A_21, %dma_start3A_22, %dma_start3A_23] : memref<2x8x2x8x128xf32, #tpu.memory_space<vmem>> -> memref<1x1x2x8x128xf32, #tpu.memory_space<vmem>>
    %dma_start3A_25 = tpu.memref_squeeze %dma_start3A_24 : memref<1x1x2x8x128xf32, #tpu.memory_space<vmem>> -> memref<2x8x128xf32, #tpu.memory_space<vmem>>
    %dma_start3A_26 = arith.constant 0 : i32
    %dma_start3A_27 = arith.constant 0 : i32
    %dma_start3A_28 = tpu.memref_slice %arg4[%dma_start3A_26, %dma_start3A_27, %multiple_of3A] : memref<2x8x1000000xf32, #tpu.memory_space<hbm>> -> memref<2x8x128xf32, #tpu.memory_space<hbm>>
    %dma_start3A_29 = tpu.memref_slice %arg12[%dma_start3A_20] : memref<2x!tpu.dma_semaphore, #tpu.memory_space<semaphore_mem>> -> memref<1x!tpu.dma_semaphore, #tpu.memory_space<semaphore_mem>>
    %dma_start3A_30 = tpu.memref_squeeze %dma_start3A_29 : memref<1x!tpu.dma_semaphore, #tpu.memory_space<semaphore_mem>> -> memref<!tpu.dma_semaphore, #tpu.memory_space<semaphore_mem>>
    %dma_start3A_31 = arith.constant 0 : i32
    %dma_start3A_32 = arith.constant 0 : i32
    %dma_start3A_33 = arith.constant 0 : i32
    %dma_start3A_34 = tpu.memref_slice %arg10[%dma_start3A, %dma_start3A_19, %dma_start3A_31, %dma_start3A_32, %dma_start3A_33] : memref<2x8x2x8x128xf32, #tpu.memory_space<vmem>> -> memref<1x1x2x8x128xf32, #tpu.memory_space<vmem>>
    %dma_start3A_35 = tpu.memref_squeeze %dma_start3A_34 : memref<1x1x2x8x128xf32, #tpu.memory_space<vmem>> -> memref<2x8x128xf32, #tpu.memory_space<vmem>>
    %dma_start3A_36 = arith.constant 0 : i32
    %dma_start3A_37 = arith.constant 0 : i32
    %dma_start3A_38 = tpu.memref_slice %arg4[%dma_start3A_36, %dma_start3A_37, %multiple_of3A] : memref<2x8x1000000xf32, #tpu.memory_space<hbm>> -> memref<2x8x128xf32, #tpu.memory_space<hbm>>
    tpu.enqueue_dma source(%dma_start3A_38 : memref<2x8x128xf32, #tpu.memory_space<hbm>>) target(%dma_start3A_35 : memref<2x8x128xf32, #tpu.memory_space<vmem>>) target_semaphore(%dma_start3A_30 : memref<!tpu.dma_semaphore, #tpu.memory_space<semaphore_mem>>)
    %dma_start3A_39 = arith.constant 0 : i32
    %dma_start3A_40 = arith.constant 0 : i32
    %dma_start3A_41 = arith.constant 0 : i32
    %dma_start3A_42 = arith.constant 0 : i32
    %dma_start3A_43 = arith.constant 0 : i32
    %dma_start3A_44 = arith.constant 0 : i32
    %dma_start3A_45 = tpu.memref_slice %arg11[%dma_start3A_39, %dma_start3A_40, %dma_start3A_42, %dma_start3A_43, %dma_start3A_44] : memref<2x8x2x8x128xf32, #tpu.memory_space<vmem>> -> memref<1x1x2x8x128xf32, #tpu.memory_space<vmem>>
    %dma_start3A_46 = tpu.memref_squeeze %dma_start3A_45 : memref<1x1x2x8x128xf32, #tpu.memory_space<vmem>> -> memref<2x8x128xf32, #tpu.memory_space<vmem>>
    %dma_start3A_47 = arith.constant 0 : i32
    %dma_start3A_48 = arith.constant 0 : i32
    %dma_start3A_49 = tpu.memref_slice %arg5[%dma_start3A_47, %dma_start3A_48, %multiple_of3A_18] : memref<2x8x1000000xf32, #tpu.memory_space<hbm>> -> memref<2x8x128xf32, #tpu.memory_space<hbm>>
    %dma_start3A_50 = tpu.memref_slice %arg12[%dma_start3A_41] : memref<2x!tpu.dma_semaphore, #tpu.memory_space<semaphore_mem>> -> memref<1x!tpu.dma_semaphore, #tpu.memory_space<semaphore_mem>>
    %dma_start3A_51 = tpu.memref_squeeze %dma_start3A_50 : memref<1x!tpu.dma_semaphore, #tpu.memory_space<semaphore_mem>> -> memref<!tpu.dma_semaphore, #tpu.memory_space<semaphore_mem>>
    %dma_start3A_52 = arith.constant 0 : i32
    %dma_start3A_53 = arith.constant 0 : i32
    %dma_start3A_54 = arith.constant 0 : i32
    %dma_start3A_55 = tpu.memref_slice %arg11[%dma_start3A_39, %dma_start3A_40, %dma_start3A_52, %dma_start3A_53, %dma_start3A_54] : memref<2x8x2x8x128xf32, #tpu.memory_space<vmem>> -> memref<1x1x2x8x128xf32, #tpu.memory_space<vmem>>
    %dma_start3A_56 = tpu.memref_squeeze %dma_start3A_55 : memref<1x1x2x8x128xf32, #tpu.memory_space<vmem>> -> memref<2x8x128xf32, #tpu.memory_space<vmem>>
    %dma_start3A_57 = arith.constant 0 : i32
    %dma_start3A_58 = arith.constant 0 : i32
    %dma_start3A_59 = tpu.memref_slice %arg5[%dma_start3A_57, %dma_start3A_58, %multiple_of3A_18] : memref<2x8x1000000xf32, #tpu.memory_space<hbm>> -> memref<2x8x128xf32, #tpu.memory_space<hbm>>
    tpu.enqueue_dma source(%dma_start3A_59 : memref<2x8x128xf32, #tpu.memory_space<hbm>>) target(%dma_start3A_56 : memref<2x8x128xf32, #tpu.memory_space<vmem>>) target_semaphore(%dma_start3A_51 : memref<!tpu.dma_semaphore, #tpu.memory_space<semaphore_mem>>)
    %slice3A_60 = vector.extract_strided_slice %shift_left3A_9 {offsets = [1], sizes = [1], strides = [1]} : vector<16xi32> to vector<1xi32>
    %squeeze3A_61 = vector.extract %slice3A_60[0] : i32 from vector<1xi32>
    %multiple_of3A_62 = tpu.assume_multiple %squeeze3A_61, 128 : i32
    %slice3A_63 = vector.extract_strided_slice %shift_left3A_15 {offsets = [1], sizes = [1], strides = [1]} : vector<16xi32> to vector<1xi32>
    %squeeze3A_64 = vector.extract %slice3A_63[0] : i32 from vector<1xi32>
    %multiple_of3A_65 = tpu.assume_multiple %squeeze3A_64, 128 : i32
    %dma_start3A_66 = arith.constant 0 : i32
    %dma_start3A_67 = arith.constant 1 : i32
    %dma_start3A_68 = arith.constant 0 : i32
    %dma_start3A_69 = arith.constant 0 : i32
    %dma_start3A_70 = arith.constant 0 : i32
    %dma_start3A_71 = arith.constant 0 : i32
    %dma_start3A_72 = tpu.memref_slice %arg10[%dma_start3A_66, %dma_start3A_67, %dma_start3A_69, %dma_start3A_70, %dma_start3A_71] : memref<2x8x2x8x128xf32, #tpu.memory_space<vmem>> -> memref<1x1x2x8x128xf32, #tpu.memory_space<vmem>>
    %dma_start3A_73 = tpu.memref_squeeze %dma_start3A_72 : memref<1x1x2x8x128xf32, #tpu.memory_space<vmem>> -> memref<2x8x128xf32, #tpu.memory_space<vmem>>
    %dma_start3A_74 = arith.constant 0 : i32
    %dma_start3A_75 = arith.constant 0 : i32
    %dma_start3A_76 = tpu.memref_slice %arg4[%dma_start3A_74, %dma_start3A_75, %multiple_of3A_62] : memref<2x8x1000000xf32, #tpu.memory_space<hbm>> -> memref<2x8x128xf32, #tpu.memory_space<hbm>>
    %dma_start3A_77 = tpu.memref_slice %arg12[%dma_start3A_68] : memref<2x!tpu.dma_semaphore, #tpu.memory_space<semaphore_mem>> -> memref<1x!tpu.dma_semaphore, #tpu.memory_space<semaphore_mem>>
    %dma_start3A_78 = tpu.memref_squeeze %dma_start3A_77 : memref<1x!tpu.dma_semaphore, #tpu.memory_space<semaphore_mem>> -> memref<!tpu.dma_semaphore, #tpu.memory_space<semaphore_mem>>
    %dma_start3A_79 = arith.constant 0 : i32
    %dma_start3A_80 = arith.constant 0 : i32
    %dma_start3A_81 = arith.constant 0 : i32
    %dma_start3A_82 = tpu.memref_slice %arg10[%dma_start3A_66, %dma_start3A_67, %dma_start3A_79, %dma_start3A_80, %dma_start3A_81] : memref<2x8x2x8x128xf32, #tpu.memory_space<vmem>> -> memref<1x1x2x8x128xf32, #tpu.memory_space<vmem>>
    %dma_start3A_83 = tpu.memref_squeeze %dma_start3A_82 : memref<1x1x2x8x128xf32, #tpu.memory_space<vmem>> -> memref<2x8x128xf32, #tpu.memory_space<vmem>>
    %dma_start3A_84 = arith.constant 0 : i32
    %dma_start3A_85 = arith.constant 0 : i32
    %dma_start3A_86 = tpu.memref_slice %arg4[%dma_start3A_84, %dma_start3A_85, %multiple_of3A_62] : memref<2x8x1000000xf32, #tpu.memory_space<hbm>> -> memref<2x8x128xf32, #tpu.memory_space<hbm>>
    tpu.enqueue_dma source(%dma_start3A_86 : memref<2x8x128xf32, #tpu.memory_space<hbm>>) target(%dma_start3A_83 : memref<2x8x128xf32, #tpu.memory_space<vmem>>) target_semaphore(%dma_start3A_78 : memref<!tpu.dma_semaphore, #tpu.memory_space<semaphore_mem>>)
    %dma_start3A_87 = arith.constant 0 : i32
    %dma_start3A_88 = arith.constant 1 : i32
    %dma_start3A_89 = arith.constant 0 : i32
    %dma_start3A_90 = arith.constant 0 : i32
    %dma_start3A_91 = arith.constant 0 : i32
    %dma_start3A_92 = arith.constant 0 : i32
    %dma_start3A_93 = tpu.memref_slice %arg11[%dma_start3A_87, %dma_start3A_88, %dma_start3A_90, %dma_start3A_91, %dma_start3A_92] : memref<2x8x2x8x128xf32, #tpu.memory_space<vmem>> -> memref<1x1x2x8x128xf32, #tpu.memory_space<vmem>>
    %dma_start3A_94 = tpu.memref_squeeze %dma_start3A_93 : memref<1x1x2x8x128xf32, #tpu.memory_space<vmem>> -> memref<2x8x128xf32, #tpu.memory_space<vmem>>
    %dma_start3A_95 = arith.constant 0 : i32
    %dma_start3A_96 = arith.constant 0 : i32
    %dma_start3A_97 = tpu.memref_slice %arg5[%dma_start3A_95, %dma_start3A_96, %multiple_of3A_65] : memref<2x8x1000000xf32, #tpu.memory_space<hbm>> -> memref<2x8x128xf32, #tpu.memory_space<hbm>>
    %dma_start3A_98 = tpu.memref_slice %arg12[%dma_start3A_89] : memref<2x!tpu.dma_semaphore, #tpu.memory_space<semaphore_mem>> -> memref<1x!tpu.dma_semaphore, #tpu.memory_space<semaphore_mem>>
    %dma_start3A_99 = tpu.memref_squeeze %dma_start3A_98 : memref<1x!tpu.dma_semaphore, #tpu.memory_space<semaphore_mem>> -> memref<!tpu.dma_semaphore, #tpu.memory_space<semaphore_mem>>
    %dma_start3A_100 = arith.constant 0 : i32
    %dma_start3A_101 = arith.constant 0 : i32
    %dma_start3A_102 = arith.constant 0 : i32
    %dma_start3A_103 = tpu.memref_slice %arg11[%dma_start3A_87, %dma_start3A_88, %dma_start3A_100, %dma_start3A_101, %dma_start3A_102] : memref<2x8x2x8x128xf32, #tpu.memory_space<vmem>> -> memref<1x1x2x8x128xf32, #tpu.memory_space<vmem>>
    %dma_start3A_104 = tpu.memref_squeeze %dma_start3A_103 : memref<1x1x2x8x128xf32, #tpu.memory_space<vmem>> -> memref<2x8x128xf32, #tpu.memory_space<vmem>>
    %dma_start3A_105 = arith.constant 0 : i32
    %dma_start3A_106 = arith.constant 0 : i32
    %dma_start3A_107 = tpu.memref_slice %arg5[%dma_start3A_105, %dma_start3A_106, %multiple_of3A_65] : memref<2x8x1000000xf32, #tpu.memory_space<hbm>> -> memref<2x8x128xf32, #tpu.memory_space<hbm>>
    tpu.enqueue_dma source(%dma_start3A_107 : memref<2x8x128xf32, #tpu.memory_space<hbm>>) target(%dma_start3A_104 : memref<2x8x128xf32, #tpu.memory_space<vmem>>) target_semaphore(%dma_start3A_99 : memref<!tpu.dma_semaphore, #tpu.memory_space<semaphore_mem>>)
    %slice3A_108 = vector.extract_strided_slice %shift_left3A_9 {offsets = [2], sizes = [1], strides = [1]} : vector<16xi32> to vector<1xi32>
    %squeeze3A_109 = vector.extract %slice3A_108[0] : i32 from vector<1xi32>
    %multiple_of3A_110 = tpu.assume_multiple %squeeze3A_109, 128 : i32
    %slice3A_111 = vector.extract_strided_slice %shift_left3A_15 {offsets = [2], sizes = [1], strides = [1]} : vector<16xi32> to vector<1xi32>
    %squeeze3A_112 = vector.extract %slice3A_111[0] : i32 from vector<1xi32>
    %multiple_of3A_113 = tpu.assume_multiple %squeeze3A_112, 128 : i32
    %dma_start3A_114 = arith.constant 0 : i32
    %dma_start3A_115 = arith.constant 2 : i32
    %dma_start3A_116 = arith.constant 0 : i32
    %dma_start3A_117 = arith.constant 0 : i32
    %dma_start3A_118 = arith.constant 0 : i32
    %dma_start3A_119 = arith.constant 0 : i32
    %dma_start3A_120 = tpu.memref_slice %arg10[%dma_start3A_114, %dma_start3A_115, %dma_start3A_117, %dma_start3A_118, %dma_start3A_119] : memref<2x8x2x8x128xf32, #tpu.memory_space<vmem>> -> memref<1x1x2x8x128xf32, #tpu.memory_space<vmem>>
    %dma_start3A_121 = tpu.memref_squeeze %dma_start3A_120 : memref<1x1x2x8x128xf32, #tpu.memory_space<vmem>> -> memref<2x8x128xf32, #tpu.memory_space<vmem>>
    %dma_start3A_122 = arith.constant 0 : i32
    %dma_start3A_123 = arith.constant 0 : i32
    %dma_start3A_124 = tpu.memref_slice %arg4[%dma_start3A_122, %dma_start3A_123, %multiple_of3A_110] : memref<2x8x1000000xf32, #tpu.memory_space<hbm>> -> memref<2x8x128xf32, #tpu.memory_space<hbm>>
    %dma_start3A_125 = tpu.memref_slice %arg12[%dma_start3A_116] : memref<2x!tpu.dma_semaphore, #tpu.memory_space<semaphore_mem>> -> memref<1x!tpu.dma_semaphore, #tpu.memory_space<semaphore_mem>>
    %dma_start3A_126 = tpu.memref_squeeze %dma_start3A_125 : memref<1x!tpu.dma_semaphore, #tpu.memory_space<semaphore_mem>> -> memref<!tpu.dma_semaphore, #tpu.memory_space<semaphore_mem>>
    %dma_start3A_127 = arith.constant 0 : i32
    %dma_start3A_128 = arith.constant 0 : i32
    %dma_start3A_129 = arith.constant 0 : i32
    %dma_start3A_130 = tpu.memref_slice %arg10[%dma_start3A_114, %dma_start3A_115, %dma_start3A_127, %dma_start3A_128, %dma_start3A_129] : memref<2x8x2x8x128xf32, #tpu.memory_space<vmem>> -> memref<1x1x2x8x128xf32, #tpu.memory_space<vmem>>
    %dma_start3A_131 = tpu.memref_squeeze %dma_start3A_130 : memref<1x1x2x8x128xf32, #tpu.memory_space<vmem>> -> memref<2x8x128xf32, #tpu.memory_space<vmem>>
    %dma_start3A_132 = arith.constant 0 : i32
    %dma_start3A_133 = arith.constant 0 : i32
    %dma_start3A_134 = tpu.memref_slice %arg4[%dma_start3A_132, %dma_start3A_133, %multiple_of3A_110] : memref<2x8x1000000xf32, #tpu.memory_space<hbm>> -> memref<2x8x128xf32, #tpu.memory_space<hbm>>
    tpu.enqueue_dma source(%dma_start3A_134 : memref<2x8x128xf32, #tpu.memory_space<hbm>>) target(%dma_start3A_131 : memref<2x8x128xf32, #tpu.memory_space<vmem>>) target_semaphore(%dma_start3A_126 : memref<!tpu.dma_semaphore, #tpu.memory_space<semaphore_mem>>)
    %dma_start3A_135 = arith.constant 0 : i32
    %dma_start3A_136 = arith.constant 2 : i32
    %dma_start3A_137 = arith.constant 0 : i32
    %dma_start3A_138 = arith.constant 0 : i32
    %dma_start3A_139 = arith.constant 0 : i32
    %dma_start3A_140 = arith.constant 0 : i32
    %dma_start3A_141 = tpu.memref_slice %arg11[%dma_start3A_135, %dma_start3A_136, %dma_start3A_138, %dma_start3A_139, %dma_start3A_140] : memref<2x8x2x8x128xf32, #tpu.memory_space<vmem>> -> memref<1x1x2x8x128xf32, #tpu.memory_space<vmem>>
    %dma_start3A_142 = tpu.memref_squeeze %dma_start3A_141 : memref<1x1x2x8x128xf32, #tpu.memory_space<vmem>> -> memref<2x8x128xf32, #tpu.memory_space<vmem>>
    %dma_start3A_143 = arith.constant 0 : i32
    %dma_start3A_144 = arith.constant 0 : i32
    %dma_start3A_145 = tpu.memref_slice %arg5[%dma_start3A_143, %dma_start3A_144, %multiple_of3A_113] : memref<2x8x1000000xf32, #tpu.memory_space<hbm>> -> memref<2x8x128xf32, #tpu.memory_space<hbm>>
    %dma_start3A_146 = tpu.memref_slice %arg12[%dma_start3A_137] : memref<2x!tpu.dma_semaphore, #tpu.memory_space<semaphore_mem>> -> memref<1x!tpu.dma_semaphore, #tpu.memory_space<semaphore_mem>>
    %dma_start3A_147 = tpu.memref_squeeze %dma_start3A_146 : memref<1x!tpu.dma_semaphore, #tpu.memory_space<semaphore_mem>> -> memref<!tpu.dma_semaphore, #tpu.memory_space<semaphore_mem>>
    %dma_start3A_148 = arith.constant 0 : i32
    %dma_start3A_149 = arith.constant 0 : i32
    %dma_start3A_150 = arith.constant 0 : i32
    %dma_start3A_151 = tpu.memref_slice %arg11[%dma_start3A_135, %dma_start3A_136, %dma_start3A_148, %dma_start3A_149, %dma_start3A_150] : memref<2x8x2x8x128xf32, #tpu.memory_space<vmem>> -> memref<1x1x2x8x128xf32, #tpu.memory_space<vmem>>
    %dma_start3A_152 = tpu.memref_squeeze %dma_start3A_151 : memref<1x1x2x8x128xf32, #tpu.memory_space<vmem>> -> memref<2x8x128xf32, #tpu.memory_space<vmem>>
    %dma_start3A_153 = arith.constant 0 : i32
    %dma_start3A_154 = arith.constant 0 : i32
    %dma_start3A_155 = tpu.memref_slice %arg5[%dma_start3A_153, %dma_start3A_154, %multiple_of3A_113] : memref<2x8x1000000xf32, #tpu.memory_space<hbm>> -> memref<2x8x128xf32, #tpu.memory_space<hbm>>
    tpu.enqueue_dma source(%dma_start3A_155 : memref<2x8x128xf32, #tpu.memory_space<hbm>>) target(%dma_start3A_152 : memref<2x8x128xf32, #tpu.memory_space<vmem>>) target_semaphore(%dma_start3A_147 : memref<!tpu.dma_semaphore, #tpu.memory_space<semaphore_mem>>)
    %slice3A_156 = vector.extract_strided_slice %shift_left3A_9 {offsets = [3], sizes = [1], strides = [1]} : vector<16xi32> to vector<1xi32>
    %squeeze3A_157 = vector.extract %slice3A_156[0] : i32 from vector<1xi32>
    %multiple_of3A_158 = tpu.assume_multiple %squeeze3A_157, 128 : i32
    %slice3A_159 = vector.extract_strided_slice %shift_left3A_15 {offsets = [3], sizes = [1], strides = [1]} : vector<16xi32> to vector<1xi32>
    %squeeze3A_160 = vector.extract %slice3A_159[0] : i32 from vector<1xi32>
    %multiple_of3A_161 = tpu.assume_multiple %squeeze3A_160, 128 : i32
    %dma_start3A_162 = arith.constant 0 : i32
    %dma_start3A_163 = arith.constant 3 : i32
    %dma_start3A_164 = arith.constant 0 : i32
    %dma_start3A_165 = arith.constant 0 : i32
    %dma_start3A_166 = arith.constant 0 : i32
    %dma_start3A_167 = arith.constant 0 : i32
    %dma_start3A_168 = tpu.memref_slice %arg10[%dma_start3A_162, %dma_start3A_163, %dma_start3A_165, %dma_start3A_166, %dma_start3A_167] : memref<2x8x2x8x128xf32, #tpu.memory_space<vmem>> -> memref<1x1x2x8x128xf32, #tpu.memory_space<vmem>>
    %dma_start3A_169 = tpu.memref_squeeze %dma_start3A_168 : memref<1x1x2x8x128xf32, #tpu.memory_space<vmem>> -> memref<2x8x128xf32, #tpu.memory_space<vmem>>
    %dma_start3A_170 = arith.constant 0 : i32
    %dma_start3A_171 = arith.constant 0 : i32
    %dma_start3A_172 = tpu.memref_slice %arg4[%dma_start3A_170, %dma_start3A_171, %multiple_of3A_158] : memref<2x8x1000000xf32, #tpu.memory_space<hbm>> -> memref<2x8x128xf32, #tpu.memory_space<hbm>>
    %dma_start3A_173 = tpu.memref_slice %arg12[%dma_start3A_164] : memref<2x!tpu.dma_semaphore, #tpu.memory_space<semaphore_mem>> -> memref<1x!tpu.dma_semaphore, #tpu.memory_space<semaphore_mem>>
    %dma_start3A_174 = tpu.memref_squeeze %dma_start3A_173 : memref<1x!tpu.dma_semaphore, #tpu.memory_space<semaphore_mem>> -> memref<!tpu.dma_semaphore, #tpu.memory_space<semaphore_mem>>
    %dma_start3A_175 = arith.constant 0 : i32
    %dma_start3A_176 = arith.constant 0 : i32
    %dma_start3A_177 = arith.constant 0 : i32
    %dma_start3A_178 = tpu.memref_slice %arg10[%dma_start3A_162, %dma_start3A_163, %dma_start3A_175, %dma_start3A_176, %dma_start3A_177] : memref<2x8x2x8x128xf32, #tpu.memory_space<vmem>> -> memref<1x1x2x8x128xf32, #tpu.memory_space<vmem>>
    %dma_start3A_179 = tpu.memref_squeeze %dma_start3A_178 : memref<1x1x2x8x128xf32, #tpu.memory_space<vmem>> -> memref<2x8x128xf32, #tpu.memory_space<vmem>>
    %dma_start3A_180 = arith.constant 0 : i32
    %dma_start3A_181 = arith.constant 0 : i32
    %dma_start3A_182 = tpu.memref_slice %arg4[%dma_start3A_180, %dma_start3A_181, %multiple_of3A_158] : memref<2x8x1000000xf32, #tpu.memory_space<hbm>> -> memref<2x8x128xf32, #tpu.memory_space<hbm>>
    tpu.enqueue_dma source(%dma_start3A_182 : memref<2x8x128xf32, #tpu.memory_space<hbm>>) target(%dma_start3A_179 : memref<2x8x128xf32, #tpu.memory_space<vmem>>) target_semaphore(%dma_start3A_174 : memref<!tpu.dma_semaphore, #tpu.memory_space<semaphore_mem>>)
    %dma_start3A_183 = arith.constant 0 : i32
    %dma_start3A_184 = arith.constant 3 : i32
    %dma_start3A_185 = arith.constant 0 : i32
    %dma_start3A_186 = arith.constant 0 : i32
    %dma_start3A_187 = arith.constant 0 : i32
    %dma_start3A_188 = arith.constant 0 : i32
    %dma_start3A_189 = tpu.memref_slice %arg11[%dma_start3A_183, %dma_start3A_184, %dma_start3A_186, %dma_start3A_187, %dma_start3A_188] : memref<2x8x2x8x128xf32, #tpu.memory_space<vmem>> -> memref<1x1x2x8x128xf32, #tpu.memory_space<vmem>>
    %dma_start3A_190 = tpu.memref_squeeze %dma_start3A_189 : memref<1x1x2x8x128xf32, #tpu.memory_space<vmem>> -> memref<2x8x128xf32, #tpu.memory_space<vmem>>
    %dma_start3A_191 = arith.constant 0 : i32
    %dma_start3A_192 = arith.constant 0 : i32
    %dma_start3A_193 = tpu.memref_slice %arg5[%dma_start3A_191, %dma_start3A_192, %multiple_of3A_161] : memref<2x8x1000000xf32, #tpu.memory_space<hbm>> -> memref<2x8x128xf32, #tpu.memory_space<hbm>>
    %dma_start3A_194 = tpu.memref_slice %arg12[%dma_start3A_185] : memref<2x!tpu.dma_semaphore, #tpu.memory_space<semaphore_mem>> -> memref<1x!tpu.dma_semaphore, #tpu.memory_space<semaphore_mem>>
    %dma_start3A_195 = tpu.memref_squeeze %dma_start3A_194 : memref<1x!tpu.dma_semaphore, #tpu.memory_space<semaphore_mem>> -> memref<!tpu.dma_semaphore, #tpu.memory_space<semaphore_mem>>
    %dma_start3A_196 = arith.constant 0 : i32
    %dma_start3A_197 = arith.constant 0 : i32
    %dma_start3A_198 = arith.constant 0 : i32
    %dma_start3A_199 = tpu.memref_slice %arg11[%dma_start3A_183, %dma_start3A_184, %dma_start3A_196, %dma_start3A_197, %dma_start3A_198] : memref<2x8x2x8x128xf32, #tpu.memory_space<vmem>> -> memref<1x1x2x8x128xf32, #tpu.memory_space<vmem>>
    %dma_start3A_200 = tpu.memref_squeeze %dma_start3A_199 : memref<1x1x2x8x128xf32, #tpu.memory_space<vmem>> -> memref<2x8x128xf32, #tpu.memory_space<vmem>>
    %dma_start3A_201 = arith.constant 0 : i32
    %dma_start3A_202 = arith.constant 0 : i32
    %dma_start3A_203 = tpu.memref_slice %arg5[%dma_start3A_201, %dma_start3A_202, %multiple_of3A_161] : memref<2x8x1000000xf32, #tpu.memory_space<hbm>> -> memref<2x8x128xf32, #tpu.memory_space<hbm>>
    tpu.enqueue_dma source(%dma_start3A_203 : memref<2x8x128xf32, #tpu.memory_space<hbm>>) target(%dma_start3A_200 : memref<2x8x128xf32, #tpu.memory_space<vmem>>) target_semaphore(%dma_start3A_195 : memref<!tpu.dma_semaphore, #tpu.memory_space<semaphore_mem>>)
    %slice3A_204 = vector.extract_strided_slice %shift_left3A_9 {offsets = [4], sizes = [1], strides = [1]} : vector<16xi32> to vector<1xi32>
    %squeeze3A_205 = vector.extract %slice3A_204[0] : i32 from vector<1xi32>
    %multiple_of3A_206 = tpu.assume_multiple %squeeze3A_205, 128 : i32
    %slice3A_207 = vector.extract_strided_slice %shift_left3A_15 {offsets = [4], sizes = [1], strides = [1]} : vector<16xi32> to vector<1xi32>
    %squeeze3A_208 = vector.extract %slice3A_207[0] : i32 from vector<1xi32>
    %multiple_of3A_209 = tpu.assume_multiple %squeeze3A_208, 128 : i32
    %dma_start3A_210 = arith.constant 0 : i32
    %dma_start3A_211 = arith.constant 4 : i32
    %dma_start3A_212 = arith.constant 0 : i32
    %dma_start3A_213 = arith.constant 0 : i32
    %dma_start3A_214 = arith.constant 0 : i32
    %dma_start3A_215 = arith.constant 0 : i32
    %dma_start3A_216 = tpu.memref_slice %arg10[%dma_start3A_210, %dma_start3A_211, %dma_start3A_213, %dma_start3A_214, %dma_start3A_215] : memref<2x8x2x8x128xf32, #tpu.memory_space<vmem>> -> memref<1x1x2x8x128xf32, #tpu.memory_space<vmem>>
    %dma_start3A_217 = tpu.memref_squeeze %dma_start3A_216 : memref<1x1x2x8x128xf32, #tpu.memory_space<vmem>> -> memref<2x8x128xf32, #tpu.memory_space<vmem>>
    %dma_start3A_218 = arith.constant 0 : i32
    %dma_start3A_219 = arith.constant 0 : i32
    %dma_start3A_220 = tpu.memref_slice %arg4[%dma_start3A_218, %dma_start3A_219, %multiple_of3A_206] : memref<2x8x1000000xf32, #tpu.memory_space<hbm>> -> memref<2x8x128xf32, #tpu.memory_space<hbm>>
    %dma_start3A_221 = tpu.memref_slice %arg12[%dma_start3A_212] : memref<2x!tpu.dma_semaphore, #tpu.memory_space<semaphore_mem>> -> memref<1x!tpu.dma_semaphore, #tpu.memory_space<semaphore_mem>>
    %dma_start3A_222 = tpu.memref_squeeze %dma_start3A_221 : memref<1x!tpu.dma_semaphore, #tpu.memory_space<semaphore_mem>> -> memref<!tpu.dma_semaphore, #tpu.memory_space<semaphore_mem>>
    %dma_start3A_223 = arith.constant 0 : i32
    %dma_start3A_224 = arith.constant 0 : i32
    %dma_start3A_225 = arith.constant 0 : i32
    %dma_start3A_226 = tpu.memref_slice %arg10[%dma_start3A_210, %dma_start3A_211, %dma_start3A_223, %dma_start3A_224, %dma_start3A_225] : memref<2x8x2x8x128xf32, #tpu.memory_space<vmem>> -> memref<1x1x2x8x128xf32, #tpu.memory_space<vmem>>
    %dma_start3A_227 = tpu.memref_squeeze %dma_start3A_226 : memref<1x1x2x8x128xf32, #tpu.memory_space<vmem>> -> memref<2x8x128xf32, #tpu.memory_space<vmem>>
    %dma_start3A_228 = arith.constant 0 : i32
    %dma_start3A_229 = arith.constant 0 : i32
    %dma_start3A_230 = tpu.memref_slice %arg4[%dma_start3A_228, %dma_start3A_229, %multiple_of3A_206] : memref<2x8x1000000xf32, #tpu.memory_space<hbm>> -> memref<2x8x128xf32, #tpu.memory_space<hbm>>
    tpu.enqueue_dma source(%dma_start3A_230 : memref<2x8x128xf32, #tpu.memory_space<hbm>>) target(%dma_start3A_227 : memref<2x8x128xf32, #tpu.memory_space<vmem>>) target_semaphore(%dma_start3A_222 : memref<!tpu.dma_semaphore, #tpu.memory_space<semaphore_mem>>)
    %dma_start3A_231 = arith.constant 0 : i32
    %dma_start3A_232 = arith.constant 4 : i32
    %dma_start3A_233 = arith.constant 0 : i32
    %dma_start3A_234 = arith.constant 0 : i32
    %dma_start3A_235 = arith.constant 0 : i32
    %dma_start3A_236 = arith.constant 0 : i32
    %dma_start3A_237 = tpu.memref_slice %arg11[%dma_start3A_231, %dma_start3A_232, %dma_start3A_234, %dma_start3A_235, %dma_start3A_236] : memref<2x8x2x8x128xf32, #tpu.memory_space<vmem>> -> memref<1x1x2x8x128xf32, #tpu.memory_space<vmem>>
    %dma_start3A_238 = tpu.memref_squeeze %dma_start3A_237 : memref<1x1x2x8x128xf32, #tpu.memory_space<vmem>> -> memref<2x8x128xf32, #tpu.memory_space<vmem>>
    %dma_start3A_239 = arith.constant 0 : i32
    %dma_start3A_240 = arith.constant 0 : i32
    %dma_start3A_241 = tpu.memref_slice %arg5[%dma_start3A_239, %dma_start3A_240, %multiple_of3A_209] : memref<2x8x1000000xf32, #tpu.memory_space<hbm>> -> memref<2x8x128xf32, #tpu.memory_space<hbm>>
    %dma_start3A_242 = tpu.memref_slice %arg12[%dma_start3A_233] : memref<2x!tpu.dma_semaphore, #tpu.memory_space<semaphore_mem>> -> memref<1x!tpu.dma_semaphore, #tpu.memory_space<semaphore_mem>>
    %dma_start3A_243 = tpu.memref_squeeze %dma_start3A_242 : memref<1x!tpu.dma_semaphore, #tpu.memory_space<semaphore_mem>> -> memref<!tpu.dma_semaphore, #tpu.memory_space<semaphore_mem>>
    %dma_start3A_244 = arith.constant 0 : i32
    %dma_start3A_245 = arith.constant 0 : i32
    %dma_start3A_246 = arith.constant 0 : i32
    %dma_start3A_247 = tpu.memref_slice %arg11[%dma_start3A_231, %dma_start3A_232, %dma_start3A_244, %dma_start3A_245, %dma_start3A_246] : memref<2x8x2x8x128xf32, #tpu.memory_space<vmem>> -> memref<1x1x2x8x128xf32, #tpu.memory_space<vmem>>
    %dma_start3A_248 = tpu.memref_squeeze %dma_start3A_247 : memref<1x1x2x8x128xf32, #tpu.memory_space<vmem>> -> memref<2x8x128xf32, #tpu.memory_space<vmem>>
    %dma_start3A_249 = arith.constant 0 : i32
    %dma_start3A_250 = arith.constant 0 : i32
    %dma_start3A_251 = tpu.memref_slice %arg5[%dma_start3A_249, %dma_start3A_250, %multiple_of3A_209] : memref<2x8x1000000xf32, #tpu.memory_space<hbm>> -> memref<2x8x128xf32, #tpu.memory_space<hbm>>
    tpu.enqueue_dma source(%dma_start3A_251 : memref<2x8x128xf32, #tpu.memory_space<hbm>>) target(%dma_start3A_248 : memref<2x8x128xf32, #tpu.memory_space<vmem>>) target_semaphore(%dma_start3A_243 : memref<!tpu.dma_semaphore, #tpu.memory_space<semaphore_mem>>)
    %slice3A_252 = vector.extract_strided_slice %shift_left3A_9 {offsets = [5], sizes = [1], strides = [1]} : vector<16xi32> to vector<1xi32>
    %squeeze3A_253 = vector.extract %slice3A_252[0] : i32 from vector<1xi32>
    %multiple_of3A_254 = tpu.assume_multiple %squeeze3A_253, 128 : i32
    %slice3A_255 = vector.extract_strided_slice %shift_left3A_15 {offsets = [5], sizes = [1], strides = [1]} : vector<16xi32> to vector<1xi32>
    %squeeze3A_256 = vector.extract %slice3A_255[0] : i32 from vector<1xi32>
    %multiple_of3A_257 = tpu.assume_multiple %squeeze3A_256, 128 : i32
    %dma_start3A_258 = arith.constant 0 : i32
    %dma_start3A_259 = arith.constant 5 : i32
    %dma_start3A_260 = arith.constant 0 : i32
    %dma_start3A_261 = arith.constant 0 : i32
    %dma_start3A_262 = arith.constant 0 : i32
    %dma_start3A_263 = arith.constant 0 : i32
    %dma_start3A_264 = tpu.memref_slice %arg10[%dma_start3A_258, %dma_start3A_259, %dma_start3A_261, %dma_start3A_262, %dma_start3A_263] : memref<2x8x2x8x128xf32, #tpu.memory_space<vmem>> -> memref<1x1x2x8x128xf32, #tpu.memory_space<vmem>>
    %dma_start3A_265 = tpu.memref_squeeze %dma_start3A_264 : memref<1x1x2x8x128xf32, #tpu.memory_space<vmem>> -> memref<2x8x128xf32, #tpu.memory_space<vmem>>
    %dma_start3A_266 = arith.constant 0 : i32
    %dma_start3A_267 = arith.constant 0 : i32
    %dma_start3A_268 = tpu.memref_slice %arg4[%dma_start3A_266, %dma_start3A_267, %multiple_of3A_254] : memref<2x8x1000000xf32, #tpu.memory_space<hbm>> -> memref<2x8x128xf32, #tpu.memory_space<hbm>>
    %dma_start3A_269 = tpu.memref_slice %arg12[%dma_start3A_260] : memref<2x!tpu.dma_semaphore, #tpu.memory_space<semaphore_mem>> -> memref<1x!tpu.dma_semaphore, #tpu.memory_space<semaphore_mem>>
    %dma_start3A_270 = tpu.memref_squeeze %dma_start3A_269 : memref<1x!tpu.dma_semaphore, #tpu.memory_space<semaphore_mem>> -> memref<!tpu.dma_semaphore, #tpu.memory_space<semaphore_mem>>
    %dma_start3A_271 = arith.constant 0 : i32
    %dma_start3A_272 = arith.constant 0 : i32
    %dma_start3A_273 = arith.constant 0 : i32
    %dma_start3A_274 = tpu.memref_slice %arg10[%dma_start3A_258, %dma_start3A_259, %dma_start3A_271, %dma_start3A_272, %dma_start3A_273] : memref<2x8x2x8x128xf32, #tpu.memory_space<vmem>> -> memref<1x1x2x8x128xf32, #tpu.memory_space<vmem>>
    %dma_start3A_275 = tpu.memref_squeeze %dma_start3A_274 : memref<1x1x2x8x128xf32, #tpu.memory_space<vmem>> -> memref<2x8x128xf32, #tpu.memory_space<vmem>>
    %dma_start3A_276 = arith.constant 0 : i32
    %dma_start3A_277 = arith.constant 0 : i32
    %dma_start3A_278 = tpu.memref_slice %arg4[%dma_start3A_276, %dma_start3A_277, %multiple_of3A_254] : memref<2x8x1000000xf32, #tpu.memory_space<hbm>> -> memref<2x8x128xf32, #tpu.memory_space<hbm>>
    tpu.enqueue_dma source(%dma_start3A_278 : memref<2x8x128xf32, #tpu.memory_space<hbm>>) target(%dma_start3A_275 : memref<2x8x128xf32, #tpu.memory_space<vmem>>) target_semaphore(%dma_start3A_270 : memref<!tpu.dma_semaphore, #tpu.memory_space<semaphore_mem>>)
    %dma_start3A_279 = arith.constant 0 : i32
    %dma_start3A_280 = arith.constant 5 : i32
    %dma_start3A_281 = arith.constant 0 : i32
    %dma_start3A_282 = arith.constant 0 : i32
    %dma_start3A_283 = arith.constant 0 : i32
    %dma_start3A_284 = arith.constant 0 : i32
    %dma_start3A_285 = tpu.memref_slice %arg11[%dma_start3A_279, %dma_start3A_280, %dma_start3A_282, %dma_start3A_283, %dma_start3A_284] : memref<2x8x2x8x128xf32, #tpu.memory_space<vmem>> -> memref<1x1x2x8x128xf32, #tpu.memory_space<vmem>>
    %dma_start3A_286 = tpu.memref_squeeze %dma_start3A_285 : memref<1x1x2x8x128xf32, #tpu.memory_space<vmem>> -> memref<2x8x128xf32, #tpu.memory_space<vmem>>
    %dma_start3A_287 = arith.constant 0 : i32
    %dma_start3A_288 = arith.constant 0 : i32
    %dma_start3A_289 = tpu.memref_slice %arg5[%dma_start3A_287, %dma_start3A_288, %multiple_of3A_257] : memref<2x8x1000000xf32, #tpu.memory_space<hbm>> -> memref<2x8x128xf32, #tpu.memory_space<hbm>>
    %dma_start3A_290 = tpu.memref_slice %arg12[%dma_start3A_281] : memref<2x!tpu.dma_semaphore, #tpu.memory_space<semaphore_mem>> -> memref<1x!tpu.dma_semaphore, #tpu.memory_space<semaphore_mem>>
    %dma_start3A_291 = tpu.memref_squeeze %dma_start3A_290 : memref<1x!tpu.dma_semaphore, #tpu.memory_space<semaphore_mem>> -> memref<!tpu.dma_semaphore, #tpu.memory_space<semaphore_mem>>
    %dma_start3A_292 = arith.constant 0 : i32
    %dma_start3A_293 = arith.constant 0 : i32
    %dma_start3A_294 = arith.constant 0 : i32
    %dma_start3A_295 = tpu.memref_slice %arg11[%dma_start3A_279, %dma_start3A_280, %dma_start3A_292, %dma_start3A_293, %dma_start3A_294] : memref<2x8x2x8x128xf32, #tpu.memory_space<vmem>> -> memref<1x1x2x8x128xf32, #tpu.memory_space<vmem>>
    %dma_start3A_296 = tpu.memref_squeeze %dma_start3A_295 : memref<1x1x2x8x128xf32, #tpu.memory_space<vmem>> -> memref<2x8x128xf32, #tpu.memory_space<vmem>>
    %dma_start3A_297 = arith.constant 0 : i32
    %dma_start3A_298 = arith.constant 0 : i32
    %dma_start3A_299 = tpu.memref_slice %arg5[%dma_start3A_297, %dma_start3A_298, %multiple_of3A_257] : memref<2x8x1000000xf32, #tpu.memory_space<hbm>> -> memref<2x8x128xf32, #tpu.memory_space<hbm>>
    tpu.enqueue_dma source(%dma_start3A_299 : memref<2x8x128xf32, #tpu.memory_space<hbm>>) target(%dma_start3A_296 : memref<2x8x128xf32, #tpu.memory_space<vmem>>) target_semaphore(%dma_start3A_291 : memref<!tpu.dma_semaphore, #tpu.memory_space<semaphore_mem>>)
    %slice3A_300 = vector.extract_strided_slice %shift_left3A_9 {offsets = [6], sizes = [1], strides = [1]} : vector<16xi32> to vector<1xi32>
    %squeeze3A_301 = vector.extract %slice3A_300[0] : i32 from vector<1xi32>
    %multiple_of3A_302 = tpu.assume_multiple %squeeze3A_301, 128 : i32
    %slice3A_303 = vector.extract_strided_slice %shift_left3A_15 {offsets = [6], sizes = [1], strides = [1]} : vector<16xi32> to vector<1xi32>
    %squeeze3A_304 = vector.extract %slice3A_303[0] : i32 from vector<1xi32>
    %multiple_of3A_305 = tpu.assume_multiple %squeeze3A_304, 128 : i32
    %dma_start3A_306 = arith.constant 0 : i32
    %dma_start3A_307 = arith.constant 6 : i32
    %dma_start3A_308 = arith.constant 0 : i32
    %dma_start3A_309 = arith.constant 0 : i32
    %dma_start3A_310 = arith.constant 0 : i32
    %dma_start3A_311 = arith.constant 0 : i32
    %dma_start3A_312 = tpu.memref_slice %arg10[%dma_start3A_306, %dma_start3A_307, %dma_start3A_309, %dma_start3A_310, %dma_start3A_311] : memref<2x8x2x8x128xf32, #tpu.memory_space<vmem>> -> memref<1x1x2x8x128xf32, #tpu.memory_space<vmem>>
    %dma_start3A_313 = tpu.memref_squeeze %dma_start3A_312 : memref<1x1x2x8x128xf32, #tpu.memory_space<vmem>> -> memref<2x8x128xf32, #tpu.memory_space<vmem>>
    %dma_start3A_314 = arith.constant 0 : i32
    %dma_start3A_315 = arith.constant 0 : i32
    %dma_start3A_316 = tpu.memref_slice %arg4[%dma_start3A_314, %dma_start3A_315, %multiple_of3A_302] : memref<2x8x1000000xf32, #tpu.memory_space<hbm>> -> memref<2x8x128xf32, #tpu.memory_space<hbm>>
    %dma_start3A_317 = tpu.memref_slice %arg12[%dma_start3A_308] : memref<2x!tpu.dma_semaphore, #tpu.memory_space<semaphore_mem>> -> memref<1x!tpu.dma_semaphore, #tpu.memory_space<semaphore_mem>>
    %dma_start3A_318 = tpu.memref_squeeze %dma_start3A_317 : memref<1x!tpu.dma_semaphore, #tpu.memory_space<semaphore_mem>> -> memref<!tpu.dma_semaphore, #tpu.memory_space<semaphore_mem>>
    %dma_start3A_319 = arith.constant 0 : i32
    %dma_start3A_320 = arith.constant 0 : i32
    %dma_start3A_321 = arith.constant 0 : i32
    %dma_start3A_322 = tpu.memref_slice %arg10[%dma_start3A_306, %dma_start3A_307, %dma_start3A_319, %dma_start3A_320, %dma_start3A_321] : memref<2x8x2x8x128xf32, #tpu.memory_space<vmem>> -> memref<1x1x2x8x128xf32, #tpu.memory_space<vmem>>
    %dma_start3A_323 = tpu.memref_squeeze %dma_start3A_322 : memref<1x1x2x8x128xf32, #tpu.memory_space<vmem>> -> memref<2x8x128xf32, #tpu.memory_space<vmem>>
    %dma_start3A_324 = arith.constant 0 : i32
    %dma_start3A_325 = arith.constant 0 : i32
    %dma_start3A_326 = tpu.memref_slice %arg4[%dma_start3A_324, %dma_start3A_325, %multiple_of3A_302] : memref<2x8x1000000xf32, #tpu.memory_space<hbm>> -> memref<2x8x128xf32, #tpu.memory_space<hbm>>
    tpu.enqueue_dma source(%dma_start3A_326 : memref<2x8x128xf32, #tpu.memory_space<hbm>>) target(%dma_start3A_323 : memref<2x8x128xf32, #tpu.memory_space<vmem>>) target_semaphore(%dma_start3A_318 : memref<!tpu.dma_semaphore, #tpu.memory_space<semaphore_mem>>)
    %dma_start3A_327 = arith.constant 0 : i32
    %dma_start3A_328 = arith.constant 6 : i32
    %dma_start3A_329 = arith.constant 0 : i32
    %dma_start3A_330 = arith.constant 0 : i32
    %dma_start3A_331 = arith.constant 0 : i32
    %dma_start3A_332 = arith.constant 0 : i32
    %dma_start3A_333 = tpu.memref_slice %arg11[%dma_start3A_327, %dma_start3A_328, %dma_start3A_330, %dma_start3A_331, %dma_start3A_332] : memref<2x8x2x8x128xf32, #tpu.memory_space<vmem>> -> memref<1x1x2x8x128xf32, #tpu.memory_space<vmem>>
    %dma_start3A_334 = tpu.memref_squeeze %dma_start3A_333 : memref<1x1x2x8x128xf32, #tpu.memory_space<vmem>> -> memref<2x8x128xf32, #tpu.memory_space<vmem>>
    %dma_start3A_335 = arith.constant 0 : i32
    %dma_start3A_336 = arith.constant 0 : i32
    %dma_start3A_337 = tpu.memref_slice %arg5[%dma_start3A_335, %dma_start3A_336, %multiple_of3A_305] : memref<2x8x1000000xf32, #tpu.memory_space<hbm>> -> memref<2x8x128xf32, #tpu.memory_space<hbm>>
    %dma_start3A_338 = tpu.memref_slice %arg12[%dma_start3A_329] : memref<2x!tpu.dma_semaphore, #tpu.memory_space<semaphore_mem>> -> memref<1x!tpu.dma_semaphore, #tpu.memory_space<semaphore_mem>>
    %dma_start3A_339 = tpu.memref_squeeze %dma_start3A_338 : memref<1x!tpu.dma_semaphore, #tpu.memory_space<semaphore_mem>> -> memref<!tpu.dma_semaphore, #tpu.memory_space<semaphore_mem>>
    %dma_start3A_340 = arith.constant 0 : i32
    %dma_start3A_341 = arith.constant 0 : i32
    %dma_start3A_342 = arith.constant 0 : i32
    %dma_start3A_343 = tpu.memref_slice %arg11[%dma_start3A_327, %dma_start3A_328, %dma_start3A_340, %dma_start3A_341, %dma_start3A_342] : memref<2x8x2x8x128xf32, #tpu.memory_space<vmem>> -> memref<1x1x2x8x128xf32, #tpu.memory_space<vmem>>
    %dma_start3A_344 = tpu.memref_squeeze %dma_start3A_343 : memref<1x1x2x8x128xf32, #tpu.memory_space<vmem>> -> memref<2x8x128xf32, #tpu.memory_space<vmem>>
    %dma_start3A_345 = arith.constant 0 : i32
    %dma_start3A_346 = arith.constant 0 : i32
    %dma_start3A_347 = tpu.memref_slice %arg5[%dma_start3A_345, %dma_start3A_346, %multiple_of3A_305] : memref<2x8x1000000xf32, #tpu.memory_space<hbm>> -> memref<2x8x128xf32, #tpu.memory_space<hbm>>
    tpu.enqueue_dma source(%dma_start3A_347 : memref<2x8x128xf32, #tpu.memory_space<hbm>>) target(%dma_start3A_344 : memref<2x8x128xf32, #tpu.memory_space<vmem>>) target_semaphore(%dma_start3A_339 : memref<!tpu.dma_semaphore, #tpu.memory_space<semaphore_mem>>)
    %slice3A_348 = vector.extract_strided_slice %shift_left3A_9 {offsets = [7], sizes = [1], strides = [1]} : vector<16xi32> to vector<1xi32>
    %squeeze3A_349 = vector.extract %slice3A_348[0] : i32 from vector<1xi32>
    %multiple_of3A_350 = tpu.assume_multiple %squeeze3A_349, 128 : i32
    %slice3A_351 = vector.extract_strided_slice %shift_left3A_15 {offsets = [7], sizes = [1], strides = [1]} : vector<16xi32> to vector<1xi32>
    %squeeze3A_352 = vector.extract %slice3A_351[0] : i32 from vector<1xi32>
    %multiple_of3A_353 = tpu.assume_multiple %squeeze3A_352, 128 : i32
    %dma_start3A_354 = arith.constant 0 : i32
    %dma_start3A_355 = arith.constant 7 : i32
    %dma_start3A_356 = arith.constant 0 : i32
    %dma_start3A_357 = arith.constant 0 : i32
    %dma_start3A_358 = arith.constant 0 : i32
    %dma_start3A_359 = arith.constant 0 : i32
    %dma_start3A_360 = tpu.memref_slice %arg10[%dma_start3A_354, %dma_start3A_355, %dma_start3A_357, %dma_start3A_358, %dma_start3A_359] : memref<2x8x2x8x128xf32, #tpu.memory_space<vmem>> -> memref<1x1x2x8x128xf32, #tpu.memory_space<vmem>>
    %dma_start3A_361 = tpu.memref_squeeze %dma_start3A_360 : memref<1x1x2x8x128xf32, #tpu.memory_space<vmem>> -> memref<2x8x128xf32, #tpu.memory_space<vmem>>
    %dma_start3A_362 = arith.constant 0 : i32
    %dma_start3A_363 = arith.constant 0 : i32
    %dma_start3A_364 = tpu.memref_slice %arg4[%dma_start3A_362, %dma_start3A_363, %multiple_of3A_350] : memref<2x8x1000000xf32, #tpu.memory_space<hbm>> -> memref<2x8x128xf32, #tpu.memory_space<hbm>>
    %dma_start3A_365 = tpu.memref_slice %arg12[%dma_start3A_356] : memref<2x!tpu.dma_semaphore, #tpu.memory_space<semaphore_mem>> -> memref<1x!tpu.dma_semaphore, #tpu.memory_space<semaphore_mem>>
    %dma_start3A_366 = tpu.memref_squeeze %dma_start3A_365 : memref<1x!tpu.dma_semaphore, #tpu.memory_space<semaphore_mem>> -> memref<!tpu.dma_semaphore, #tpu.memory_space<semaphore_mem>>
    %dma_start3A_367 = arith.constant 0 : i32
    %dma_start3A_368 = arith.constant 0 : i32
    %dma_start3A_369 = arith.constant 0 : i32
    %dma_start3A_370 = tpu.memref_slice %arg10[%dma_start3A_354, %dma_start3A_355, %dma_start3A_367, %dma_start3A_368, %dma_start3A_369] : memref<2x8x2x8x128xf32, #tpu.memory_space<vmem>> -> memref<1x1x2x8x128xf32, #tpu.memory_space<vmem>>
    %dma_start3A_371 = tpu.memref_squeeze %dma_start3A_370 : memref<1x1x2x8x128xf32, #tpu.memory_space<vmem>> -> memref<2x8x128xf32, #tpu.memory_space<vmem>>
    %dma_start3A_372 = arith.constant 0 : i32
    %dma_start3A_373 = arith.constant 0 : i32
    %dma_start3A_374 = tpu.memref_slice %arg4[%dma_start3A_372, %dma_start3A_373, %multiple_of3A_350] : memref<2x8x1000000xf32, #tpu.memory_space<hbm>> -> memref<2x8x128xf32, #tpu.memory_space<hbm>>
    tpu.enqueue_dma source(%dma_start3A_374 : memref<2x8x128xf32, #tpu.memory_space<hbm>>) target(%dma_start3A_371 : memref<2x8x128xf32, #tpu.memory_space<vmem>>) target_semaphore(%dma_start3A_366 : memref<!tpu.dma_semaphore, #tpu.memory_space<semaphore_mem>>)
    %dma_start3A_375 = arith.constant 0 : i32
    %dma_start3A_376 = arith.constant 7 : i32
    %dma_start3A_377 = arith.constant 0 : i32
    %dma_start3A_378 = arith.constant 0 : i32
    %dma_start3A_379 = arith.constant 0 : i32
    %dma_start3A_380 = arith.constant 0 : i32
    %dma_start3A_381 = tpu.memref_slice %arg11[%dma_start3A_375, %dma_start3A_376, %dma_start3A_378, %dma_start3A_379, %dma_start3A_380] : memref<2x8x2x8x128xf32, #tpu.memory_space<vmem>> -> memref<1x1x2x8x128xf32, #tpu.memory_space<vmem>>
    %dma_start3A_382 = tpu.memref_squeeze %dma_start3A_381 : memref<1x1x2x8x128xf32, #tpu.memory_space<vmem>> -> memref<2x8x128xf32, #tpu.memory_space<vmem>>
    %dma_start3A_383 = arith.constant 0 : i32
    %dma_start3A_384 = arith.constant 0 : i32
    %dma_start3A_385 = tpu.memref_slice %arg5[%dma_start3A_383, %dma_start3A_384, %multiple_of3A_353] : memref<2x8x1000000xf32, #tpu.memory_space<hbm>> -> memref<2x8x128xf32, #tpu.memory_space<hbm>>
    %dma_start3A_386 = tpu.memref_slice %arg12[%dma_start3A_377] : memref<2x!tpu.dma_semaphore, #tpu.memory_space<semaphore_mem>> -> memref<1x!tpu.dma_semaphore, #tpu.memory_space<semaphore_mem>>
    %dma_start3A_387 = tpu.memref_squeeze %dma_start3A_386 : memref<1x!tpu.dma_semaphore, #tpu.memory_space<semaphore_mem>> -> memref<!tpu.dma_semaphore, #tpu.memory_space<semaphore_mem>>
    %dma_start3A_388 = arith.constant 0 : i32
    %dma_start3A_389 = arith.constant 0 : i32
    %dma_start3A_390 = arith.constant 0 : i32
    %dma_start3A_391 = tpu.memref_slice %arg11[%dma_start3A_375, %dma_start3A_376, %dma_start3A_388, %dma_start3A_389, %dma_start3A_390] : memref<2x8x2x8x128xf32, #tpu.memory_space<vmem>> -> memref<1x1x2x8x128xf32, #tpu.memory_space<vmem>>
    %dma_start3A_392 = tpu.memref_squeeze %dma_start3A_391 : memref<1x1x2x8x128xf32, #tpu.memory_space<vmem>> -> memref<2x8x128xf32, #tpu.memory_space<vmem>>
    %dma_start3A_393 = arith.constant 0 : i32
    %dma_start3A_394 = arith.constant 0 : i32
    %dma_start3A_395 = tpu.memref_slice %arg5[%dma_start3A_393, %dma_start3A_394, %multiple_of3A_353] : memref<2x8x1000000xf32, #tpu.memory_space<hbm>> -> memref<2x8x128xf32, #tpu.memory_space<hbm>>
    tpu.enqueue_dma source(%dma_start3A_395 : memref<2x8x128xf32, #tpu.memory_space<hbm>>) target(%dma_start3A_392 : memref<2x8x128xf32, #tpu.memory_space<vmem>>) target_semaphore(%dma_start3A_387 : memref<!tpu.dma_semaphore, #tpu.memory_space<semaphore_mem>>)
    %iota3A = tpu.iota {dimensions = array<i32: 0>} : vector<16xi32>
    %and3A = arith.constant 7 : i32
    %and3A_396 = vector.broadcast %and3A : i32 to vector<16xi32>
    %and3A_397 = arith.andi %iota3A, %and3A_396 : vector<16xi32>
    %broadcast_in_dim3A = arith.constant 0.000000e+00 : f32
    %broadcast_in_dim3A_398 = vector.broadcast %broadcast_in_dim3A : f32 to vector<16xf32>
    %scan3A = arith.constant 0 : i32
    %scan3A_399 = arith.constant 0 : i32
    %scan3A_400 = arith.constant 64 : i32
    %scan3A_401 = arith.addi %scan3A_399, %scan3A_400 : i32
    %scan3A_402 = arith.constant 1 : i32
    %scan3A_403 = scf.for %scan3A_405 = %scan3A_399 to %scan3A_401 step %scan3A_402 iter_args(%scan3A_406 = %scan3A) -> (i32)  : i32 {
      %and3A_407 = arith.constant 1 : i32
      %and3A_408 = arith.andi %scan3A_405, %and3A_407 : i32
      %add3A_409 = arith.constant 1 : i32
      %add3A_410 = arith.addi %scan3A_405, %add3A_409 : i32
      %lt3A = arith.constant 64 : i32
      %lt3A_411 = arith.cmpi slt, %add3A_410, %lt3A : i32
      %convert_element_type3A = arith.extui %lt3A_411 : i1 to i32
      %cond3A = arith.constant 0 : i32
      %cond3A_412 = arith.cmpi ne, %convert_element_type3A, %cond3A : i32
      scf.if %cond3A_412 {
        %add3A_890 = arith.constant 1 : i32
        %add3A_891 = arith.addi %scan3A_405, %add3A_890 : i32
        %xor3A = arith.constant 1 : i32
        %xor3A_892 = arith.xori %and3A_408, %xor3A : i32
        %mul3A_893 = arith.constant 8 : i32
        %mul3A_894 = arith.muli %add3A_891, %mul3A_893 : i32
        %get3A_895 = arith.index_cast %mul3A_894 : i32 to index
        %get3A_896 = tpu.vector_load %arg7[%get3A_895] {strides = array<i32>} : memref<528xi32, #tpu.memory_space<vmem>>, vector<16xi32>,
        %mul3A_897 = arith.constant 8 : i32
        %mul3A_898 = arith.muli %add3A_891, %mul3A_897 : i32
        %get3A_899 = arith.index_cast %mul3A_898 : i32 to index
        %get3A_900 = tpu.vector_load %arg8[%get3A_899] {strides = array<i32>} : memref<528xi32, #tpu.memory_space<vmem>>, vector<16xi32>,
        %shift_right_arithmetic3A_901 = arith.constant 7 : i32
        %shift_right_arithmetic3A_902 = vector.broadcast %shift_right_arithmetic3A_901 : i32 to vector<16xi32>
        %shift_right_arithmetic3A_903 = arith.shrsi %get3A_896, %shift_right_arithmetic3A_902 : vector<16xi32>
        %shift_left3A_904 = arith.constant 7 : i32
        %shift_left3A_905 = vector.broadcast %shift_left3A_904 : i32 to vector<16xi32>
        %shift_left3A_906 = arith.shli %shift_right_arithmetic3A_903, %shift_left3A_905 : vector<16xi32>
        %shift_right_arithmetic3A_907 = arith.constant 7 : i32
        %shift_right_arithmetic3A_908 = vector.broadcast %shift_right_arithmetic3A_907 : i32 to vector<16xi32>
        %shift_right_arithmetic3A_909 = arith.shrsi %get3A_900, %shift_right_arithmetic3A_908 : vector<16xi32>
        %shift_left3A_910 = arith.constant 7 : i32
        %shift_left3A_911 = vector.broadcast %shift_left3A_910 : i32 to vector<16xi32>
        %shift_left3A_912 = arith.shli %shift_right_arithmetic3A_909, %shift_left3A_911 : vector<16xi32>
        %slice3A_913 = vector.extract_strided_slice %shift_left3A_906 {offsets = [0], sizes = [1], strides = [1]} : vector<16xi32> to vector<1xi32>
        %squeeze3A_914 = vector.extract %slice3A_913[0] : i32 from vector<1xi32>
        %multiple_of3A_915 = tpu.assume_multiple %squeeze3A_914, 128 : i32
        %slice3A_916 = vector.extract_strided_slice %shift_left3A_912 {offsets = [0], sizes = [1], strides = [1]} : vector<16xi32> to vector<1xi32>
        %squeeze3A_917 = vector.extract %slice3A_916[0] : i32 from vector<1xi32>
        %multiple_of3A_918 = tpu.assume_multiple %squeeze3A_917, 128 : i32
        %dma_start3A_919 = arith.constant 0 : i32
        %dma_start3A_920 = arith.constant 0 : i32
        %dma_start3A_921 = arith.constant 0 : i32
        %dma_start3A_922 = arith.constant 0 : i32
        %dma_start3A_923 = tpu.memref_slice %arg10[%xor3A_892, %dma_start3A_919, %dma_start3A_920, %dma_start3A_921, %dma_start3A_922] : memref<2x8x2x8x128xf32, #tpu.memory_space<vmem>> -> memref<1x1x2x8x128xf32, #tpu.memory_space<vmem>>
        %dma_start3A_924 = tpu.memref_squeeze %dma_start3A_923 : memref<1x1x2x8x128xf32, #tpu.memory_space<vmem>> -> memref<2x8x128xf32, #tpu.memory_space<vmem>>
        %dma_start3A_925 = arith.constant 0 : i32
        %dma_start3A_926 = arith.constant 0 : i32
        %dma_start3A_927 = tpu.memref_slice %arg4[%dma_start3A_925, %dma_start3A_926, %multiple_of3A_915] : memref<2x8x1000000xf32, #tpu.memory_space<hbm>> -> memref<2x8x128xf32, #tpu.memory_space<hbm>>
        %dma_start3A_928 = tpu.memref_slice %arg12[%xor3A_892] : memref<2x!tpu.dma_semaphore, #tpu.memory_space<semaphore_mem>> -> memref<1x!tpu.dma_semaphore, #tpu.memory_space<semaphore_mem>>
        %dma_start3A_929 = tpu.memref_squeeze %dma_start3A_928 : memref<1x!tpu.dma_semaphore, #tpu.memory_space<semaphore_mem>> -> memref<!tpu.dma_semaphore, #tpu.memory_space<semaphore_mem>>
        %dma_start3A_930 = arith.constant 0 : i32
        %dma_start3A_931 = arith.constant 0 : i32
        %dma_start3A_932 = arith.constant 0 : i32
        %dma_start3A_933 = tpu.memref_slice %arg10[%xor3A_892, %dma_start3A_919, %dma_start3A_930, %dma_start3A_931, %dma_start3A_932] : memref<2x8x2x8x128xf32, #tpu.memory_space<vmem>> -> memref<1x1x2x8x128xf32, #tpu.memory_space<vmem>>
        %dma_start3A_934 = tpu.memref_squeeze %dma_start3A_933 : memref<1x1x2x8x128xf32, #tpu.memory_space<vmem>> -> memref<2x8x128xf32, #tpu.memory_space<vmem>>
        %dma_start3A_935 = arith.constant 0 : i32
        %dma_start3A_936 = arith.constant 0 : i32
        %dma_start3A_937 = tpu.memref_slice %arg4[%dma_start3A_935, %dma_start3A_936, %multiple_of3A_915] : memref<2x8x1000000xf32, #tpu.memory_space<hbm>> -> memref<2x8x128xf32, #tpu.memory_space<hbm>>
        tpu.enqueue_dma source(%dma_start3A_937 : memref<2x8x128xf32, #tpu.memory_space<hbm>>) target(%dma_start3A_934 : memref<2x8x128xf32, #tpu.memory_space<vmem>>) target_semaphore(%dma_start3A_929 : memref<!tpu.dma_semaphore, #tpu.memory_space<semaphore_mem>>)
        %dma_start3A_938 = arith.constant 0 : i32
        %dma_start3A_939 = arith.constant 0 : i32
        %dma_start3A_940 = arith.constant 0 : i32
        %dma_start3A_941 = arith.constant 0 : i32
        %dma_start3A_942 = tpu.memref_slice %arg11[%xor3A_892, %dma_start3A_938, %dma_start3A_939, %dma_start3A_940, %dma_start3A_941] : memref<2x8x2x8x128xf32, #tpu.memory_space<vmem>> -> memref<1x1x2x8x128xf32, #tpu.memory_space<vmem>>
        %dma_start3A_943 = tpu.memref_squeeze %dma_start3A_942 : memref<1x1x2x8x128xf32, #tpu.memory_space<vmem>> -> memref<2x8x128xf32, #tpu.memory_space<vmem>>
        %dma_start3A_944 = arith.constant 0 : i32
        %dma_start3A_945 = arith.constant 0 : i32
        %dma_start3A_946 = tpu.memref_slice %arg5[%dma_start3A_944, %dma_start3A_945, %multiple_of3A_918] : memref<2x8x1000000xf32, #tpu.memory_space<hbm>> -> memref<2x8x128xf32, #tpu.memory_space<hbm>>
        %dma_start3A_947 = tpu.memref_slice %arg12[%xor3A_892] : memref<2x!tpu.dma_semaphore, #tpu.memory_space<semaphore_mem>> -> memref<1x!tpu.dma_semaphore, #tpu.memory_space<semaphore_mem>>
        %dma_start3A_948 = tpu.memref_squeeze %dma_start3A_947 : memref<1x!tpu.dma_semaphore, #tpu.memory_space<semaphore_mem>> -> memref<!tpu.dma_semaphore, #tpu.memory_space<semaphore_mem>>
        %dma_start3A_949 = arith.constant 0 : i32
        %dma_start3A_950 = arith.constant 0 : i32
        %dma_start3A_951 = arith.constant 0 : i32
        %dma_start3A_952 = tpu.memref_slice %arg11[%xor3A_892, %dma_start3A_938, %dma_start3A_949, %dma_start3A_950, %dma_start3A_951] : memref<2x8x2x8x128xf32, #tpu.memory_space<vmem>> -> memref<1x1x2x8x128xf32, #tpu.memory_space<vmem>>
        %dma_start3A_953 = tpu.memref_squeeze %dma_start3A_952 : memref<1x1x2x8x128xf32, #tpu.memory_space<vmem>> -> memref<2x8x128xf32, #tpu.memory_space<vmem>>
        %dma_start3A_954 = arith.constant 0 : i32
        %dma_start3A_955 = arith.constant 0 : i32
        %dma_start3A_956 = tpu.memref_slice %arg5[%dma_start3A_954, %dma_start3A_955, %multiple_of3A_918] : memref<2x8x1000000xf32, #tpu.memory_space<hbm>> -> memref<2x8x128xf32, #tpu.memory_space<hbm>>
        tpu.enqueue_dma source(%dma_start3A_956 : memref<2x8x128xf32, #tpu.memory_space<hbm>>) target(%dma_start3A_953 : memref<2x8x128xf32, #tpu.memory_space<vmem>>) target_semaphore(%dma_start3A_948 : memref<!tpu.dma_semaphore, #tpu.memory_space<semaphore_mem>>)
        %slice3A_957 = vector.extract_strided_slice %shift_left3A_906 {offsets = [1], sizes = [1], strides = [1]} : vector<16xi32> to vector<1xi32>
        %squeeze3A_958 = vector.extract %slice3A_957[0] : i32 from vector<1xi32>
        %multiple_of3A_959 = tpu.assume_multiple %squeeze3A_958, 128 : i32
        %slice3A_960 = vector.extract_strided_slice %shift_left3A_912 {offsets = [1], sizes = [1], strides = [1]} : vector<16xi32> to vector<1xi32>
        %squeeze3A_961 = vector.extract %slice3A_960[0] : i32 from vector<1xi32>
        %multiple_of3A_962 = tpu.assume_multiple %squeeze3A_961, 128 : i32
        %dma_start3A_963 = arith.constant 1 : i32
        %dma_start3A_964 = arith.constant 0 : i32
        %dma_start3A_965 = arith.constant 0 : i32
        %dma_start3A_966 = arith.constant 0 : i32
        %dma_start3A_967 = tpu.memref_slice %arg10[%xor3A_892, %dma_start3A_963, %dma_start3A_964, %dma_start3A_965, %dma_start3A_966] : memref<2x8x2x8x128xf32, #tpu.memory_space<vmem>> -> memref<1x1x2x8x128xf32, #tpu.memory_space<vmem>>
        %dma_start3A_968 = tpu.memref_squeeze %dma_start3A_967 : memref<1x1x2x8x128xf32, #tpu.memory_space<vmem>> -> memref<2x8x128xf32, #tpu.memory_space<vmem>>
        %dma_start3A_969 = arith.constant 0 : i32
        %dma_start3A_970 = arith.constant 0 : i32
        %dma_start3A_971 = tpu.memref_slice %arg4[%dma_start3A_969, %dma_start3A_970, %multiple_of3A_959] : memref<2x8x1000000xf32, #tpu.memory_space<hbm>> -> memref<2x8x128xf32, #tpu.memory_space<hbm>>
        %dma_start3A_972 = tpu.memref_slice %arg12[%xor3A_892] : memref<2x!tpu.dma_semaphore, #tpu.memory_space<semaphore_mem>> -> memref<1x!tpu.dma_semaphore, #tpu.memory_space<semaphore_mem>>
        %dma_start3A_973 = tpu.memref_squeeze %dma_start3A_972 : memref<1x!tpu.dma_semaphore, #tpu.memory_space<semaphore_mem>> -> memref<!tpu.dma_semaphore, #tpu.memory_space<semaphore_mem>>
        %dma_start3A_974 = arith.constant 0 : i32
        %dma_start3A_975 = arith.constant 0 : i32
        %dma_start3A_976 = arith.constant 0 : i32
        %dma_start3A_977 = tpu.memref_slice %arg10[%xor3A_892, %dma_start3A_963, %dma_start3A_974, %dma_start3A_975, %dma_start3A_976] : memref<2x8x2x8x128xf32, #tpu.memory_space<vmem>> -> memref<1x1x2x8x128xf32, #tpu.memory_space<vmem>>
        %dma_start3A_978 = tpu.memref_squeeze %dma_start3A_977 : memref<1x1x2x8x128xf32, #tpu.memory_space<vmem>> -> memref<2x8x128xf32, #tpu.memory_space<vmem>>
        %dma_start3A_979 = arith.constant 0 : i32
        %dma_start3A_980 = arith.constant 0 : i32
        %dma_start3A_981 = tpu.memref_slice %arg4[%dma_start3A_979, %dma_start3A_980, %multiple_of3A_959] : memref<2x8x1000000xf32, #tpu.memory_space<hbm>> -> memref<2x8x128xf32, #tpu.memory_space<hbm>>
        tpu.enqueue_dma source(%dma_start3A_981 : memref<2x8x128xf32, #tpu.memory_space<hbm>>) target(%dma_start3A_978 : memref<2x8x128xf32, #tpu.memory_space<vmem>>) target_semaphore(%dma_start3A_973 : memref<!tpu.dma_semaphore, #tpu.memory_space<semaphore_mem>>)
        %dma_start3A_982 = arith.constant 1 : i32
        %dma_start3A_983 = arith.constant 0 : i32
        %dma_start3A_984 = arith.constant 0 : i32
        %dma_start3A_985 = arith.constant 0 : i32
        %dma_start3A_986 = tpu.memref_slice %arg11[%xor3A_892, %dma_start3A_982, %dma_start3A_983, %dma_start3A_984, %dma_start3A_985] : memref<2x8x2x8x128xf32, #tpu.memory_space<vmem>> -> memref<1x1x2x8x128xf32, #tpu.memory_space<vmem>>
        %dma_start3A_987 = tpu.memref_squeeze %dma_start3A_986 : memref<1x1x2x8x128xf32, #tpu.memory_space<vmem>> -> memref<2x8x128xf32, #tpu.memory_space<vmem>>
        %dma_start3A_988 = arith.constant 0 : i32
        %dma_start3A_989 = arith.constant 0 : i32
        %dma_start3A_990 = tpu.memref_slice %arg5[%dma_start3A_988, %dma_start3A_989, %multiple_of3A_962] : memref<2x8x1000000xf32, #tpu.memory_space<hbm>> -> memref<2x8x128xf32, #tpu.memory_space<hbm>>
        %dma_start3A_991 = tpu.memref_slice %arg12[%xor3A_892] : memref<2x!tpu.dma_semaphore, #tpu.memory_space<semaphore_mem>> -> memref<1x!tpu.dma_semaphore, #tpu.memory_space<semaphore_mem>>
        %dma_start3A_992 = tpu.memref_squeeze %dma_start3A_991 : memref<1x!tpu.dma_semaphore, #tpu.memory_space<semaphore_mem>> -> memref<!tpu.dma_semaphore, #tpu.memory_space<semaphore_mem>>
        %dma_start3A_993 = arith.constant 0 : i32
        %dma_start3A_994 = arith.constant 0 : i32
        %dma_start3A_995 = arith.constant 0 : i32
        %dma_start3A_996 = tpu.memref_slice %arg11[%xor3A_892, %dma_start3A_982, %dma_start3A_993, %dma_start3A_994, %dma_start3A_995] : memref<2x8x2x8x128xf32, #tpu.memory_space<vmem>> -> memref<1x1x2x8x128xf32, #tpu.memory_space<vmem>>
        %dma_start3A_997 = tpu.memref_squeeze %dma_start3A_996 : memref<1x1x2x8x128xf32, #tpu.memory_space<vmem>> -> memref<2x8x128xf32, #tpu.memory_space<vmem>>
        %dma_start3A_998 = arith.constant 0 : i32
        %dma_start3A_999 = arith.constant 0 : i32
        %dma_start3A_1000 = tpu.memref_slice %arg5[%dma_start3A_998, %dma_start3A_999, %multiple_of3A_962] : memref<2x8x1000000xf32, #tpu.memory_space<hbm>> -> memref<2x8x128xf32, #tpu.memory_space<hbm>>
        tpu.enqueue_dma source(%dma_start3A_1000 : memref<2x8x128xf32, #tpu.memory_space<hbm>>) target(%dma_start3A_997 : memref<2x8x128xf32, #tpu.memory_space<vmem>>) target_semaphore(%dma_start3A_992 : memref<!tpu.dma_semaphore, #tpu.memory_space<semaphore_mem>>)
        %slice3A_1001 = vector.extract_strided_slice %shift_left3A_906 {offsets = [2], sizes = [1], strides = [1]} : vector<16xi32> to vector<1xi32>
        %squeeze3A_1002 = vector.extract %slice3A_1001[0] : i32 from vector<1xi32>
        %multiple_of3A_1003 = tpu.assume_multiple %squeeze3A_1002, 128 : i32
        %slice3A_1004 = vector.extract_strided_slice %shift_left3A_912 {offsets = [2], sizes = [1], strides = [1]} : vector<16xi32> to vector<1xi32>
        %squeeze3A_1005 = vector.extract %slice3A_1004[0] : i32 from vector<1xi32>
        %multiple_of3A_1006 = tpu.assume_multiple %squeeze3A_1005, 128 : i32
        %dma_start3A_1007 = arith.constant 2 : i32
        %dma_start3A_1008 = arith.constant 0 : i32
        %dma_start3A_1009 = arith.constant 0 : i32
        %dma_start3A_1010 = arith.constant 0 : i32
        %dma_start3A_1011 = tpu.memref_slice %arg10[%xor3A_892, %dma_start3A_1007, %dma_start3A_1008, %dma_start3A_1009, %dma_start3A_1010] : memref<2x8x2x8x128xf32, #tpu.memory_space<vmem>> -> memref<1x1x2x8x128xf32, #tpu.memory_space<vmem>>
        %dma_start3A_1012 = tpu.memref_squeeze %dma_start3A_1011 : memref<1x1x2x8x128xf32, #tpu.memory_space<vmem>> -> memref<2x8x128xf32, #tpu.memory_space<vmem>>
        %dma_start3A_1013 = arith.constant 0 : i32
        %dma_start3A_1014 = arith.constant 0 : i32
        %dma_start3A_1015 = tpu.memref_slice %arg4[%dma_start3A_1013, %dma_start3A_1014, %multiple_of3A_1003] : memref<2x8x1000000xf32, #tpu.memory_space<hbm>> -> memref<2x8x128xf32, #tpu.memory_space<hbm>>
        %dma_start3A_1016 = tpu.memref_slice %arg12[%xor3A_892] : memref<2x!tpu.dma_semaphore, #tpu.memory_space<semaphore_mem>> -> memref<1x!tpu.dma_semaphore, #tpu.memory_space<semaphore_mem>>
        %dma_start3A_1017 = tpu.memref_squeeze %dma_start3A_1016 : memref<1x!tpu.dma_semaphore, #tpu.memory_space<semaphore_mem>> -> memref<!tpu.dma_semaphore, #tpu.memory_space<semaphore_mem>>
        %dma_start3A_1018 = arith.constant 0 : i32
        %dma_start3A_1019 = arith.constant 0 : i32
        %dma_start3A_1020 = arith.constant 0 : i32
        %dma_start3A_1021 = tpu.memref_slice %arg10[%xor3A_892, %dma_start3A_1007, %dma_start3A_1018, %dma_start3A_1019, %dma_start3A_1020] : memref<2x8x2x8x128xf32, #tpu.memory_space<vmem>> -> memref<1x1x2x8x128xf32, #tpu.memory_space<vmem>>
        %dma_start3A_1022 = tpu.memref_squeeze %dma_start3A_1021 : memref<1x1x2x8x128xf32, #tpu.memory_space<vmem>> -> memref<2x8x128xf32, #tpu.memory_space<vmem>>
        %dma_start3A_1023 = arith.constant 0 : i32
        %dma_start3A_1024 = arith.constant 0 : i32
        %dma_start3A_1025 = tpu.memref_slice %arg4[%dma_start3A_1023, %dma_start3A_1024, %multiple_of3A_1003] : memref<2x8x1000000xf32, #tpu.memory_space<hbm>> -> memref<2x8x128xf32, #tpu.memory_space<hbm>>
        tpu.enqueue_dma source(%dma_start3A_1025 : memref<2x8x128xf32, #tpu.memory_space<hbm>>) target(%dma_start3A_1022 : memref<2x8x128xf32, #tpu.memory_space<vmem>>) target_semaphore(%dma_start3A_1017 : memref<!tpu.dma_semaphore, #tpu.memory_space<semaphore_mem>>)
        %dma_start3A_1026 = arith.constant 2 : i32
        %dma_start3A_1027 = arith.constant 0 : i32
        %dma_start3A_1028 = arith.constant 0 : i32
        %dma_start3A_1029 = arith.constant 0 : i32
        %dma_start3A_1030 = tpu.memref_slice %arg11[%xor3A_892, %dma_start3A_1026, %dma_start3A_1027, %dma_start3A_1028, %dma_start3A_1029] : memref<2x8x2x8x128xf32, #tpu.memory_space<vmem>> -> memref<1x1x2x8x128xf32, #tpu.memory_space<vmem>>
        %dma_start3A_1031 = tpu.memref_squeeze %dma_start3A_1030 : memref<1x1x2x8x128xf32, #tpu.memory_space<vmem>> -> memref<2x8x128xf32, #tpu.memory_space<vmem>>
        %dma_start3A_1032 = arith.constant 0 : i32
        %dma_start3A_1033 = arith.constant 0 : i32
        %dma_start3A_1034 = tpu.memref_slice %arg5[%dma_start3A_1032, %dma_start3A_1033, %multiple_of3A_1006] : memref<2x8x1000000xf32, #tpu.memory_space<hbm>> -> memref<2x8x128xf32, #tpu.memory_space<hbm>>
        %dma_start3A_1035 = tpu.memref_slice %arg12[%xor3A_892] : memref<2x!tpu.dma_semaphore, #tpu.memory_space<semaphore_mem>> -> memref<1x!tpu.dma_semaphore, #tpu.memory_space<semaphore_mem>>
        %dma_start3A_1036 = tpu.memref_squeeze %dma_start3A_1035 : memref<1x!tpu.dma_semaphore, #tpu.memory_space<semaphore_mem>> -> memref<!tpu.dma_semaphore, #tpu.memory_space<semaphore_mem>>
        %dma_start3A_1037 = arith.constant 0 : i32
        %dma_start3A_1038 = arith.constant 0 : i32
        %dma_start3A_1039 = arith.constant 0 : i32
        %dma_start3A_1040 = tpu.memref_slice %arg11[%xor3A_892, %dma_start3A_1026, %dma_start3A_1037, %dma_start3A_1038, %dma_start3A_1039] : memref<2x8x2x8x128xf32, #tpu.memory_space<vmem>> -> memref<1x1x2x8x128xf32, #tpu.memory_space<vmem>>
        %dma_start3A_1041 = tpu.memref_squeeze %dma_start3A_1040 : memref<1x1x2x8x128xf32, #tpu.memory_space<vmem>> -> memref<2x8x128xf32, #tpu.memory_space<vmem>>
        %dma_start3A_1042 = arith.constant 0 : i32
        %dma_start3A_1043 = arith.constant 0 : i32
        %dma_start3A_1044 = tpu.memref_slice %arg5[%dma_start3A_1042, %dma_start3A_1043, %multiple_of3A_1006] : memref<2x8x1000000xf32, #tpu.memory_space<hbm>> -> memref<2x8x128xf32, #tpu.memory_space<hbm>>
        tpu.enqueue_dma source(%dma_start3A_1044 : memref<2x8x128xf32, #tpu.memory_space<hbm>>) target(%dma_start3A_1041 : memref<2x8x128xf32, #tpu.memory_space<vmem>>) target_semaphore(%dma_start3A_1036 : memref<!tpu.dma_semaphore, #tpu.memory_space<semaphore_mem>>)
        %slice3A_1045 = vector.extract_strided_slice %shift_left3A_906 {offsets = [3], sizes = [1], strides = [1]} : vector<16xi32> to vector<1xi32>
        %squeeze3A_1046 = vector.extract %slice3A_1045[0] : i32 from vector<1xi32>
        %multiple_of3A_1047 = tpu.assume_multiple %squeeze3A_1046, 128 : i32
        %slice3A_1048 = vector.extract_strided_slice %shift_left3A_912 {offsets = [3], sizes = [1], strides = [1]} : vector<16xi32> to vector<1xi32>
        %squeeze3A_1049 = vector.extract %slice3A_1048[0] : i32 from vector<1xi32>
        %multiple_of3A_1050 = tpu.assume_multiple %squeeze3A_1049, 128 : i32
        %dma_start3A_1051 = arith.constant 3 : i32
        %dma_start3A_1052 = arith.constant 0 : i32
        %dma_start3A_1053 = arith.constant 0 : i32
        %dma_start3A_1054 = arith.constant 0 : i32
        %dma_start3A_1055 = tpu.memref_slice %arg10[%xor3A_892, %dma_start3A_1051, %dma_start3A_1052, %dma_start3A_1053, %dma_start3A_1054] : memref<2x8x2x8x128xf32, #tpu.memory_space<vmem>> -> memref<1x1x2x8x128xf32, #tpu.memory_space<vmem>>
        %dma_start3A_1056 = tpu.memref_squeeze %dma_start3A_1055 : memref<1x1x2x8x128xf32, #tpu.memory_space<vmem>> -> memref<2x8x128xf32, #tpu.memory_space<vmem>>
        %dma_start3A_1057 = arith.constant 0 : i32
        %dma_start3A_1058 = arith.constant 0 : i32
        %dma_start3A_1059 = tpu.memref_slice %arg4[%dma_start3A_1057, %dma_start3A_1058, %multiple_of3A_1047] : memref<2x8x1000000xf32, #tpu.memory_space<hbm>> -> memref<2x8x128xf32, #tpu.memory_space<hbm>>
        %dma_start3A_1060 = tpu.memref_slice %arg12[%xor3A_892] : memref<2x!tpu.dma_semaphore, #tpu.memory_space<semaphore_mem>> -> memref<1x!tpu.dma_semaphore, #tpu.memory_space<semaphore_mem>>
        %dma_start3A_1061 = tpu.memref_squeeze %dma_start3A_1060 : memref<1x!tpu.dma_semaphore, #tpu.memory_space<semaphore_mem>> -> memref<!tpu.dma_semaphore, #tpu.memory_space<semaphore_mem>>
        %dma_start3A_1062 = arith.constant 0 : i32
        %dma_start3A_1063 = arith.constant 0 : i32
        %dma_start3A_1064 = arith.constant 0 : i32
        %dma_start3A_1065 = tpu.memref_slice %arg10[%xor3A_892, %dma_start3A_1051, %dma_start3A_1062, %dma_start3A_1063, %dma_start3A_1064] : memref<2x8x2x8x128xf32, #tpu.memory_space<vmem>> -> memref<1x1x2x8x128xf32, #tpu.memory_space<vmem>>
        %dma_start3A_1066 = tpu.memref_squeeze %dma_start3A_1065 : memref<1x1x2x8x128xf32, #tpu.memory_space<vmem>> -> memref<2x8x128xf32, #tpu.memory_space<vmem>>
        %dma_start3A_1067 = arith.constant 0 : i32
        %dma_start3A_1068 = arith.constant 0 : i32
        %dma_start3A_1069 = tpu.memref_slice %arg4[%dma_start3A_1067, %dma_start3A_1068, %multiple_of3A_1047] : memref<2x8x1000000xf32, #tpu.memory_space<hbm>> -> memref<2x8x128xf32, #tpu.memory_space<hbm>>
        tpu.enqueue_dma source(%dma_start3A_1069 : memref<2x8x128xf32, #tpu.memory_space<hbm>>) target(%dma_start3A_1066 : memref<2x8x128xf32, #tpu.memory_space<vmem>>) target_semaphore(%dma_start3A_1061 : memref<!tpu.dma_semaphore, #tpu.memory_space<semaphore_mem>>)
        %dma_start3A_1070 = arith.constant 3 : i32
        %dma_start3A_1071 = arith.constant 0 : i32
        %dma_start3A_1072 = arith.constant 0 : i32
        %dma_start3A_1073 = arith.constant 0 : i32
        %dma_start3A_1074 = tpu.memref_slice %arg11[%xor3A_892, %dma_start3A_1070, %dma_start3A_1071, %dma_start3A_1072, %dma_start3A_1073] : memref<2x8x2x8x128xf32, #tpu.memory_space<vmem>> -> memref<1x1x2x8x128xf32, #tpu.memory_space<vmem>>
        %dma_start3A_1075 = tpu.memref_squeeze %dma_start3A_1074 : memref<1x1x2x8x128xf32, #tpu.memory_space<vmem>> -> memref<2x8x128xf32, #tpu.memory_space<vmem>>
        %dma_start3A_1076 = arith.constant 0 : i32
        %dma_start3A_1077 = arith.constant 0 : i32
        %dma_start3A_1078 = tpu.memref_slice %arg5[%dma_start3A_1076, %dma_start3A_1077, %multiple_of3A_1050] : memref<2x8x1000000xf32, #tpu.memory_space<hbm>> -> memref<2x8x128xf32, #tpu.memory_space<hbm>>
        %dma_start3A_1079 = tpu.memref_slice %arg12[%xor3A_892] : memref<2x!tpu.dma_semaphore, #tpu.memory_space<semaphore_mem>> -> memref<1x!tpu.dma_semaphore, #tpu.memory_space<semaphore_mem>>
        %dma_start3A_1080 = tpu.memref_squeeze %dma_start3A_1079 : memref<1x!tpu.dma_semaphore, #tpu.memory_space<semaphore_mem>> -> memref<!tpu.dma_semaphore, #tpu.memory_space<semaphore_mem>>
        %dma_start3A_1081 = arith.constant 0 : i32
        %dma_start3A_1082 = arith.constant 0 : i32
        %dma_start3A_1083 = arith.constant 0 : i32
        %dma_start3A_1084 = tpu.memref_slice %arg11[%xor3A_892, %dma_start3A_1070, %dma_start3A_1081, %dma_start3A_1082, %dma_start3A_1083] : memref<2x8x2x8x128xf32, #tpu.memory_space<vmem>> -> memref<1x1x2x8x128xf32, #tpu.memory_space<vmem>>
        %dma_start3A_1085 = tpu.memref_squeeze %dma_start3A_1084 : memref<1x1x2x8x128xf32, #tpu.memory_space<vmem>> -> memref<2x8x128xf32, #tpu.memory_space<vmem>>
        %dma_start3A_1086 = arith.constant 0 : i32
        %dma_start3A_1087 = arith.constant 0 : i32
        %dma_start3A_1088 = tpu.memref_slice %arg5[%dma_start3A_1086, %dma_start3A_1087, %multiple_of3A_1050] : memref<2x8x1000000xf32, #tpu.memory_space<hbm>> -> memref<2x8x128xf32, #tpu.memory_space<hbm>>
        tpu.enqueue_dma source(%dma_start3A_1088 : memref<2x8x128xf32, #tpu.memory_space<hbm>>) target(%dma_start3A_1085 : memref<2x8x128xf32, #tpu.memory_space<vmem>>) target_semaphore(%dma_start3A_1080 : memref<!tpu.dma_semaphore, #tpu.memory_space<semaphore_mem>>)
        %slice3A_1089 = vector.extract_strided_slice %shift_left3A_906 {offsets = [4], sizes = [1], strides = [1]} : vector<16xi32> to vector<1xi32>
        %squeeze3A_1090 = vector.extract %slice3A_1089[0] : i32 from vector<1xi32>
        %multiple_of3A_1091 = tpu.assume_multiple %squeeze3A_1090, 128 : i32
        %slice3A_1092 = vector.extract_strided_slice %shift_left3A_912 {offsets = [4], sizes = [1], strides = [1]} : vector<16xi32> to vector<1xi32>
        %squeeze3A_1093 = vector.extract %slice3A_1092[0] : i32 from vector<1xi32>
        %multiple_of3A_1094 = tpu.assume_multiple %squeeze3A_1093, 128 : i32
        %dma_start3A_1095 = arith.constant 4 : i32
        %dma_start3A_1096 = arith.constant 0 : i32
        %dma_start3A_1097 = arith.constant 0 : i32
        %dma_start3A_1098 = arith.constant 0 : i32
        %dma_start3A_1099 = tpu.memref_slice %arg10[%xor3A_892, %dma_start3A_1095, %dma_start3A_1096, %dma_start3A_1097, %dma_start3A_1098] : memref<2x8x2x8x128xf32, #tpu.memory_space<vmem>> -> memref<1x1x2x8x128xf32, #tpu.memory_space<vmem>>
        %dma_start3A_1100 = tpu.memref_squeeze %dma_start3A_1099 : memref<1x1x2x8x128xf32, #tpu.memory_space<vmem>> -> memref<2x8x128xf32, #tpu.memory_space<vmem>>
        %dma_start3A_1101 = arith.constant 0 : i32
        %dma_start3A_1102 = arith.constant 0 : i32
        %dma_start3A_1103 = tpu.memref_slice %arg4[%dma_start3A_1101, %dma_start3A_1102, %multiple_of3A_1091] : memref<2x8x1000000xf32, #tpu.memory_space<hbm>> -> memref<2x8x128xf32, #tpu.memory_space<hbm>>
        %dma_start3A_1104 = tpu.memref_slice %arg12[%xor3A_892] : memref<2x!tpu.dma_semaphore, #tpu.memory_space<semaphore_mem>> -> memref<1x!tpu.dma_semaphore, #tpu.memory_space<semaphore_mem>>
        %dma_start3A_1105 = tpu.memref_squeeze %dma_start3A_1104 : memref<1x!tpu.dma_semaphore, #tpu.memory_space<semaphore_mem>> -> memref<!tpu.dma_semaphore, #tpu.memory_space<semaphore_mem>>
        %dma_start3A_1106 = arith.constant 0 : i32
        %dma_start3A_1107 = arith.constant 0 : i32
        %dma_start3A_1108 = arith.constant 0 : i32
        %dma_start3A_1109 = tpu.memref_slice %arg10[%xor3A_892, %dma_start3A_1095, %dma_start3A_1106, %dma_start3A_1107, %dma_start3A_1108] : memref<2x8x2x8x128xf32, #tpu.memory_space<vmem>> -> memref<1x1x2x8x128xf32, #tpu.memory_space<vmem>>
        %dma_start3A_1110 = tpu.memref_squeeze %dma_start3A_1109 : memref<1x1x2x8x128xf32, #tpu.memory_space<vmem>> -> memref<2x8x128xf32, #tpu.memory_space<vmem>>
        %dma_start3A_1111 = arith.constant 0 : i32
        %dma_start3A_1112 = arith.constant 0 : i32
        %dma_start3A_1113 = tpu.memref_slice %arg4[%dma_start3A_1111, %dma_start3A_1112, %multiple_of3A_1091] : memref<2x8x1000000xf32, #tpu.memory_space<hbm>> -> memref<2x8x128xf32, #tpu.memory_space<hbm>>
        tpu.enqueue_dma source(%dma_start3A_1113 : memref<2x8x128xf32, #tpu.memory_space<hbm>>) target(%dma_start3A_1110 : memref<2x8x128xf32, #tpu.memory_space<vmem>>) target_semaphore(%dma_start3A_1105 : memref<!tpu.dma_semaphore, #tpu.memory_space<semaphore_mem>>)
        %dma_start3A_1114 = arith.constant 4 : i32
        %dma_start3A_1115 = arith.constant 0 : i32
        %dma_start3A_1116 = arith.constant 0 : i32
        %dma_start3A_1117 = arith.constant 0 : i32
        %dma_start3A_1118 = tpu.memref_slice %arg11[%xor3A_892, %dma_start3A_1114, %dma_start3A_1115, %dma_start3A_1116, %dma_start3A_1117] : memref<2x8x2x8x128xf32, #tpu.memory_space<vmem>> -> memref<1x1x2x8x128xf32, #tpu.memory_space<vmem>>
        %dma_start3A_1119 = tpu.memref_squeeze %dma_start3A_1118 : memref<1x1x2x8x128xf32, #tpu.memory_space<vmem>> -> memref<2x8x128xf32, #tpu.memory_space<vmem>>
        %dma_start3A_1120 = arith.constant 0 : i32
        %dma_start3A_1121 = arith.constant 0 : i32
        %dma_start3A_1122 = tpu.memref_slice %arg5[%dma_start3A_1120, %dma_start3A_1121, %multiple_of3A_1094] : memref<2x8x1000000xf32, #tpu.memory_space<hbm>> -> memref<2x8x128xf32, #tpu.memory_space<hbm>>
        %dma_start3A_1123 = tpu.memref_slice %arg12[%xor3A_892] : memref<2x!tpu.dma_semaphore, #tpu.memory_space<semaphore_mem>> -> memref<1x!tpu.dma_semaphore, #tpu.memory_space<semaphore_mem>>
        %dma_start3A_1124 = tpu.memref_squeeze %dma_start3A_1123 : memref<1x!tpu.dma_semaphore, #tpu.memory_space<semaphore_mem>> -> memref<!tpu.dma_semaphore, #tpu.memory_space<semaphore_mem>>
        %dma_start3A_1125 = arith.constant 0 : i32
        %dma_start3A_1126 = arith.constant 0 : i32
        %dma_start3A_1127 = arith.constant 0 : i32
        %dma_start3A_1128 = tpu.memref_slice %arg11[%xor3A_892, %dma_start3A_1114, %dma_start3A_1125, %dma_start3A_1126, %dma_start3A_1127] : memref<2x8x2x8x128xf32, #tpu.memory_space<vmem>> -> memref<1x1x2x8x128xf32, #tpu.memory_space<vmem>>
        %dma_start3A_1129 = tpu.memref_squeeze %dma_start3A_1128 : memref<1x1x2x8x128xf32, #tpu.memory_space<vmem>> -> memref<2x8x128xf32, #tpu.memory_space<vmem>>
        %dma_start3A_1130 = arith.constant 0 : i32
        %dma_start3A_1131 = arith.constant 0 : i32
        %dma_start3A_1132 = tpu.memref_slice %arg5[%dma_start3A_1130, %dma_start3A_1131, %multiple_of3A_1094] : memref<2x8x1000000xf32, #tpu.memory_space<hbm>> -> memref<2x8x128xf32, #tpu.memory_space<hbm>>
        tpu.enqueue_dma source(%dma_start3A_1132 : memref<2x8x128xf32, #tpu.memory_space<hbm>>) target(%dma_start3A_1129 : memref<2x8x128xf32, #tpu.memory_space<vmem>>) target_semaphore(%dma_start3A_1124 : memref<!tpu.dma_semaphore, #tpu.memory_space<semaphore_mem>>)
        %slice3A_1133 = vector.extract_strided_slice %shift_left3A_906 {offsets = [5], sizes = [1], strides = [1]} : vector<16xi32> to vector<1xi32>
        %squeeze3A_1134 = vector.extract %slice3A_1133[0] : i32 from vector<1xi32>
        %multiple_of3A_1135 = tpu.assume_multiple %squeeze3A_1134, 128 : i32
        %slice3A_1136 = vector.extract_strided_slice %shift_left3A_912 {offsets = [5], sizes = [1], strides = [1]} : vector<16xi32> to vector<1xi32>
        %squeeze3A_1137 = vector.extract %slice3A_1136[0] : i32 from vector<1xi32>
        %multiple_of3A_1138 = tpu.assume_multiple %squeeze3A_1137, 128 : i32
        %dma_start3A_1139 = arith.constant 5 : i32
        %dma_start3A_1140 = arith.constant 0 : i32
        %dma_start3A_1141 = arith.constant 0 : i32
        %dma_start3A_1142 = arith.constant 0 : i32
        %dma_start3A_1143 = tpu.memref_slice %arg10[%xor3A_892, %dma_start3A_1139, %dma_start3A_1140, %dma_start3A_1141, %dma_start3A_1142] : memref<2x8x2x8x128xf32, #tpu.memory_space<vmem>> -> memref<1x1x2x8x128xf32, #tpu.memory_space<vmem>>
        %dma_start3A_1144 = tpu.memref_squeeze %dma_start3A_1143 : memref<1x1x2x8x128xf32, #tpu.memory_space<vmem>> -> memref<2x8x128xf32, #tpu.memory_space<vmem>>
        %dma_start3A_1145 = arith.constant 0 : i32
        %dma_start3A_1146 = arith.constant 0 : i32
        %dma_start3A_1147 = tpu.memref_slice %arg4[%dma_start3A_1145, %dma_start3A_1146, %multiple_of3A_1135] : memref<2x8x1000000xf32, #tpu.memory_space<hbm>> -> memref<2x8x128xf32, #tpu.memory_space<hbm>>
        %dma_start3A_1148 = tpu.memref_slice %arg12[%xor3A_892] : memref<2x!tpu.dma_semaphore, #tpu.memory_space<semaphore_mem>> -> memref<1x!tpu.dma_semaphore, #tpu.memory_space<semaphore_mem>>
        %dma_start3A_1149 = tpu.memref_squeeze %dma_start3A_1148 : memref<1x!tpu.dma_semaphore, #tpu.memory_space<semaphore_mem>> -> memref<!tpu.dma_semaphore, #tpu.memory_space<semaphore_mem>>
        %dma_start3A_1150 = arith.constant 0 : i32
        %dma_start3A_1151 = arith.constant 0 : i32
        %dma_start3A_1152 = arith.constant 0 : i32
        %dma_start3A_1153 = tpu.memref_slice %arg10[%xor3A_892, %dma_start3A_1139, %dma_start3A_1150, %dma_start3A_1151, %dma_start3A_1152] : memref<2x8x2x8x128xf32, #tpu.memory_space<vmem>> -> memref<1x1x2x8x128xf32, #tpu.memory_space<vmem>>
        %dma_start3A_1154 = tpu.memref_squeeze %dma_start3A_1153 : memref<1x1x2x8x128xf32, #tpu.memory_space<vmem>> -> memref<2x8x128xf32, #tpu.memory_space<vmem>>
        %dma_start3A_1155 = arith.constant 0 : i32
        %dma_start3A_1156 = arith.constant 0 : i32
        %dma_start3A_1157 = tpu.memref_slice %arg4[%dma_start3A_1155, %dma_start3A_1156, %multiple_of3A_1135] : memref<2x8x1000000xf32, #tpu.memory_space<hbm>> -> memref<2x8x128xf32, #tpu.memory_space<hbm>>
        tpu.enqueue_dma source(%dma_start3A_1157 : memref<2x8x128xf32, #tpu.memory_space<hbm>>) target(%dma_start3A_1154 : memref<2x8x128xf32, #tpu.memory_space<vmem>>) target_semaphore(%dma_start3A_1149 : memref<!tpu.dma_semaphore, #tpu.memory_space<semaphore_mem>>)
        %dma_start3A_1158 = arith.constant 5 : i32
        %dma_start3A_1159 = arith.constant 0 : i32
        %dma_start3A_1160 = arith.constant 0 : i32
        %dma_start3A_1161 = arith.constant 0 : i32
        %dma_start3A_1162 = tpu.memref_slice %arg11[%xor3A_892, %dma_start3A_1158, %dma_start3A_1159, %dma_start3A_1160, %dma_start3A_1161] : memref<2x8x2x8x128xf32, #tpu.memory_space<vmem>> -> memref<1x1x2x8x128xf32, #tpu.memory_space<vmem>>
        %dma_start3A_1163 = tpu.memref_squeeze %dma_start3A_1162 : memref<1x1x2x8x128xf32, #tpu.memory_space<vmem>> -> memref<2x8x128xf32, #tpu.memory_space<vmem>>
        %dma_start3A_1164 = arith.constant 0 : i32
        %dma_start3A_1165 = arith.constant 0 : i32
        %dma_start3A_1166 = tpu.memref_slice %arg5[%dma_start3A_1164, %dma_start3A_1165, %multiple_of3A_1138] : memref<2x8x1000000xf32, #tpu.memory_space<hbm>> -> memref<2x8x128xf32, #tpu.memory_space<hbm>>
        %dma_start3A_1167 = tpu.memref_slice %arg12[%xor3A_892] : memref<2x!tpu.dma_semaphore, #tpu.memory_space<semaphore_mem>> -> memref<1x!tpu.dma_semaphore, #tpu.memory_space<semaphore_mem>>
        %dma_start3A_1168 = tpu.memref_squeeze %dma_start3A_1167 : memref<1x!tpu.dma_semaphore, #tpu.memory_space<semaphore_mem>> -> memref<!tpu.dma_semaphore, #tpu.memory_space<semaphore_mem>>
        %dma_start3A_1169 = arith.constant 0 : i32
        %dma_start3A_1170 = arith.constant 0 : i32
        %dma_start3A_1171 = arith.constant 0 : i32
        %dma_start3A_1172 = tpu.memref_slice %arg11[%xor3A_892, %dma_start3A_1158, %dma_start3A_1169, %dma_start3A_1170, %dma_start3A_1171] : memref<2x8x2x8x128xf32, #tpu.memory_space<vmem>> -> memref<1x1x2x8x128xf32, #tpu.memory_space<vmem>>
        %dma_start3A_1173 = tpu.memref_squeeze %dma_start3A_1172 : memref<1x1x2x8x128xf32, #tpu.memory_space<vmem>> -> memref<2x8x128xf32, #tpu.memory_space<vmem>>
        %dma_start3A_1174 = arith.constant 0 : i32
        %dma_start3A_1175 = arith.constant 0 : i32
        %dma_start3A_1176 = tpu.memref_slice %arg5[%dma_start3A_1174, %dma_start3A_1175, %multiple_of3A_1138] : memref<2x8x1000000xf32, #tpu.memory_space<hbm>> -> memref<2x8x128xf32, #tpu.memory_space<hbm>>
        tpu.enqueue_dma source(%dma_start3A_1176 : memref<2x8x128xf32, #tpu.memory_space<hbm>>) target(%dma_start3A_1173 : memref<2x8x128xf32, #tpu.memory_space<vmem>>) target_semaphore(%dma_start3A_1168 : memref<!tpu.dma_semaphore, #tpu.memory_space<semaphore_mem>>)
        %slice3A_1177 = vector.extract_strided_slice %shift_left3A_906 {offsets = [6], sizes = [1], strides = [1]} : vector<16xi32> to vector<1xi32>
        %squeeze3A_1178 = vector.extract %slice3A_1177[0] : i32 from vector<1xi32>
        %multiple_of3A_1179 = tpu.assume_multiple %squeeze3A_1178, 128 : i32
        %slice3A_1180 = vector.extract_strided_slice %shift_left3A_912 {offsets = [6], sizes = [1], strides = [1]} : vector<16xi32> to vector<1xi32>
        %squeeze3A_1181 = vector.extract %slice3A_1180[0] : i32 from vector<1xi32>
        %multiple_of3A_1182 = tpu.assume_multiple %squeeze3A_1181, 128 : i32
        %dma_start3A_1183 = arith.constant 6 : i32
        %dma_start3A_1184 = arith.constant 0 : i32
        %dma_start3A_1185 = arith.constant 0 : i32
        %dma_start3A_1186 = arith.constant 0 : i32
        %dma_start3A_1187 = tpu.memref_slice %arg10[%xor3A_892, %dma_start3A_1183, %dma_start3A_1184, %dma_start3A_1185, %dma_start3A_1186] : memref<2x8x2x8x128xf32, #tpu.memory_space<vmem>> -> memref<1x1x2x8x128xf32, #tpu.memory_space<vmem>>
        %dma_start3A_1188 = tpu.memref_squeeze %dma_start3A_1187 : memref<1x1x2x8x128xf32, #tpu.memory_space<vmem>> -> memref<2x8x128xf32, #tpu.memory_space<vmem>>
        %dma_start3A_1189 = arith.constant 0 : i32
        %dma_start3A_1190 = arith.constant 0 : i32
        %dma_start3A_1191 = tpu.memref_slice %arg4[%dma_start3A_1189, %dma_start3A_1190, %multiple_of3A_1179] : memref<2x8x1000000xf32, #tpu.memory_space<hbm>> -> memref<2x8x128xf32, #tpu.memory_space<hbm>>
        %dma_start3A_1192 = tpu.memref_slice %arg12[%xor3A_892] : memref<2x!tpu.dma_semaphore, #tpu.memory_space<semaphore_mem>> -> memref<1x!tpu.dma_semaphore, #tpu.memory_space<semaphore_mem>>
        %dma_start3A_1193 = tpu.memref_squeeze %dma_start3A_1192 : memref<1x!tpu.dma_semaphore, #tpu.memory_space<semaphore_mem>> -> memref<!tpu.dma_semaphore, #tpu.memory_space<semaphore_mem>>
        %dma_start3A_1194 = arith.constant 0 : i32
        %dma_start3A_1195 = arith.constant 0 : i32
        %dma_start3A_1196 = arith.constant 0 : i32
        %dma_start3A_1197 = tpu.memref_slice %arg10[%xor3A_892, %dma_start3A_1183, %dma_start3A_1194, %dma_start3A_1195, %dma_start3A_1196] : memref<2x8x2x8x128xf32, #tpu.memory_space<vmem>> -> memref<1x1x2x8x128xf32, #tpu.memory_space<vmem>>
        %dma_start3A_1198 = tpu.memref_squeeze %dma_start3A_1197 : memref<1x1x2x8x128xf32, #tpu.memory_space<vmem>> -> memref<2x8x128xf32, #tpu.memory_space<vmem>>
        %dma_start3A_1199 = arith.constant 0 : i32
        %dma_start3A_1200 = arith.constant 0 : i32
        %dma_start3A_1201 = tpu.memref_slice %arg4[%dma_start3A_1199, %dma_start3A_1200, %multiple_of3A_1179] : memref<2x8x1000000xf32, #tpu.memory_space<hbm>> -> memref<2x8x128xf32, #tpu.memory_space<hbm>>
        tpu.enqueue_dma source(%dma_start3A_1201 : memref<2x8x128xf32, #tpu.memory_space<hbm>>) target(%dma_start3A_1198 : memref<2x8x128xf32, #tpu.memory_space<vmem>>) target_semaphore(%dma_start3A_1193 : memref<!tpu.dma_semaphore, #tpu.memory_space<semaphore_mem>>)
        %dma_start3A_1202 = arith.constant 6 : i32
        %dma_start3A_1203 = arith.constant 0 : i32
        %dma_start3A_1204 = arith.constant 0 : i32
        %dma_start3A_1205 = arith.constant 0 : i32
        %dma_start3A_1206 = tpu.memref_slice %arg11[%xor3A_892, %dma_start3A_1202, %dma_start3A_1203, %dma_start3A_1204, %dma_start3A_1205] : memref<2x8x2x8x128xf32, #tpu.memory_space<vmem>> -> memref<1x1x2x8x128xf32, #tpu.memory_space<vmem>>
        %dma_start3A_1207 = tpu.memref_squeeze %dma_start3A_1206 : memref<1x1x2x8x128xf32, #tpu.memory_space<vmem>> -> memref<2x8x128xf32, #tpu.memory_space<vmem>>
        %dma_start3A_1208 = arith.constant 0 : i32
        %dma_start3A_1209 = arith.constant 0 : i32
        %dma_start3A_1210 = tpu.memref_slice %arg5[%dma_start3A_1208, %dma_start3A_1209, %multiple_of3A_1182] : memref<2x8x1000000xf32, #tpu.memory_space<hbm>> -> memref<2x8x128xf32, #tpu.memory_space<hbm>>
        %dma_start3A_1211 = tpu.memref_slice %arg12[%xor3A_892] : memref<2x!tpu.dma_semaphore, #tpu.memory_space<semaphore_mem>> -> memref<1x!tpu.dma_semaphore, #tpu.memory_space<semaphore_mem>>
        %dma_start3A_1212 = tpu.memref_squeeze %dma_start3A_1211 : memref<1x!tpu.dma_semaphore, #tpu.memory_space<semaphore_mem>> -> memref<!tpu.dma_semaphore, #tpu.memory_space<semaphore_mem>>
        %dma_start3A_1213 = arith.constant 0 : i32
        %dma_start3A_1214 = arith.constant 0 : i32
        %dma_start3A_1215 = arith.constant 0 : i32
        %dma_start3A_1216 = tpu.memref_slice %arg11[%xor3A_892, %dma_start3A_1202, %dma_start3A_1213, %dma_start3A_1214, %dma_start3A_1215] : memref<2x8x2x8x128xf32, #tpu.memory_space<vmem>> -> memref<1x1x2x8x128xf32, #tpu.memory_space<vmem>>
        %dma_start3A_1217 = tpu.memref_squeeze %dma_start3A_1216 : memref<1x1x2x8x128xf32, #tpu.memory_space<vmem>> -> memref<2x8x128xf32, #tpu.memory_space<vmem>>
        %dma_start3A_1218 = arith.constant 0 : i32
        %dma_start3A_1219 = arith.constant 0 : i32
        %dma_start3A_1220 = tpu.memref_slice %arg5[%dma_start3A_1218, %dma_start3A_1219, %multiple_of3A_1182] : memref<2x8x1000000xf32, #tpu.memory_space<hbm>> -> memref<2x8x128xf32, #tpu.memory_space<hbm>>
        tpu.enqueue_dma source(%dma_start3A_1220 : memref<2x8x128xf32, #tpu.memory_space<hbm>>) target(%dma_start3A_1217 : memref<2x8x128xf32, #tpu.memory_space<vmem>>) target_semaphore(%dma_start3A_1212 : memref<!tpu.dma_semaphore, #tpu.memory_space<semaphore_mem>>)
        %slice3A_1221 = vector.extract_strided_slice %shift_left3A_906 {offsets = [7], sizes = [1], strides = [1]} : vector<16xi32> to vector<1xi32>
        %squeeze3A_1222 = vector.extract %slice3A_1221[0] : i32 from vector<1xi32>
        %multiple_of3A_1223 = tpu.assume_multiple %squeeze3A_1222, 128 : i32
        %slice3A_1224 = vector.extract_strided_slice %shift_left3A_912 {offsets = [7], sizes = [1], strides = [1]} : vector<16xi32> to vector<1xi32>
        %squeeze3A_1225 = vector.extract %slice3A_1224[0] : i32 from vector<1xi32>
        %multiple_of3A_1226 = tpu.assume_multiple %squeeze3A_1225, 128 : i32
        %dma_start3A_1227 = arith.constant 7 : i32
        %dma_start3A_1228 = arith.constant 0 : i32
        %dma_start3A_1229 = arith.constant 0 : i32
        %dma_start3A_1230 = arith.constant 0 : i32
        %dma_start3A_1231 = tpu.memref_slice %arg10[%xor3A_892, %dma_start3A_1227, %dma_start3A_1228, %dma_start3A_1229, %dma_start3A_1230] : memref<2x8x2x8x128xf32, #tpu.memory_space<vmem>> -> memref<1x1x2x8x128xf32, #tpu.memory_space<vmem>>
        %dma_start3A_1232 = tpu.memref_squeeze %dma_start3A_1231 : memref<1x1x2x8x128xf32, #tpu.memory_space<vmem>> -> memref<2x8x128xf32, #tpu.memory_space<vmem>>
        %dma_start3A_1233 = arith.constant 0 : i32
        %dma_start3A_1234 = arith.constant 0 : i32
        %dma_start3A_1235 = tpu.memref_slice %arg4[%dma_start3A_1233, %dma_start3A_1234, %multiple_of3A_1223] : memref<2x8x1000000xf32, #tpu.memory_space<hbm>> -> memref<2x8x128xf32, #tpu.memory_space<hbm>>
        %dma_start3A_1236 = tpu.memref_slice %arg12[%xor3A_892] : memref<2x!tpu.dma_semaphore, #tpu.memory_space<semaphore_mem>> -> memref<1x!tpu.dma_semaphore, #tpu.memory_space<semaphore_mem>>
        %dma_start3A_1237 = tpu.memref_squeeze %dma_start3A_1236 : memref<1x!tpu.dma_semaphore, #tpu.memory_space<semaphore_mem>> -> memref<!tpu.dma_semaphore, #tpu.memory_space<semaphore_mem>>
        %dma_start3A_1238 = arith.constant 0 : i32
        %dma_start3A_1239 = arith.constant 0 : i32
        %dma_start3A_1240 = arith.constant 0 : i32
        %dma_start3A_1241 = tpu.memref_slice %arg10[%xor3A_892, %dma_start3A_1227, %dma_start3A_1238, %dma_start3A_1239, %dma_start3A_1240] : memref<2x8x2x8x128xf32, #tpu.memory_space<vmem>> -> memref<1x1x2x8x128xf32, #tpu.memory_space<vmem>>
        %dma_start3A_1242 = tpu.memref_squeeze %dma_start3A_1241 : memref<1x1x2x8x128xf32, #tpu.memory_space<vmem>> -> memref<2x8x128xf32, #tpu.memory_space<vmem>>
        %dma_start3A_1243 = arith.constant 0 : i32
        %dma_start3A_1244 = arith.constant 0 : i32
        %dma_start3A_1245 = tpu.memref_slice %arg4[%dma_start3A_1243, %dma_start3A_1244, %multiple_of3A_1223] : memref<2x8x1000000xf32, #tpu.memory_space<hbm>> -> memref<2x8x128xf32, #tpu.memory_space<hbm>>
        tpu.enqueue_dma source(%dma_start3A_1245 : memref<2x8x128xf32, #tpu.memory_space<hbm>>) target(%dma_start3A_1242 : memref<2x8x128xf32, #tpu.memory_space<vmem>>) target_semaphore(%dma_start3A_1237 : memref<!tpu.dma_semaphore, #tpu.memory_space<semaphore_mem>>)
        %dma_start3A_1246 = arith.constant 7 : i32
        %dma_start3A_1247 = arith.constant 0 : i32
        %dma_start3A_1248 = arith.constant 0 : i32
        %dma_start3A_1249 = arith.constant 0 : i32
        %dma_start3A_1250 = tpu.memref_slice %arg11[%xor3A_892, %dma_start3A_1246, %dma_start3A_1247, %dma_start3A_1248, %dma_start3A_1249] : memref<2x8x2x8x128xf32, #tpu.memory_space<vmem>> -> memref<1x1x2x8x128xf32, #tpu.memory_space<vmem>>
        %dma_start3A_1251 = tpu.memref_squeeze %dma_start3A_1250 : memref<1x1x2x8x128xf32, #tpu.memory_space<vmem>> -> memref<2x8x128xf32, #tpu.memory_space<vmem>>
        %dma_start3A_1252 = arith.constant 0 : i32
        %dma_start3A_1253 = arith.constant 0 : i32
        %dma_start3A_1254 = tpu.memref_slice %arg5[%dma_start3A_1252, %dma_start3A_1253, %multiple_of3A_1226] : memref<2x8x1000000xf32, #tpu.memory_space<hbm>> -> memref<2x8x128xf32, #tpu.memory_space<hbm>>
        %dma_start3A_1255 = tpu.memref_slice %arg12[%xor3A_892] : memref<2x!tpu.dma_semaphore, #tpu.memory_space<semaphore_mem>> -> memref<1x!tpu.dma_semaphore, #tpu.memory_space<semaphore_mem>>
        %dma_start3A_1256 = tpu.memref_squeeze %dma_start3A_1255 : memref<1x!tpu.dma_semaphore, #tpu.memory_space<semaphore_mem>> -> memref<!tpu.dma_semaphore, #tpu.memory_space<semaphore_mem>>
        %dma_start3A_1257 = arith.constant 0 : i32
        %dma_start3A_1258 = arith.constant 0 : i32
        %dma_start3A_1259 = arith.constant 0 : i32
        %dma_start3A_1260 = tpu.memref_slice %arg11[%xor3A_892, %dma_start3A_1246, %dma_start3A_1257, %dma_start3A_1258, %dma_start3A_1259] : memref<2x8x2x8x128xf32, #tpu.memory_space<vmem>> -> memref<1x1x2x8x128xf32, #tpu.memory_space<vmem>>
        %dma_start3A_1261 = tpu.memref_squeeze %dma_start3A_1260 : memref<1x1x2x8x128xf32, #tpu.memory_space<vmem>> -> memref<2x8x128xf32, #tpu.memory_space<vmem>>
        %dma_start3A_1262 = arith.constant 0 : i32
        %dma_start3A_1263 = arith.constant 0 : i32
        %dma_start3A_1264 = tpu.memref_slice %arg5[%dma_start3A_1262, %dma_start3A_1263, %multiple_of3A_1226] : memref<2x8x1000000xf32, #tpu.memory_space<hbm>> -> memref<2x8x128xf32, #tpu.memory_space<hbm>>
        tpu.enqueue_dma source(%dma_start3A_1264 : memref<2x8x128xf32, #tpu.memory_space<hbm>>) target(%dma_start3A_1261 : memref<2x8x128xf32, #tpu.memory_space<vmem>>) target_semaphore(%dma_start3A_1256 : memref<!tpu.dma_semaphore, #tpu.memory_space<semaphore_mem>>)
      } else {
      }
      %dma_wait3A = arith.constant 0 : i32
      %dma_wait3A_413 = arith.constant 0 : i32
      %dma_wait3A_414 = arith.constant 0 : i32
      %dma_wait3A_415 = arith.constant 0 : i32
      %dma_wait3A_416 = tpu.memref_slice %arg10[%and3A_408, %dma_wait3A, %dma_wait3A_413, %dma_wait3A_414, %dma_wait3A_415] : memref<2x8x2x8x128xf32, #tpu.memory_space<vmem>> -> memref<1x1x2x8x128xf32, #tpu.memory_space<vmem>>
      %dma_wait3A_417 = tpu.memref_squeeze %dma_wait3A_416 : memref<1x1x2x8x128xf32, #tpu.memory_space<vmem>> -> memref<2x8x128xf32, #tpu.memory_space<vmem>>
      %dma_wait3A_418 = arith.constant 0 : i32
      %dma_wait3A_419 = arith.constant 0 : i32
      %dma_wait3A_420 = arith.constant 0 : i32
      %dma_wait3A_421 = tpu.memref_slice %arg4[%dma_wait3A_418, %dma_wait3A_419, %dma_wait3A_420] : memref<2x8x1000000xf32, #tpu.memory_space<hbm>> -> memref<2x8x128xf32, #tpu.memory_space<hbm>>
      %dma_wait3A_422 = tpu.memref_slice %arg12[%and3A_408] : memref<2x!tpu.dma_semaphore, #tpu.memory_space<semaphore_mem>> -> memref<1x!tpu.dma_semaphore, #tpu.memory_space<semaphore_mem>>
      %dma_wait3A_423 = tpu.memref_squeeze %dma_wait3A_422 : memref<1x!tpu.dma_semaphore, #tpu.memory_space<semaphore_mem>> -> memref<!tpu.dma_semaphore, #tpu.memory_space<semaphore_mem>>
      %dma_wait3A_424 = arith.constant 0 : i32
      %dma_wait3A_425 = arith.constant 0 : i32
      %dma_wait3A_426 = arith.constant 0 : i32
      %dma_wait3A_427 = tpu.memref_slice %arg10[%and3A_408, %dma_wait3A, %dma_wait3A_424, %dma_wait3A_425, %dma_wait3A_426] : memref<2x8x2x8x128xf32, #tpu.memory_space<vmem>> -> memref<1x1x2x8x128xf32, #tpu.memory_space<vmem>>
      %dma_wait3A_428 = tpu.memref_squeeze %dma_wait3A_427 : memref<1x1x2x8x128xf32, #tpu.memory_space<vmem>> -> memref<2x8x128xf32, #tpu.memory_space<vmem>>
      %dma_wait3A_429 = arith.constant 0 : i32
      %dma_wait3A_430 = arith.constant 0 : i32
      %dma_wait3A_431 = arith.constant 0 : i32
      %dma_wait3A_432 = tpu.memref_slice %arg4[%dma_wait3A_429, %dma_wait3A_430, %dma_wait3A_431] : memref<2x8x1000000xf32, #tpu.memory_space<hbm>> -> memref<2x8x128xf32, #tpu.memory_space<hbm>>
      tpu.wait_dma2 semaphore(%dma_wait3A_423 : memref<!tpu.dma_semaphore, #tpu.memory_space<semaphore_mem>>) src(%dma_wait3A_432 : memref<2x8x128xf32, #tpu.memory_space<hbm>>) dst(%dma_wait3A_428 : memref<2x8x128xf32, #tpu.memory_space<vmem>>)
      %dma_wait3A_433 = arith.constant 0 : i32
      %dma_wait3A_434 = arith.constant 0 : i32
      %dma_wait3A_435 = arith.constant 0 : i32
      %dma_wait3A_436 = arith.constant 0 : i32
      %dma_wait3A_437 = tpu.memref_slice %arg11[%and3A_408, %dma_wait3A_433, %dma_wait3A_434, %dma_wait3A_435, %dma_wait3A_436] : memref<2x8x2x8x128xf32, #tpu.memory_space<vmem>> -> memref<1x1x2x8x128xf32, #tpu.memory_space<vmem>>
      %dma_wait3A_438 = tpu.memref_squeeze %dma_wait3A_437 : memref<1x1x2x8x128xf32, #tpu.memory_space<vmem>> -> memref<2x8x128xf32, #tpu.memory_space<vmem>>
      %dma_wait3A_439 = arith.constant 0 : i32
      %dma_wait3A_440 = arith.constant 0 : i32
      %dma_wait3A_441 = arith.constant 0 : i32
      %dma_wait3A_442 = tpu.memref_slice %arg5[%dma_wait3A_439, %dma_wait3A_440, %dma_wait3A_441] : memref<2x8x1000000xf32, #tpu.memory_space<hbm>> -> memref<2x8x128xf32, #tpu.memory_space<hbm>>
      %dma_wait3A_443 = tpu.memref_slice %arg12[%and3A_408] : memref<2x!tpu.dma_semaphore, #tpu.memory_space<semaphore_mem>> -> memref<1x!tpu.dma_semaphore, #tpu.memory_space<semaphore_mem>>
      %dma_wait3A_444 = tpu.memref_squeeze %dma_wait3A_443 : memref<1x!tpu.dma_semaphore, #tpu.memory_space<semaphore_mem>> -> memref<!tpu.dma_semaphore, #tpu.memory_space<semaphore_mem>>
      %dma_wait3A_445 = arith.constant 0 : i32
      %dma_wait3A_446 = arith.constant 0 : i32
      %dma_wait3A_447 = arith.constant 0 : i32
      %dma_wait3A_448 = tpu.memref_slice %arg11[%and3A_408, %dma_wait3A_433, %dma_wait3A_445, %dma_wait3A_446, %dma_wait3A_447] : memref<2x8x2x8x128xf32, #tpu.memory_space<vmem>> -> memref<1x1x2x8x128xf32, #tpu.memory_space<vmem>>
      %dma_wait3A_449 = tpu.memref_squeeze %dma_wait3A_448 : memref<1x1x2x8x128xf32, #tpu.memory_space<vmem>> -> memref<2x8x128xf32, #tpu.memory_space<vmem>>
      %dma_wait3A_450 = arith.constant 0 : i32
      %dma_wait3A_451 = arith.constant 0 : i32
      %dma_wait3A_452 = arith.constant 0 : i32
      %dma_wait3A_453 = tpu.memref_slice %arg5[%dma_wait3A_450, %dma_wait3A_451, %dma_wait3A_452] : memref<2x8x1000000xf32, #tpu.memory_space<hbm>> -> memref<2x8x128xf32, #tpu.memory_space<hbm>>
      tpu.wait_dma2 semaphore(%dma_wait3A_444 : memref<!tpu.dma_semaphore, #tpu.memory_space<semaphore_mem>>) src(%dma_wait3A_453 : memref<2x8x128xf32, #tpu.memory_space<hbm>>) dst(%dma_wait3A_449 : memref<2x8x128xf32, #tpu.memory_space<vmem>>)
      %dma_wait3A_454 = arith.constant 1 : i32
      %dma_wait3A_455 = arith.constant 0 : i32
      %dma_wait3A_456 = arith.constant 0 : i32
      %dma_wait3A_457 = arith.constant 0 : i32
      %dma_wait3A_458 = tpu.memref_slice %arg10[%and3A_408, %dma_wait3A_454, %dma_wait3A_455, %dma_wait3A_456, %dma_wait3A_457] : memref<2x8x2x8x128xf32, #tpu.memory_space<vmem>> -> memref<1x1x2x8x128xf32, #tpu.memory_space<vmem>>
      %dma_wait3A_459 = tpu.memref_squeeze %dma_wait3A_458 : memref<1x1x2x8x128xf32, #tpu.memory_space<vmem>> -> memref<2x8x128xf32, #tpu.memory_space<vmem>>
      %dma_wait3A_460 = arith.constant 0 : i32
      %dma_wait3A_461 = arith.constant 0 : i32
      %dma_wait3A_462 = arith.constant 0 : i32
      %dma_wait3A_463 = tpu.memref_slice %arg4[%dma_wait3A_460, %dma_wait3A_461, %dma_wait3A_462] : memref<2x8x1000000xf32, #tpu.memory_space<hbm>> -> memref<2x8x128xf32, #tpu.memory_space<hbm>>
      %dma_wait3A_464 = tpu.memref_slice %arg12[%and3A_408] : memref<2x!tpu.dma_semaphore, #tpu.memory_space<semaphore_mem>> -> memref<1x!tpu.dma_semaphore, #tpu.memory_space<semaphore_mem>>
      %dma_wait3A_465 = tpu.memref_squeeze %dma_wait3A_464 : memref<1x!tpu.dma_semaphore, #tpu.memory_space<semaphore_mem>> -> memref<!tpu.dma_semaphore, #tpu.memory_space<semaphore_mem>>
      %dma_wait3A_466 = arith.constant 0 : i32
      %dma_wait3A_467 = arith.constant 0 : i32
      %dma_wait3A_468 = arith.constant 0 : i32
      %dma_wait3A_469 = tpu.memref_slice %arg10[%and3A_408, %dma_wait3A_454, %dma_wait3A_466, %dma_wait3A_467, %dma_wait3A_468] : memref<2x8x2x8x128xf32, #tpu.memory_space<vmem>> -> memref<1x1x2x8x128xf32, #tpu.memory_space<vmem>>
      %dma_wait3A_470 = tpu.memref_squeeze %dma_wait3A_469 : memref<1x1x2x8x128xf32, #tpu.memory_space<vmem>> -> memref<2x8x128xf32, #tpu.memory_space<vmem>>
      %dma_wait3A_471 = arith.constant 0 : i32
      %dma_wait3A_472 = arith.constant 0 : i32
      %dma_wait3A_473 = arith.constant 0 : i32
      %dma_wait3A_474 = tpu.memref_slice %arg4[%dma_wait3A_471, %dma_wait3A_472, %dma_wait3A_473] : memref<2x8x1000000xf32, #tpu.memory_space<hbm>> -> memref<2x8x128xf32, #tpu.memory_space<hbm>>
      tpu.wait_dma2 semaphore(%dma_wait3A_465 : memref<!tpu.dma_semaphore, #tpu.memory_space<semaphore_mem>>) src(%dma_wait3A_474 : memref<2x8x128xf32, #tpu.memory_space<hbm>>) dst(%dma_wait3A_470 : memref<2x8x128xf32, #tpu.memory_space<vmem>>)
      %dma_wait3A_475 = arith.constant 1 : i32
      %dma_wait3A_476 = arith.constant 0 : i32
      %dma_wait3A_477 = arith.constant 0 : i32
      %dma_wait3A_478 = arith.constant 0 : i32
      %dma_wait3A_479 = tpu.memref_slice %arg11[%and3A_408, %dma_wait3A_475, %dma_wait3A_476, %dma_wait3A_477, %dma_wait3A_478] : memref<2x8x2x8x128xf32, #tpu.memory_space<vmem>> -> memref<1x1x2x8x128xf32, #tpu.memory_space<vmem>>
      %dma_wait3A_480 = tpu.memref_squeeze %dma_wait3A_479 : memref<1x1x2x8x128xf32, #tpu.memory_space<vmem>> -> memref<2x8x128xf32, #tpu.memory_space<vmem>>
      %dma_wait3A_481 = arith.constant 0 : i32
      %dma_wait3A_482 = arith.constant 0 : i32
      %dma_wait3A_483 = arith.constant 0 : i32
      %dma_wait3A_484 = tpu.memref_slice %arg5[%dma_wait3A_481, %dma_wait3A_482, %dma_wait3A_483] : memref<2x8x1000000xf32, #tpu.memory_space<hbm>> -> memref<2x8x128xf32, #tpu.memory_space<hbm>>
      %dma_wait3A_485 = tpu.memref_slice %arg12[%and3A_408] : memref<2x!tpu.dma_semaphore, #tpu.memory_space<semaphore_mem>> -> memref<1x!tpu.dma_semaphore, #tpu.memory_space<semaphore_mem>>
      %dma_wait3A_486 = tpu.memref_squeeze %dma_wait3A_485 : memref<1x!tpu.dma_semaphore, #tpu.memory_space<semaphore_mem>> -> memref<!tpu.dma_semaphore, #tpu.memory_space<semaphore_mem>>
      %dma_wait3A_487 = arith.constant 0 : i32
      %dma_wait3A_488 = arith.constant 0 : i32
      %dma_wait3A_489 = arith.constant 0 : i32
      %dma_wait3A_490 = tpu.memref_slice %arg11[%and3A_408, %dma_wait3A_475, %dma_wait3A_487, %dma_wait3A_488, %dma_wait3A_489] : memref<2x8x2x8x128xf32, #tpu.memory_space<vmem>> -> memref<1x1x2x8x128xf32, #tpu.memory_space<vmem>>
      %dma_wait3A_491 = tpu.memref_squeeze %dma_wait3A_490 : memref<1x1x2x8x128xf32, #tpu.memory_space<vmem>> -> memref<2x8x128xf32, #tpu.memory_space<vmem>>
      %dma_wait3A_492 = arith.constant 0 : i32
      %dma_wait3A_493 = arith.constant 0 : i32
      %dma_wait3A_494 = arith.constant 0 : i32
      %dma_wait3A_495 = tpu.memref_slice %arg5[%dma_wait3A_492, %dma_wait3A_493, %dma_wait3A_494] : memref<2x8x1000000xf32, #tpu.memory_space<hbm>> -> memref<2x8x128xf32, #tpu.memory_space<hbm>>
      tpu.wait_dma2 semaphore(%dma_wait3A_486 : memref<!tpu.dma_semaphore, #tpu.memory_space<semaphore_mem>>) src(%dma_wait3A_495 : memref<2x8x128xf32, #tpu.memory_space<hbm>>) dst(%dma_wait3A_491 : memref<2x8x128xf32, #tpu.memory_space<vmem>>)
      %dma_wait3A_496 = arith.constant 2 : i32
      %dma_wait3A_497 = arith.constant 0 : i32
      %dma_wait3A_498 = arith.constant 0 : i32
      %dma_wait3A_499 = arith.constant 0 : i32
      %dma_wait3A_500 = tpu.memref_slice %arg10[%and3A_408, %dma_wait3A_496, %dma_wait3A_497, %dma_wait3A_498, %dma_wait3A_499] : memref<2x8x2x8x128xf32, #tpu.memory_space<vmem>> -> memref<1x1x2x8x128xf32, #tpu.memory_space<vmem>>
      %dma_wait3A_501 = tpu.memref_squeeze %dma_wait3A_500 : memref<1x1x2x8x128xf32, #tpu.memory_space<vmem>> -> memref<2x8x128xf32, #tpu.memory_space<vmem>>
      %dma_wait3A_502 = arith.constant 0 : i32
      %dma_wait3A_503 = arith.constant 0 : i32
      %dma_wait3A_504 = arith.constant 0 : i32
      %dma_wait3A_505 = tpu.memref_slice %arg4[%dma_wait3A_502, %dma_wait3A_503, %dma_wait3A_504] : memref<2x8x1000000xf32, #tpu.memory_space<hbm>> -> memref<2x8x128xf32, #tpu.memory_space<hbm>>
      %dma_wait3A_506 = tpu.memref_slice %arg12[%and3A_408] : memref<2x!tpu.dma_semaphore, #tpu.memory_space<semaphore_mem>> -> memref<1x!tpu.dma_semaphore, #tpu.memory_space<semaphore_mem>>
      %dma_wait3A_507 = tpu.memref_squeeze %dma_wait3A_506 : memref<1x!tpu.dma_semaphore, #tpu.memory_space<semaphore_mem>> -> memref<!tpu.dma_semaphore, #tpu.memory_space<semaphore_mem>>
      %dma_wait3A_508 = arith.constant 0 : i32
      %dma_wait3A_509 = arith.constant 0 : i32
      %dma_wait3A_510 = arith.constant 0 : i32
      %dma_wait3A_511 = tpu.memref_slice %arg10[%and3A_408, %dma_wait3A_496, %dma_wait3A_508, %dma_wait3A_509, %dma_wait3A_510] : memref<2x8x2x8x128xf32, #tpu.memory_space<vmem>> -> memref<1x1x2x8x128xf32, #tpu.memory_space<vmem>>
      %dma_wait3A_512 = tpu.memref_squeeze %dma_wait3A_511 : memref<1x1x2x8x128xf32, #tpu.memory_space<vmem>> -> memref<2x8x128xf32, #tpu.memory_space<vmem>>
      %dma_wait3A_513 = arith.constant 0 : i32
      %dma_wait3A_514 = arith.constant 0 : i32
      %dma_wait3A_515 = arith.constant 0 : i32
      %dma_wait3A_516 = tpu.memref_slice %arg4[%dma_wait3A_513, %dma_wait3A_514, %dma_wait3A_515] : memref<2x8x1000000xf32, #tpu.memory_space<hbm>> -> memref<2x8x128xf32, #tpu.memory_space<hbm>>
      tpu.wait_dma2 semaphore(%dma_wait3A_507 : memref<!tpu.dma_semaphore, #tpu.memory_space<semaphore_mem>>) src(%dma_wait3A_516 : memref<2x8x128xf32, #tpu.memory_space<hbm>>) dst(%dma_wait3A_512 : memref<2x8x128xf32, #tpu.memory_space<vmem>>)
      %dma_wait3A_517 = arith.constant 2 : i32
      %dma_wait3A_518 = arith.constant 0 : i32
      %dma_wait3A_519 = arith.constant 0 : i32
      %dma_wait3A_520 = arith.constant 0 : i32
      %dma_wait3A_521 = tpu.memref_slice %arg11[%and3A_408, %dma_wait3A_517, %dma_wait3A_518, %dma_wait3A_519, %dma_wait3A_520] : memref<2x8x2x8x128xf32, #tpu.memory_space<vmem>> -> memref<1x1x2x8x128xf32, #tpu.memory_space<vmem>>
      %dma_wait3A_522 = tpu.memref_squeeze %dma_wait3A_521 : memref<1x1x2x8x128xf32, #tpu.memory_space<vmem>> -> memref<2x8x128xf32, #tpu.memory_space<vmem>>
      %dma_wait3A_523 = arith.constant 0 : i32
      %dma_wait3A_524 = arith.constant 0 : i32
      %dma_wait3A_525 = arith.constant 0 : i32
      %dma_wait3A_526 = tpu.memref_slice %arg5[%dma_wait3A_523, %dma_wait3A_524, %dma_wait3A_525] : memref<2x8x1000000xf32, #tpu.memory_space<hbm>> -> memref<2x8x128xf32, #tpu.memory_space<hbm>>
      %dma_wait3A_527 = tpu.memref_slice %arg12[%and3A_408] : memref<2x!tpu.dma_semaphore, #tpu.memory_space<semaphore_mem>> -> memref<1x!tpu.dma_semaphore, #tpu.memory_space<semaphore_mem>>
      %dma_wait3A_528 = tpu.memref_squeeze %dma_wait3A_527 : memref<1x!tpu.dma_semaphore, #tpu.memory_space<semaphore_mem>> -> memref<!tpu.dma_semaphore, #tpu.memory_space<semaphore_mem>>
      %dma_wait3A_529 = arith.constant 0 : i32
      %dma_wait3A_530 = arith.constant 0 : i32
      %dma_wait3A_531 = arith.constant 0 : i32
      %dma_wait3A_532 = tpu.memref_slice %arg11[%and3A_408, %dma_wait3A_517, %dma_wait3A_529, %dma_wait3A_530, %dma_wait3A_531] : memref<2x8x2x8x128xf32, #tpu.memory_space<vmem>> -> memref<1x1x2x8x128xf32, #tpu.memory_space<vmem>>
      %dma_wait3A_533 = tpu.memref_squeeze %dma_wait3A_532 : memref<1x1x2x8x128xf32, #tpu.memory_space<vmem>> -> memref<2x8x128xf32, #tpu.memory_space<vmem>>
      %dma_wait3A_534 = arith.constant 0 : i32
      %dma_wait3A_535 = arith.constant 0 : i32
      %dma_wait3A_536 = arith.constant 0 : i32
      %dma_wait3A_537 = tpu.memref_slice %arg5[%dma_wait3A_534, %dma_wait3A_535, %dma_wait3A_536] : memref<2x8x1000000xf32, #tpu.memory_space<hbm>> -> memref<2x8x128xf32, #tpu.memory_space<hbm>>
      tpu.wait_dma2 semaphore(%dma_wait3A_528 : memref<!tpu.dma_semaphore, #tpu.memory_space<semaphore_mem>>) src(%dma_wait3A_537 : memref<2x8x128xf32, #tpu.memory_space<hbm>>) dst(%dma_wait3A_533 : memref<2x8x128xf32, #tpu.memory_space<vmem>>)
      %dma_wait3A_538 = arith.constant 3 : i32
      %dma_wait3A_539 = arith.constant 0 : i32
      %dma_wait3A_540 = arith.constant 0 : i32
      %dma_wait3A_541 = arith.constant 0 : i32
      %dma_wait3A_542 = tpu.memref_slice %arg10[%and3A_408, %dma_wait3A_538, %dma_wait3A_539, %dma_wait3A_540, %dma_wait3A_541] : memref<2x8x2x8x128xf32, #tpu.memory_space<vmem>> -> memref<1x1x2x8x128xf32, #tpu.memory_space<vmem>>
      %dma_wait3A_543 = tpu.memref_squeeze %dma_wait3A_542 : memref<1x1x2x8x128xf32, #tpu.memory_space<vmem>> -> memref<2x8x128xf32, #tpu.memory_space<vmem>>
      %dma_wait3A_544 = arith.constant 0 : i32
      %dma_wait3A_545 = arith.constant 0 : i32
      %dma_wait3A_546 = arith.constant 0 : i32
      %dma_wait3A_547 = tpu.memref_slice %arg4[%dma_wait3A_544, %dma_wait3A_545, %dma_wait3A_546] : memref<2x8x1000000xf32, #tpu.memory_space<hbm>> -> memref<2x8x128xf32, #tpu.memory_space<hbm>>
      %dma_wait3A_548 = tpu.memref_slice %arg12[%and3A_408] : memref<2x!tpu.dma_semaphore, #tpu.memory_space<semaphore_mem>> -> memref<1x!tpu.dma_semaphore, #tpu.memory_space<semaphore_mem>>
      %dma_wait3A_549 = tpu.memref_squeeze %dma_wait3A_548 : memref<1x!tpu.dma_semaphore, #tpu.memory_space<semaphore_mem>> -> memref<!tpu.dma_semaphore, #tpu.memory_space<semaphore_mem>>
      %dma_wait3A_550 = arith.constant 0 : i32
      %dma_wait3A_551 = arith.constant 0 : i32
      %dma_wait3A_552 = arith.constant 0 : i32
      %dma_wait3A_553 = tpu.memref_slice %arg10[%and3A_408, %dma_wait3A_538, %dma_wait3A_550, %dma_wait3A_551, %dma_wait3A_552] : memref<2x8x2x8x128xf32, #tpu.memory_space<vmem>> -> memref<1x1x2x8x128xf32, #tpu.memory_space<vmem>>
      %dma_wait3A_554 = tpu.memref_squeeze %dma_wait3A_553 : memref<1x1x2x8x128xf32, #tpu.memory_space<vmem>> -> memref<2x8x128xf32, #tpu.memory_space<vmem>>
      %dma_wait3A_555 = arith.constant 0 : i32
      %dma_wait3A_556 = arith.constant 0 : i32
      %dma_wait3A_557 = arith.constant 0 : i32
      %dma_wait3A_558 = tpu.memref_slice %arg4[%dma_wait3A_555, %dma_wait3A_556, %dma_wait3A_557] : memref<2x8x1000000xf32, #tpu.memory_space<hbm>> -> memref<2x8x128xf32, #tpu.memory_space<hbm>>
      tpu.wait_dma2 semaphore(%dma_wait3A_549 : memref<!tpu.dma_semaphore, #tpu.memory_space<semaphore_mem>>) src(%dma_wait3A_558 : memref<2x8x128xf32, #tpu.memory_space<hbm>>) dst(%dma_wait3A_554 : memref<2x8x128xf32, #tpu.memory_space<vmem>>)
      %dma_wait3A_559 = arith.constant 3 : i32
      %dma_wait3A_560 = arith.constant 0 : i32
      %dma_wait3A_561 = arith.constant 0 : i32
      %dma_wait3A_562 = arith.constant 0 : i32
      %dma_wait3A_563 = tpu.memref_slice %arg11[%and3A_408, %dma_wait3A_559, %dma_wait3A_560, %dma_wait3A_561, %dma_wait3A_562] : memref<2x8x2x8x128xf32, #tpu.memory_space<vmem>> -> memref<1x1x2x8x128xf32, #tpu.memory_space<vmem>>
      %dma_wait3A_564 = tpu.memref_squeeze %dma_wait3A_563 : memref<1x1x2x8x128xf32, #tpu.memory_space<vmem>> -> memref<2x8x128xf32, #tpu.memory_space<vmem>>
      %dma_wait3A_565 = arith.constant 0 : i32
      %dma_wait3A_566 = arith.constant 0 : i32
      %dma_wait3A_567 = arith.constant 0 : i32
      %dma_wait3A_568 = tpu.memref_slice %arg5[%dma_wait3A_565, %dma_wait3A_566, %dma_wait3A_567] : memref<2x8x1000000xf32, #tpu.memory_space<hbm>> -> memref<2x8x128xf32, #tpu.memory_space<hbm>>
      %dma_wait3A_569 = tpu.memref_slice %arg12[%and3A_408] : memref<2x!tpu.dma_semaphore, #tpu.memory_space<semaphore_mem>> -> memref<1x!tpu.dma_semaphore, #tpu.memory_space<semaphore_mem>>
      %dma_wait3A_570 = tpu.memref_squeeze %dma_wait3A_569 : memref<1x!tpu.dma_semaphore, #tpu.memory_space<semaphore_mem>> -> memref<!tpu.dma_semaphore, #tpu.memory_space<semaphore_mem>>
      %dma_wait3A_571 = arith.constant 0 : i32
      %dma_wait3A_572 = arith.constant 0 : i32
      %dma_wait3A_573 = arith.constant 0 : i32
      %dma_wait3A_574 = tpu.memref_slice %arg11[%and3A_408, %dma_wait3A_559, %dma_wait3A_571, %dma_wait3A_572, %dma_wait3A_573] : memref<2x8x2x8x128xf32, #tpu.memory_space<vmem>> -> memref<1x1x2x8x128xf32, #tpu.memory_space<vmem>>
      %dma_wait3A_575 = tpu.memref_squeeze %dma_wait3A_574 : memref<1x1x2x8x128xf32, #tpu.memory_space<vmem>> -> memref<2x8x128xf32, #tpu.memory_space<vmem>>
      %dma_wait3A_576 = arith.constant 0 : i32
      %dma_wait3A_577 = arith.constant 0 : i32
      %dma_wait3A_578 = arith.constant 0 : i32
      %dma_wait3A_579 = tpu.memref_slice %arg5[%dma_wait3A_576, %dma_wait3A_577, %dma_wait3A_578] : memref<2x8x1000000xf32, #tpu.memory_space<hbm>> -> memref<2x8x128xf32, #tpu.memory_space<hbm>>
      tpu.wait_dma2 semaphore(%dma_wait3A_570 : memref<!tpu.dma_semaphore, #tpu.memory_space<semaphore_mem>>) src(%dma_wait3A_579 : memref<2x8x128xf32, #tpu.memory_space<hbm>>) dst(%dma_wait3A_575 : memref<2x8x128xf32, #tpu.memory_space<vmem>>)
      %dma_wait3A_580 = arith.constant 4 : i32
      %dma_wait3A_581 = arith.constant 0 : i32
      %dma_wait3A_582 = arith.constant 0 : i32
      %dma_wait3A_583 = arith.constant 0 : i32
      %dma_wait3A_584 = tpu.memref_slice %arg10[%and3A_408, %dma_wait3A_580, %dma_wait3A_581, %dma_wait3A_582, %dma_wait3A_583] : memref<2x8x2x8x128xf32, #tpu.memory_space<vmem>> -> memref<1x1x2x8x128xf32, #tpu.memory_space<vmem>>
      %dma_wait3A_585 = tpu.memref_squeeze %dma_wait3A_584 : memref<1x1x2x8x128xf32, #tpu.memory_space<vmem>> -> memref<2x8x128xf32, #tpu.memory_space<vmem>>
      %dma_wait3A_586 = arith.constant 0 : i32
      %dma_wait3A_587 = arith.constant 0 : i32
      %dma_wait3A_588 = arith.constant 0 : i32
      %dma_wait3A_589 = tpu.memref_slice %arg4[%dma_wait3A_586, %dma_wait3A_587, %dma_wait3A_588] : memref<2x8x1000000xf32, #tpu.memory_space<hbm>> -> memref<2x8x128xf32, #tpu.memory_space<hbm>>
      %dma_wait3A_590 = tpu.memref_slice %arg12[%and3A_408] : memref<2x!tpu.dma_semaphore, #tpu.memory_space<semaphore_mem>> -> memref<1x!tpu.dma_semaphore, #tpu.memory_space<semaphore_mem>>
      %dma_wait3A_591 = tpu.memref_squeeze %dma_wait3A_590 : memref<1x!tpu.dma_semaphore, #tpu.memory_space<semaphore_mem>> -> memref<!tpu.dma_semaphore, #tpu.memory_space<semaphore_mem>>
      %dma_wait3A_592 = arith.constant 0 : i32
      %dma_wait3A_593 = arith.constant 0 : i32
      %dma_wait3A_594 = arith.constant 0 : i32
      %dma_wait3A_595 = tpu.memref_slice %arg10[%and3A_408, %dma_wait3A_580, %dma_wait3A_592, %dma_wait3A_593, %dma_wait3A_594] : memref<2x8x2x8x128xf32, #tpu.memory_space<vmem>> -> memref<1x1x2x8x128xf32, #tpu.memory_space<vmem>>
      %dma_wait3A_596 = tpu.memref_squeeze %dma_wait3A_595 : memref<1x1x2x8x128xf32, #tpu.memory_space<vmem>> -> memref<2x8x128xf32, #tpu.memory_space<vmem>>
      %dma_wait3A_597 = arith.constant 0 : i32
      %dma_wait3A_598 = arith.constant 0 : i32
      %dma_wait3A_599 = arith.constant 0 : i32
      %dma_wait3A_600 = tpu.memref_slice %arg4[%dma_wait3A_597, %dma_wait3A_598, %dma_wait3A_599] : memref<2x8x1000000xf32, #tpu.memory_space<hbm>> -> memref<2x8x128xf32, #tpu.memory_space<hbm>>
      tpu.wait_dma2 semaphore(%dma_wait3A_591 : memref<!tpu.dma_semaphore, #tpu.memory_space<semaphore_mem>>) src(%dma_wait3A_600 : memref<2x8x128xf32, #tpu.memory_space<hbm>>) dst(%dma_wait3A_596 : memref<2x8x128xf32, #tpu.memory_space<vmem>>)
      %dma_wait3A_601 = arith.constant 4 : i32
      %dma_wait3A_602 = arith.constant 0 : i32
      %dma_wait3A_603 = arith.constant 0 : i32
      %dma_wait3A_604 = arith.constant 0 : i32
      %dma_wait3A_605 = tpu.memref_slice %arg11[%and3A_408, %dma_wait3A_601, %dma_wait3A_602, %dma_wait3A_603, %dma_wait3A_604] : memref<2x8x2x8x128xf32, #tpu.memory_space<vmem>> -> memref<1x1x2x8x128xf32, #tpu.memory_space<vmem>>
      %dma_wait3A_606 = tpu.memref_squeeze %dma_wait3A_605 : memref<1x1x2x8x128xf32, #tpu.memory_space<vmem>> -> memref<2x8x128xf32, #tpu.memory_space<vmem>>
      %dma_wait3A_607 = arith.constant 0 : i32
      %dma_wait3A_608 = arith.constant 0 : i32
      %dma_wait3A_609 = arith.constant 0 : i32
      %dma_wait3A_610 = tpu.memref_slice %arg5[%dma_wait3A_607, %dma_wait3A_608, %dma_wait3A_609] : memref<2x8x1000000xf32, #tpu.memory_space<hbm>> -> memref<2x8x128xf32, #tpu.memory_space<hbm>>
      %dma_wait3A_611 = tpu.memref_slice %arg12[%and3A_408] : memref<2x!tpu.dma_semaphore, #tpu.memory_space<semaphore_mem>> -> memref<1x!tpu.dma_semaphore, #tpu.memory_space<semaphore_mem>>
      %dma_wait3A_612 = tpu.memref_squeeze %dma_wait3A_611 : memref<1x!tpu.dma_semaphore, #tpu.memory_space<semaphore_mem>> -> memref<!tpu.dma_semaphore, #tpu.memory_space<semaphore_mem>>
      %dma_wait3A_613 = arith.constant 0 : i32
      %dma_wait3A_614 = arith.constant 0 : i32
      %dma_wait3A_615 = arith.constant 0 : i32
      %dma_wait3A_616 = tpu.memref_slice %arg11[%and3A_408, %dma_wait3A_601, %dma_wait3A_613, %dma_wait3A_614, %dma_wait3A_615] : memref<2x8x2x8x128xf32, #tpu.memory_space<vmem>> -> memref<1x1x2x8x128xf32, #tpu.memory_space<vmem>>
      %dma_wait3A_617 = tpu.memref_squeeze %dma_wait3A_616 : memref<1x1x2x8x128xf32, #tpu.memory_space<vmem>> -> memref<2x8x128xf32, #tpu.memory_space<vmem>>
      %dma_wait3A_618 = arith.constant 0 : i32
      %dma_wait3A_619 = arith.constant 0 : i32
      %dma_wait3A_620 = arith.constant 0 : i32
      %dma_wait3A_621 = tpu.memref_slice %arg5[%dma_wait3A_618, %dma_wait3A_619, %dma_wait3A_620] : memref<2x8x1000000xf32, #tpu.memory_space<hbm>> -> memref<2x8x128xf32, #tpu.memory_space<hbm>>
      tpu.wait_dma2 semaphore(%dma_wait3A_612 : memref<!tpu.dma_semaphore, #tpu.memory_space<semaphore_mem>>) src(%dma_wait3A_621 : memref<2x8x128xf32, #tpu.memory_space<hbm>>) dst(%dma_wait3A_617 : memref<2x8x128xf32, #tpu.memory_space<vmem>>)
      %dma_wait3A_622 = arith.constant 5 : i32
      %dma_wait3A_623 = arith.constant 0 : i32
      %dma_wait3A_624 = arith.constant 0 : i32
      %dma_wait3A_625 = arith.constant 0 : i32
      %dma_wait3A_626 = tpu.memref_slice %arg10[%and3A_408, %dma_wait3A_622, %dma_wait3A_623, %dma_wait3A_624, %dma_wait3A_625] : memref<2x8x2x8x128xf32, #tpu.memory_space<vmem>> -> memref<1x1x2x8x128xf32, #tpu.memory_space<vmem>>
      %dma_wait3A_627 = tpu.memref_squeeze %dma_wait3A_626 : memref<1x1x2x8x128xf32, #tpu.memory_space<vmem>> -> memref<2x8x128xf32, #tpu.memory_space<vmem>>
      %dma_wait3A_628 = arith.constant 0 : i32
      %dma_wait3A_629 = arith.constant 0 : i32
      %dma_wait3A_630 = arith.constant 0 : i32
      %dma_wait3A_631 = tpu.memref_slice %arg4[%dma_wait3A_628, %dma_wait3A_629, %dma_wait3A_630] : memref<2x8x1000000xf32, #tpu.memory_space<hbm>> -> memref<2x8x128xf32, #tpu.memory_space<hbm>>
      %dma_wait3A_632 = tpu.memref_slice %arg12[%and3A_408] : memref<2x!tpu.dma_semaphore, #tpu.memory_space<semaphore_mem>> -> memref<1x!tpu.dma_semaphore, #tpu.memory_space<semaphore_mem>>
      %dma_wait3A_633 = tpu.memref_squeeze %dma_wait3A_632 : memref<1x!tpu.dma_semaphore, #tpu.memory_space<semaphore_mem>> -> memref<!tpu.dma_semaphore, #tpu.memory_space<semaphore_mem>>
      %dma_wait3A_634 = arith.constant 0 : i32
      %dma_wait3A_635 = arith.constant 0 : i32
      %dma_wait3A_636 = arith.constant 0 : i32
      %dma_wait3A_637 = tpu.memref_slice %arg10[%and3A_408, %dma_wait3A_622, %dma_wait3A_634, %dma_wait3A_635, %dma_wait3A_636] : memref<2x8x2x8x128xf32, #tpu.memory_space<vmem>> -> memref<1x1x2x8x128xf32, #tpu.memory_space<vmem>>
      %dma_wait3A_638 = tpu.memref_squeeze %dma_wait3A_637 : memref<1x1x2x8x128xf32, #tpu.memory_space<vmem>> -> memref<2x8x128xf32, #tpu.memory_space<vmem>>
      %dma_wait3A_639 = arith.constant 0 : i32
      %dma_wait3A_640 = arith.constant 0 : i32
      %dma_wait3A_641 = arith.constant 0 : i32
      %dma_wait3A_642 = tpu.memref_slice %arg4[%dma_wait3A_639, %dma_wait3A_640, %dma_wait3A_641] : memref<2x8x1000000xf32, #tpu.memory_space<hbm>> -> memref<2x8x128xf32, #tpu.memory_space<hbm>>
      tpu.wait_dma2 semaphore(%dma_wait3A_633 : memref<!tpu.dma_semaphore, #tpu.memory_space<semaphore_mem>>) src(%dma_wait3A_642 : memref<2x8x128xf32, #tpu.memory_space<hbm>>) dst(%dma_wait3A_638 : memref<2x8x128xf32, #tpu.memory_space<vmem>>)
      %dma_wait3A_643 = arith.constant 5 : i32
      %dma_wait3A_644 = arith.constant 0 : i32
      %dma_wait3A_645 = arith.constant 0 : i32
      %dma_wait3A_646 = arith.constant 0 : i32
      %dma_wait3A_647 = tpu.memref_slice %arg11[%and3A_408, %dma_wait3A_643, %dma_wait3A_644, %dma_wait3A_645, %dma_wait3A_646] : memref<2x8x2x8x128xf32, #tpu.memory_space<vmem>> -> memref<1x1x2x8x128xf32, #tpu.memory_space<vmem>>
      %dma_wait3A_648 = tpu.memref_squeeze %dma_wait3A_647 : memref<1x1x2x8x128xf32, #tpu.memory_space<vmem>> -> memref<2x8x128xf32, #tpu.memory_space<vmem>>
      %dma_wait3A_649 = arith.constant 0 : i32
      %dma_wait3A_650 = arith.constant 0 : i32
      %dma_wait3A_651 = arith.constant 0 : i32
      %dma_wait3A_652 = tpu.memref_slice %arg5[%dma_wait3A_649, %dma_wait3A_650, %dma_wait3A_651] : memref<2x8x1000000xf32, #tpu.memory_space<hbm>> -> memref<2x8x128xf32, #tpu.memory_space<hbm>>
      %dma_wait3A_653 = tpu.memref_slice %arg12[%and3A_408] : memref<2x!tpu.dma_semaphore, #tpu.memory_space<semaphore_mem>> -> memref<1x!tpu.dma_semaphore, #tpu.memory_space<semaphore_mem>>
      %dma_wait3A_654 = tpu.memref_squeeze %dma_wait3A_653 : memref<1x!tpu.dma_semaphore, #tpu.memory_space<semaphore_mem>> -> memref<!tpu.dma_semaphore, #tpu.memory_space<semaphore_mem>>
      %dma_wait3A_655 = arith.constant 0 : i32
      %dma_wait3A_656 = arith.constant 0 : i32
      %dma_wait3A_657 = arith.constant 0 : i32
      %dma_wait3A_658 = tpu.memref_slice %arg11[%and3A_408, %dma_wait3A_643, %dma_wait3A_655, %dma_wait3A_656, %dma_wait3A_657] : memref<2x8x2x8x128xf32, #tpu.memory_space<vmem>> -> memref<1x1x2x8x128xf32, #tpu.memory_space<vmem>>
      %dma_wait3A_659 = tpu.memref_squeeze %dma_wait3A_658 : memref<1x1x2x8x128xf32, #tpu.memory_space<vmem>> -> memref<2x8x128xf32, #tpu.memory_space<vmem>>
      %dma_wait3A_660 = arith.constant 0 : i32
      %dma_wait3A_661 = arith.constant 0 : i32
      %dma_wait3A_662 = arith.constant 0 : i32
      %dma_wait3A_663 = tpu.memref_slice %arg5[%dma_wait3A_660, %dma_wait3A_661, %dma_wait3A_662] : memref<2x8x1000000xf32, #tpu.memory_space<hbm>> -> memref<2x8x128xf32, #tpu.memory_space<hbm>>
      tpu.wait_dma2 semaphore(%dma_wait3A_654 : memref<!tpu.dma_semaphore, #tpu.memory_space<semaphore_mem>>) src(%dma_wait3A_663 : memref<2x8x128xf32, #tpu.memory_space<hbm>>) dst(%dma_wait3A_659 : memref<2x8x128xf32, #tpu.memory_space<vmem>>)
      %dma_wait3A_664 = arith.constant 6 : i32
      %dma_wait3A_665 = arith.constant 0 : i32
      %dma_wait3A_666 = arith.constant 0 : i32
      %dma_wait3A_667 = arith.constant 0 : i32
      %dma_wait3A_668 = tpu.memref_slice %arg10[%and3A_408, %dma_wait3A_664, %dma_wait3A_665, %dma_wait3A_666, %dma_wait3A_667] : memref<2x8x2x8x128xf32, #tpu.memory_space<vmem>> -> memref<1x1x2x8x128xf32, #tpu.memory_space<vmem>>
      %dma_wait3A_669 = tpu.memref_squeeze %dma_wait3A_668 : memref<1x1x2x8x128xf32, #tpu.memory_space<vmem>> -> memref<2x8x128xf32, #tpu.memory_space<vmem>>
      %dma_wait3A_670 = arith.constant 0 : i32
      %dma_wait3A_671 = arith.constant 0 : i32
      %dma_wait3A_672 = arith.constant 0 : i32
      %dma_wait3A_673 = tpu.memref_slice %arg4[%dma_wait3A_670, %dma_wait3A_671, %dma_wait3A_672] : memref<2x8x1000000xf32, #tpu.memory_space<hbm>> -> memref<2x8x128xf32, #tpu.memory_space<hbm>>
      %dma_wait3A_674 = tpu.memref_slice %arg12[%and3A_408] : memref<2x!tpu.dma_semaphore, #tpu.memory_space<semaphore_mem>> -> memref<1x!tpu.dma_semaphore, #tpu.memory_space<semaphore_mem>>
      %dma_wait3A_675 = tpu.memref_squeeze %dma_wait3A_674 : memref<1x!tpu.dma_semaphore, #tpu.memory_space<semaphore_mem>> -> memref<!tpu.dma_semaphore, #tpu.memory_space<semaphore_mem>>
      %dma_wait3A_676 = arith.constant 0 : i32
      %dma_wait3A_677 = arith.constant 0 : i32
      %dma_wait3A_678 = arith.constant 0 : i32
      %dma_wait3A_679 = tpu.memref_slice %arg10[%and3A_408, %dma_wait3A_664, %dma_wait3A_676, %dma_wait3A_677, %dma_wait3A_678] : memref<2x8x2x8x128xf32, #tpu.memory_space<vmem>> -> memref<1x1x2x8x128xf32, #tpu.memory_space<vmem>>
      %dma_wait3A_680 = tpu.memref_squeeze %dma_wait3A_679 : memref<1x1x2x8x128xf32, #tpu.memory_space<vmem>> -> memref<2x8x128xf32, #tpu.memory_space<vmem>>
      %dma_wait3A_681 = arith.constant 0 : i32
      %dma_wait3A_682 = arith.constant 0 : i32
      %dma_wait3A_683 = arith.constant 0 : i32
      %dma_wait3A_684 = tpu.memref_slice %arg4[%dma_wait3A_681, %dma_wait3A_682, %dma_wait3A_683] : memref<2x8x1000000xf32, #tpu.memory_space<hbm>> -> memref<2x8x128xf32, #tpu.memory_space<hbm>>
      tpu.wait_dma2 semaphore(%dma_wait3A_675 : memref<!tpu.dma_semaphore, #tpu.memory_space<semaphore_mem>>) src(%dma_wait3A_684 : memref<2x8x128xf32, #tpu.memory_space<hbm>>) dst(%dma_wait3A_680 : memref<2x8x128xf32, #tpu.memory_space<vmem>>)
      %dma_wait3A_685 = arith.constant 6 : i32
      %dma_wait3A_686 = arith.constant 0 : i32
      %dma_wait3A_687 = arith.constant 0 : i32
      %dma_wait3A_688 = arith.constant 0 : i32
      %dma_wait3A_689 = tpu.memref_slice %arg11[%and3A_408, %dma_wait3A_685, %dma_wait3A_686, %dma_wait3A_687, %dma_wait3A_688] : memref<2x8x2x8x128xf32, #tpu.memory_space<vmem>> -> memref<1x1x2x8x128xf32, #tpu.memory_space<vmem>>
      %dma_wait3A_690 = tpu.memref_squeeze %dma_wait3A_689 : memref<1x1x2x8x128xf32, #tpu.memory_space<vmem>> -> memref<2x8x128xf32, #tpu.memory_space<vmem>>
      %dma_wait3A_691 = arith.constant 0 : i32
      %dma_wait3A_692 = arith.constant 0 : i32
      %dma_wait3A_693 = arith.constant 0 : i32
      %dma_wait3A_694 = tpu.memref_slice %arg5[%dma_wait3A_691, %dma_wait3A_692, %dma_wait3A_693] : memref<2x8x1000000xf32, #tpu.memory_space<hbm>> -> memref<2x8x128xf32, #tpu.memory_space<hbm>>
      %dma_wait3A_695 = tpu.memref_slice %arg12[%and3A_408] : memref<2x!tpu.dma_semaphore, #tpu.memory_space<semaphore_mem>> -> memref<1x!tpu.dma_semaphore, #tpu.memory_space<semaphore_mem>>
      %dma_wait3A_696 = tpu.memref_squeeze %dma_wait3A_695 : memref<1x!tpu.dma_semaphore, #tpu.memory_space<semaphore_mem>> -> memref<!tpu.dma_semaphore, #tpu.memory_space<semaphore_mem>>
      %dma_wait3A_697 = arith.constant 0 : i32
      %dma_wait3A_698 = arith.constant 0 : i32
      %dma_wait3A_699 = arith.constant 0 : i32
      %dma_wait3A_700 = tpu.memref_slice %arg11[%and3A_408, %dma_wait3A_685, %dma_wait3A_697, %dma_wait3A_698, %dma_wait3A_699] : memref<2x8x2x8x128xf32, #tpu.memory_space<vmem>> -> memref<1x1x2x8x128xf32, #tpu.memory_space<vmem>>
      %dma_wait3A_701 = tpu.memref_squeeze %dma_wait3A_700 : memref<1x1x2x8x128xf32, #tpu.memory_space<vmem>> -> memref<2x8x128xf32, #tpu.memory_space<vmem>>
      %dma_wait3A_702 = arith.constant 0 : i32
      %dma_wait3A_703 = arith.constant 0 : i32
      %dma_wait3A_704 = arith.constant 0 : i32
      %dma_wait3A_705 = tpu.memref_slice %arg5[%dma_wait3A_702, %dma_wait3A_703, %dma_wait3A_704] : memref<2x8x1000000xf32, #tpu.memory_space<hbm>> -> memref<2x8x128xf32, #tpu.memory_space<hbm>>
      tpu.wait_dma2 semaphore(%dma_wait3A_696 : memref<!tpu.dma_semaphore, #tpu.memory_space<semaphore_mem>>) src(%dma_wait3A_705 : memref<2x8x128xf32, #tpu.memory_space<hbm>>) dst(%dma_wait3A_701 : memref<2x8x128xf32, #tpu.memory_space<vmem>>)
      %dma_wait3A_706 = arith.constant 7 : i32
      %dma_wait3A_707 = arith.constant 0 : i32
      %dma_wait3A_708 = arith.constant 0 : i32
      %dma_wait3A_709 = arith.constant 0 : i32
      %dma_wait3A_710 = tpu.memref_slice %arg10[%and3A_408, %dma_wait3A_706, %dma_wait3A_707, %dma_wait3A_708, %dma_wait3A_709] : memref<2x8x2x8x128xf32, #tpu.memory_space<vmem>> -> memref<1x1x2x8x128xf32, #tpu.memory_space<vmem>>
      %dma_wait3A_711 = tpu.memref_squeeze %dma_wait3A_710 : memref<1x1x2x8x128xf32, #tpu.memory_space<vmem>> -> memref<2x8x128xf32, #tpu.memory_space<vmem>>
      %dma_wait3A_712 = arith.constant 0 : i32
      %dma_wait3A_713 = arith.constant 0 : i32
      %dma_wait3A_714 = arith.constant 0 : i32
      %dma_wait3A_715 = tpu.memref_slice %arg4[%dma_wait3A_712, %dma_wait3A_713, %dma_wait3A_714] : memref<2x8x1000000xf32, #tpu.memory_space<hbm>> -> memref<2x8x128xf32, #tpu.memory_space<hbm>>
      %dma_wait3A_716 = tpu.memref_slice %arg12[%and3A_408] : memref<2x!tpu.dma_semaphore, #tpu.memory_space<semaphore_mem>> -> memref<1x!tpu.dma_semaphore, #tpu.memory_space<semaphore_mem>>
      %dma_wait3A_717 = tpu.memref_squeeze %dma_wait3A_716 : memref<1x!tpu.dma_semaphore, #tpu.memory_space<semaphore_mem>> -> memref<!tpu.dma_semaphore, #tpu.memory_space<semaphore_mem>>
      %dma_wait3A_718 = arith.constant 0 : i32
      %dma_wait3A_719 = arith.constant 0 : i32
      %dma_wait3A_720 = arith.constant 0 : i32
      %dma_wait3A_721 = tpu.memref_slice %arg10[%and3A_408, %dma_wait3A_706, %dma_wait3A_718, %dma_wait3A_719, %dma_wait3A_720] : memref<2x8x2x8x128xf32, #tpu.memory_space<vmem>> -> memref<1x1x2x8x128xf32, #tpu.memory_space<vmem>>
      %dma_wait3A_722 = tpu.memref_squeeze %dma_wait3A_721 : memref<1x1x2x8x128xf32, #tpu.memory_space<vmem>> -> memref<2x8x128xf32, #tpu.memory_space<vmem>>
      %dma_wait3A_723 = arith.constant 0 : i32
      %dma_wait3A_724 = arith.constant 0 : i32
      %dma_wait3A_725 = arith.constant 0 : i32
      %dma_wait3A_726 = tpu.memref_slice %arg4[%dma_wait3A_723, %dma_wait3A_724, %dma_wait3A_725] : memref<2x8x1000000xf32, #tpu.memory_space<hbm>> -> memref<2x8x128xf32, #tpu.memory_space<hbm>>
      tpu.wait_dma2 semaphore(%dma_wait3A_717 : memref<!tpu.dma_semaphore, #tpu.memory_space<semaphore_mem>>) src(%dma_wait3A_726 : memref<2x8x128xf32, #tpu.memory_space<hbm>>) dst(%dma_wait3A_722 : memref<2x8x128xf32, #tpu.memory_space<vmem>>)
      %dma_wait3A_727 = arith.constant 7 : i32
      %dma_wait3A_728 = arith.constant 0 : i32
      %dma_wait3A_729 = arith.constant 0 : i32
      %dma_wait3A_730 = arith.constant 0 : i32
      %dma_wait3A_731 = tpu.memref_slice %arg11[%and3A_408, %dma_wait3A_727, %dma_wait3A_728, %dma_wait3A_729, %dma_wait3A_730] : memref<2x8x2x8x128xf32, #tpu.memory_space<vmem>> -> memref<1x1x2x8x128xf32, #tpu.memory_space<vmem>>
      %dma_wait3A_732 = tpu.memref_squeeze %dma_wait3A_731 : memref<1x1x2x8x128xf32, #tpu.memory_space<vmem>> -> memref<2x8x128xf32, #tpu.memory_space<vmem>>
      %dma_wait3A_733 = arith.constant 0 : i32
      %dma_wait3A_734 = arith.constant 0 : i32
      %dma_wait3A_735 = arith.constant 0 : i32
      %dma_wait3A_736 = tpu.memref_slice %arg5[%dma_wait3A_733, %dma_wait3A_734, %dma_wait3A_735] : memref<2x8x1000000xf32, #tpu.memory_space<hbm>> -> memref<2x8x128xf32, #tpu.memory_space<hbm>>
      %dma_wait3A_737 = tpu.memref_slice %arg12[%and3A_408] : memref<2x!tpu.dma_semaphore, #tpu.memory_space<semaphore_mem>> -> memref<1x!tpu.dma_semaphore, #tpu.memory_space<semaphore_mem>>
      %dma_wait3A_738 = tpu.memref_squeeze %dma_wait3A_737 : memref<1x!tpu.dma_semaphore, #tpu.memory_space<semaphore_mem>> -> memref<!tpu.dma_semaphore, #tpu.memory_space<semaphore_mem>>
      %dma_wait3A_739 = arith.constant 0 : i32
      %dma_wait3A_740 = arith.constant 0 : i32
      %dma_wait3A_741 = arith.constant 0 : i32
      %dma_wait3A_742 = tpu.memref_slice %arg11[%and3A_408, %dma_wait3A_727, %dma_wait3A_739, %dma_wait3A_740, %dma_wait3A_741] : memref<2x8x2x8x128xf32, #tpu.memory_space<vmem>> -> memref<1x1x2x8x128xf32, #tpu.memory_space<vmem>>
      %dma_wait3A_743 = tpu.memref_squeeze %dma_wait3A_742 : memref<1x1x2x8x128xf32, #tpu.memory_space<vmem>> -> memref<2x8x128xf32, #tpu.memory_space<vmem>>
      %dma_wait3A_744 = arith.constant 0 : i32
      %dma_wait3A_745 = arith.constant 0 : i32
      %dma_wait3A_746 = arith.constant 0 : i32
      %dma_wait3A_747 = tpu.memref_slice %arg5[%dma_wait3A_744, %dma_wait3A_745, %dma_wait3A_746] : memref<2x8x1000000xf32, #tpu.memory_space<hbm>> -> memref<2x8x128xf32, #tpu.memory_space<hbm>>
      tpu.wait_dma2 semaphore(%dma_wait3A_738 : memref<!tpu.dma_semaphore, #tpu.memory_space<semaphore_mem>>) src(%dma_wait3A_747 : memref<2x8x128xf32, #tpu.memory_space<hbm>>) dst(%dma_wait3A_743 : memref<2x8x128xf32, #tpu.memory_space<vmem>>)
      %mul3A_748 = arith.constant 8 : i32
      %mul3A_749 = arith.muli %scan3A_405, %mul3A_748 : i32
      %get3A_750 = arith.index_cast %mul3A_749 : i32 to index
      %get3A_751 = tpu.vector_load %arg7[%get3A_750] {strides = array<i32>} : memref<528xi32, #tpu.memory_space<vmem>>, vector<16xi32>,
      %get3A_752 = arith.index_cast %mul3A_749 : i32 to index
      %get3A_753 = tpu.vector_load %arg8[%get3A_752] {strides = array<i32>} : memref<528xi32, #tpu.memory_space<vmem>>, vector<16xi32>,
      %and3A_754 = arith.constant 127 : i32
      %and3A_755 = vector.broadcast %and3A_754 : i32 to vector<16xi32>
      %and3A_756 = arith.andi %get3A_751, %and3A_755 : vector<16xi32>
      %and3A_757 = arith.constant 127 : i32
      %and3A_758 = vector.broadcast %and3A_757 : i32 to vector<16xi32>
      %and3A_759 = arith.andi %get3A_753, %and3A_758 : vector<16xi32>
      %broadcast_in_dim3A_760 = vector.broadcast %and3A_408 : i32 to vector<16xi32>
      %broadcast_in_dim3A_761 = arith.constant 0 : i32
      %broadcast_in_dim3A_762 = vector.broadcast %broadcast_in_dim3A_761 : i32 to vector<16xi32>
      %broadcast_in_dim3A_763 = arith.constant 0 : i32
      %broadcast_in_dim3A_764 = vector.broadcast %broadcast_in_dim3A_763 : i32 to vector<16xi32>
      %gather3A = tpu.vector_load_idx %arg10[%broadcast_in_dim3A_760, %and3A_397, %broadcast_in_dim3A_762, %broadcast_in_dim3A_764, %and3A_756] : memref<2x8x2x8x128xf32, #tpu.memory_space<vmem>>[vector<16xi32>, vector<16xi32>, vector<16xi32>, vector<16xi32>, vector<16xi32>], vector<16xf32>,
      %gather3A_765 = tpu.vector_load_idx %arg11[%broadcast_in_dim3A_760, %and3A_397, %broadcast_in_dim3A_762, %broadcast_in_dim3A_764, %and3A_759] : memref<2x8x2x8x128xf32, #tpu.memory_space<vmem>>[vector<16xi32>, vector<16xi32>, vector<16xi32>, vector<16xi32>, vector<16xi32>], vector<16xf32>,
      %mul3A_766 = arith.mulf %gather3A, %gather3A_765 : vector<16xf32>
      %add3A_767 = arith.addf %broadcast_in_dim3A_398, %mul3A_766 : vector<16xf32>
      %broadcast_in_dim3A_768 = arith.constant 0 : i32
      %broadcast_in_dim3A_769 = vector.broadcast %broadcast_in_dim3A_768 : i32 to vector<16xi32>
      %broadcast_in_dim3A_770 = arith.constant 1 : i32
      %broadcast_in_dim3A_771 = vector.broadcast %broadcast_in_dim3A_770 : i32 to vector<16xi32>
      %gather3A_772 = tpu.vector_load_idx %arg10[%broadcast_in_dim3A_760, %and3A_397, %broadcast_in_dim3A_769, %broadcast_in_dim3A_771, %and3A_756] : memref<2x8x2x8x128xf32, #tpu.memory_space<vmem>>[vector<16xi32>, vector<16xi32>, vector<16xi32>, vector<16xi32>, vector<16xi32>], vector<16xf32>,
      %gather3A_773 = tpu.vector_load_idx %arg11[%broadcast_in_dim3A_760, %and3A_397, %broadcast_in_dim3A_769, %broadcast_in_dim3A_771, %and3A_759] : memref<2x8x2x8x128xf32, #tpu.memory_space<vmem>>[vector<16xi32>, vector<16xi32>, vector<16xi32>, vector<16xi32>, vector<16xi32>], vector<16xf32>,
      %mul3A_774 = arith.mulf %gather3A_772, %gather3A_773 : vector<16xf32>
      %add3A_775 = arith.addf %add3A_767, %mul3A_774 : vector<16xf32>
      %broadcast_in_dim3A_776 = arith.constant 0 : i32
      %broadcast_in_dim3A_777 = vector.broadcast %broadcast_in_dim3A_776 : i32 to vector<16xi32>
      %broadcast_in_dim3A_778 = arith.constant 2 : i32
      %broadcast_in_dim3A_779 = vector.broadcast %broadcast_in_dim3A_778 : i32 to vector<16xi32>
      %gather3A_780 = tpu.vector_load_idx %arg10[%broadcast_in_dim3A_760, %and3A_397, %broadcast_in_dim3A_777, %broadcast_in_dim3A_779, %and3A_756] : memref<2x8x2x8x128xf32, #tpu.memory_space<vmem>>[vector<16xi32>, vector<16xi32>, vector<16xi32>, vector<16xi32>, vector<16xi32>], vector<16xf32>,
      %gather3A_781 = tpu.vector_load_idx %arg11[%broadcast_in_dim3A_760, %and3A_397, %broadcast_in_dim3A_777, %broadcast_in_dim3A_779, %and3A_759] : memref<2x8x2x8x128xf32, #tpu.memory_space<vmem>>[vector<16xi32>, vector<16xi32>, vector<16xi32>, vector<16xi32>, vector<16xi32>], vector<16xf32>,
      %mul3A_782 = arith.mulf %gather3A_780, %gather3A_781 : vector<16xf32>
      %add3A_783 = arith.addf %add3A_775, %mul3A_782 : vector<16xf32>
      %broadcast_in_dim3A_784 = arith.constant 0 : i32
      %broadcast_in_dim3A_785 = vector.broadcast %broadcast_in_dim3A_784 : i32 to vector<16xi32>
      %broadcast_in_dim3A_786 = arith.constant 3 : i32
      %broadcast_in_dim3A_787 = vector.broadcast %broadcast_in_dim3A_786 : i32 to vector<16xi32>
      %gather3A_788 = tpu.vector_load_idx %arg10[%broadcast_in_dim3A_760, %and3A_397, %broadcast_in_dim3A_785, %broadcast_in_dim3A_787, %and3A_756] : memref<2x8x2x8x128xf32, #tpu.memory_space<vmem>>[vector<16xi32>, vector<16xi32>, vector<16xi32>, vector<16xi32>, vector<16xi32>], vector<16xf32>,
      %gather3A_789 = tpu.vector_load_idx %arg11[%broadcast_in_dim3A_760, %and3A_397, %broadcast_in_dim3A_785, %broadcast_in_dim3A_787, %and3A_759] : memref<2x8x2x8x128xf32, #tpu.memory_space<vmem>>[vector<16xi32>, vector<16xi32>, vector<16xi32>, vector<16xi32>, vector<16xi32>], vector<16xf32>,
      %mul3A_790 = arith.mulf %gather3A_788, %gather3A_789 : vector<16xf32>
      %add3A_791 = arith.addf %add3A_783, %mul3A_790 : vector<16xf32>
      %broadcast_in_dim3A_792 = arith.constant 0 : i32
      %broadcast_in_dim3A_793 = vector.broadcast %broadcast_in_dim3A_792 : i32 to vector<16xi32>
      %broadcast_in_dim3A_794 = arith.constant 4 : i32
      %broadcast_in_dim3A_795 = vector.broadcast %broadcast_in_dim3A_794 : i32 to vector<16xi32>
      %gather3A_796 = tpu.vector_load_idx %arg10[%broadcast_in_dim3A_760, %and3A_397, %broadcast_in_dim3A_793, %broadcast_in_dim3A_795, %and3A_756] : memref<2x8x2x8x128xf32, #tpu.memory_space<vmem>>[vector<16xi32>, vector<16xi32>, vector<16xi32>, vector<16xi32>, vector<16xi32>], vector<16xf32>,
      %gather3A_797 = tpu.vector_load_idx %arg11[%broadcast_in_dim3A_760, %and3A_397, %broadcast_in_dim3A_793, %broadcast_in_dim3A_795, %and3A_759] : memref<2x8x2x8x128xf32, #tpu.memory_space<vmem>>[vector<16xi32>, vector<16xi32>, vector<16xi32>, vector<16xi32>, vector<16xi32>], vector<16xf32>,
      %mul3A_798 = arith.mulf %gather3A_796, %gather3A_797 : vector<16xf32>
      %add3A_799 = arith.addf %add3A_791, %mul3A_798 : vector<16xf32>
      %broadcast_in_dim3A_800 = arith.constant 0 : i32
      %broadcast_in_dim3A_801 = vector.broadcast %broadcast_in_dim3A_800 : i32 to vector<16xi32>
      %broadcast_in_dim3A_802 = arith.constant 5 : i32
      %broadcast_in_dim3A_803 = vector.broadcast %broadcast_in_dim3A_802 : i32 to vector<16xi32>
      %gather3A_804 = tpu.vector_load_idx %arg10[%broadcast_in_dim3A_760, %and3A_397, %broadcast_in_dim3A_801, %broadcast_in_dim3A_803, %and3A_756] : memref<2x8x2x8x128xf32, #tpu.memory_space<vmem>>[vector<16xi32>, vector<16xi32>, vector<16xi32>, vector<16xi32>, vector<16xi32>], vector<16xf32>,
      %gather3A_805 = tpu.vector_load_idx %arg11[%broadcast_in_dim3A_760, %and3A_397, %broadcast_in_dim3A_801, %broadcast_in_dim3A_803, %and3A_759] : memref<2x8x2x8x128xf32, #tpu.memory_space<vmem>>[vector<16xi32>, vector<16xi32>, vector<16xi32>, vector<16xi32>, vector<16xi32>], vector<16xf32>,
      %mul3A_806 = arith.mulf %gather3A_804, %gather3A_805 : vector<16xf32>
      %add3A_807 = arith.addf %add3A_799, %mul3A_806 : vector<16xf32>
      %broadcast_in_dim3A_808 = arith.constant 0 : i32
      %broadcast_in_dim3A_809 = vector.broadcast %broadcast_in_dim3A_808 : i32 to vector<16xi32>
      %broadcast_in_dim3A_810 = arith.constant 6 : i32
      %broadcast_in_dim3A_811 = vector.broadcast %broadcast_in_dim3A_810 : i32 to vector<16xi32>
      %gather3A_812 = tpu.vector_load_idx %arg10[%broadcast_in_dim3A_760, %and3A_397, %broadcast_in_dim3A_809, %broadcast_in_dim3A_811, %and3A_756] : memref<2x8x2x8x128xf32, #tpu.memory_space<vmem>>[vector<16xi32>, vector<16xi32>, vector<16xi32>, vector<16xi32>, vector<16xi32>], vector<16xf32>,
      %gather3A_813 = tpu.vector_load_idx %arg11[%broadcast_in_dim3A_760, %and3A_397, %broadcast_in_dim3A_809, %broadcast_in_dim3A_811, %and3A_759] : memref<2x8x2x8x128xf32, #tpu.memory_space<vmem>>[vector<16xi32>, vector<16xi32>, vector<16xi32>, vector<16xi32>, vector<16xi32>], vector<16xf32>,
      %mul3A_814 = arith.mulf %gather3A_812, %gather3A_813 : vector<16xf32>
      %add3A_815 = arith.addf %add3A_807, %mul3A_814 : vector<16xf32>
      %broadcast_in_dim3A_816 = arith.constant 0 : i32
      %broadcast_in_dim3A_817 = vector.broadcast %broadcast_in_dim3A_816 : i32 to vector<16xi32>
      %broadcast_in_dim3A_818 = arith.constant 7 : i32
      %broadcast_in_dim3A_819 = vector.broadcast %broadcast_in_dim3A_818 : i32 to vector<16xi32>
      %gather3A_820 = tpu.vector_load_idx %arg10[%broadcast_in_dim3A_760, %and3A_397, %broadcast_in_dim3A_817, %broadcast_in_dim3A_819, %and3A_756] : memref<2x8x2x8x128xf32, #tpu.memory_space<vmem>>[vector<16xi32>, vector<16xi32>, vector<16xi32>, vector<16xi32>, vector<16xi32>], vector<16xf32>,
      %gather3A_821 = tpu.vector_load_idx %arg11[%broadcast_in_dim3A_760, %and3A_397, %broadcast_in_dim3A_817, %broadcast_in_dim3A_819, %and3A_759] : memref<2x8x2x8x128xf32, #tpu.memory_space<vmem>>[vector<16xi32>, vector<16xi32>, vector<16xi32>, vector<16xi32>, vector<16xi32>], vector<16xf32>,
      %mul3A_822 = arith.mulf %gather3A_820, %gather3A_821 : vector<16xf32>
      %add3A_823 = arith.addf %add3A_815, %mul3A_822 : vector<16xf32>
      %broadcast_in_dim3A_824 = arith.constant 1 : i32
      %broadcast_in_dim3A_825 = vector.broadcast %broadcast_in_dim3A_824 : i32 to vector<16xi32>
      %broadcast_in_dim3A_826 = arith.constant 0 : i32
      %broadcast_in_dim3A_827 = vector.broadcast %broadcast_in_dim3A_826 : i32 to vector<16xi32>
      %gather3A_828 = tpu.vector_load_idx %arg10[%broadcast_in_dim3A_760, %and3A_397, %broadcast_in_dim3A_825, %broadcast_in_dim3A_827, %and3A_756] : memref<2x8x2x8x128xf32, #tpu.memory_space<vmem>>[vector<16xi32>, vector<16xi32>, vector<16xi32>, vector<16xi32>, vector<16xi32>], vector<16xf32>,
      %gather3A_829 = tpu.vector_load_idx %arg11[%broadcast_in_dim3A_760, %and3A_397, %broadcast_in_dim3A_825, %broadcast_in_dim3A_827, %and3A_759] : memref<2x8x2x8x128xf32, #tpu.memory_space<vmem>>[vector<16xi32>, vector<16xi32>, vector<16xi32>, vector<16xi32>, vector<16xi32>], vector<16xf32>,
      %mul3A_830 = arith.mulf %gather3A_828, %gather3A_829 : vector<16xf32>
      %add3A_831 = arith.addf %add3A_823, %mul3A_830 : vector<16xf32>
      %broadcast_in_dim3A_832 = arith.constant 1 : i32
      %broadcast_in_dim3A_833 = vector.broadcast %broadcast_in_dim3A_832 : i32 to vector<16xi32>
      %broadcast_in_dim3A_834 = arith.constant 1 : i32
      %broadcast_in_dim3A_835 = vector.broadcast %broadcast_in_dim3A_834 : i32 to vector<16xi32>
      %gather3A_836 = tpu.vector_load_idx %arg10[%broadcast_in_dim3A_760, %and3A_397, %broadcast_in_dim3A_833, %broadcast_in_dim3A_835, %and3A_756] : memref<2x8x2x8x128xf32, #tpu.memory_space<vmem>>[vector<16xi32>, vector<16xi32>, vector<16xi32>, vector<16xi32>, vector<16xi32>], vector<16xf32>,
      %gather3A_837 = tpu.vector_load_idx %arg11[%broadcast_in_dim3A_760, %and3A_397, %broadcast_in_dim3A_833, %broadcast_in_dim3A_835, %and3A_759] : memref<2x8x2x8x128xf32, #tpu.memory_space<vmem>>[vector<16xi32>, vector<16xi32>, vector<16xi32>, vector<16xi32>, vector<16xi32>], vector<16xf32>,
      %mul3A_838 = arith.mulf %gather3A_836, %gather3A_837 : vector<16xf32>
      %add3A_839 = arith.addf %add3A_831, %mul3A_838 : vector<16xf32>
      %broadcast_in_dim3A_840 = arith.constant 1 : i32
      %broadcast_in_dim3A_841 = vector.broadcast %broadcast_in_dim3A_840 : i32 to vector<16xi32>
      %broadcast_in_dim3A_842 = arith.constant 2 : i32
      %broadcast_in_dim3A_843 = vector.broadcast %broadcast_in_dim3A_842 : i32 to vector<16xi32>
      %gather3A_844 = tpu.vector_load_idx %arg10[%broadcast_in_dim3A_760, %and3A_397, %broadcast_in_dim3A_841, %broadcast_in_dim3A_843, %and3A_756] : memref<2x8x2x8x128xf32, #tpu.memory_space<vmem>>[vector<16xi32>, vector<16xi32>, vector<16xi32>, vector<16xi32>, vector<16xi32>], vector<16xf32>,
      %gather3A_845 = tpu.vector_load_idx %arg11[%broadcast_in_dim3A_760, %and3A_397, %broadcast_in_dim3A_841, %broadcast_in_dim3A_843, %and3A_759] : memref<2x8x2x8x128xf32, #tpu.memory_space<vmem>>[vector<16xi32>, vector<16xi32>, vector<16xi32>, vector<16xi32>, vector<16xi32>], vector<16xf32>,
      %mul3A_846 = arith.mulf %gather3A_844, %gather3A_845 : vector<16xf32>
      %add3A_847 = arith.addf %add3A_839, %mul3A_846 : vector<16xf32>
      %broadcast_in_dim3A_848 = arith.constant 1 : i32
      %broadcast_in_dim3A_849 = vector.broadcast %broadcast_in_dim3A_848 : i32 to vector<16xi32>
      %broadcast_in_dim3A_850 = arith.constant 3 : i32
      %broadcast_in_dim3A_851 = vector.broadcast %broadcast_in_dim3A_850 : i32 to vector<16xi32>
      %gather3A_852 = tpu.vector_load_idx %arg10[%broadcast_in_dim3A_760, %and3A_397, %broadcast_in_dim3A_849, %broadcast_in_dim3A_851, %and3A_756] : memref<2x8x2x8x128xf32, #tpu.memory_space<vmem>>[vector<16xi32>, vector<16xi32>, vector<16xi32>, vector<16xi32>, vector<16xi32>], vector<16xf32>,
      %gather3A_853 = tpu.vector_load_idx %arg11[%broadcast_in_dim3A_760, %and3A_397, %broadcast_in_dim3A_849, %broadcast_in_dim3A_851, %and3A_759] : memref<2x8x2x8x128xf32, #tpu.memory_space<vmem>>[vector<16xi32>, vector<16xi32>, vector<16xi32>, vector<16xi32>, vector<16xi32>], vector<16xf32>,
      %mul3A_854 = arith.mulf %gather3A_852, %gather3A_853 : vector<16xf32>
      %add3A_855 = arith.addf %add3A_847, %mul3A_854 : vector<16xf32>
      %broadcast_in_dim3A_856 = arith.constant 1 : i32
      %broadcast_in_dim3A_857 = vector.broadcast %broadcast_in_dim3A_856 : i32 to vector<16xi32>
      %broadcast_in_dim3A_858 = arith.constant 4 : i32
      %broadcast_in_dim3A_859 = vector.broadcast %broadcast_in_dim3A_858 : i32 to vector<16xi32>
      %gather3A_860 = tpu.vector_load_idx %arg10[%broadcast_in_dim3A_760, %and3A_397, %broadcast_in_dim3A_857, %broadcast_in_dim3A_859, %and3A_756] : memref<2x8x2x8x128xf32, #tpu.memory_space<vmem>>[vector<16xi32>, vector<16xi32>, vector<16xi32>, vector<16xi32>, vector<16xi32>], vector<16xf32>,
      %gather3A_861 = tpu.vector_load_idx %arg11[%broadcast_in_dim3A_760, %and3A_397, %broadcast_in_dim3A_857, %broadcast_in_dim3A_859, %and3A_759] : memref<2x8x2x8x128xf32, #tpu.memory_space<vmem>>[vector<16xi32>, vector<16xi32>, vector<16xi32>, vector<16xi32>, vector<16xi32>], vector<16xf32>,
      %mul3A_862 = arith.mulf %gather3A_860, %gather3A_861 : vector<16xf32>
      %add3A_863 = arith.addf %add3A_855, %mul3A_862 : vector<16xf32>
      %broadcast_in_dim3A_864 = arith.constant 1 : i32
      %broadcast_in_dim3A_865 = vector.broadcast %broadcast_in_dim3A_864 : i32 to vector<16xi32>
      %broadcast_in_dim3A_866 = arith.constant 5 : i32
      %broadcast_in_dim3A_867 = vector.broadcast %broadcast_in_dim3A_866 : i32 to vector<16xi32>
      %gather3A_868 = tpu.vector_load_idx %arg10[%broadcast_in_dim3A_760, %and3A_397, %broadcast_in_dim3A_865, %broadcast_in_dim3A_867, %and3A_756] : memref<2x8x2x8x128xf32, #tpu.memory_space<vmem>>[vector<16xi32>, vector<16xi32>, vector<16xi32>, vector<16xi32>, vector<16xi32>], vector<16xf32>,
      %gather3A_869 = tpu.vector_load_idx %arg11[%broadcast_in_dim3A_760, %and3A_397, %broadcast_in_dim3A_865, %broadcast_in_dim3A_867, %and3A_759] : memref<2x8x2x8x128xf32, #tpu.memory_space<vmem>>[vector<16xi32>, vector<16xi32>, vector<16xi32>, vector<16xi32>, vector<16xi32>], vector<16xf32>,
      %mul3A_870 = arith.mulf %gather3A_868, %gather3A_869 : vector<16xf32>
      %add3A_871 = arith.addf %add3A_863, %mul3A_870 : vector<16xf32>
      %broadcast_in_dim3A_872 = arith.constant 1 : i32
      %broadcast_in_dim3A_873 = vector.broadcast %broadcast_in_dim3A_872 : i32 to vector<16xi32>
      %broadcast_in_dim3A_874 = arith.constant 6 : i32
      %broadcast_in_dim3A_875 = vector.broadcast %broadcast_in_dim3A_874 : i32 to vector<16xi32>
      %gather3A_876 = tpu.vector_load_idx %arg10[%broadcast_in_dim3A_760, %and3A_397, %broadcast_in_dim3A_873, %broadcast_in_dim3A_875, %and3A_756] : memref<2x8x2x8x128xf32, #tpu.memory_space<vmem>>[vector<16xi32>, vector<16xi32>, vector<16xi32>, vector<16xi32>, vector<16xi32>], vector<16xf32>,
      %gather3A_877 = tpu.vector_load_idx %arg11[%broadcast_in_dim3A_760, %and3A_397, %broadcast_in_dim3A_873, %broadcast_in_dim3A_875, %and3A_759] : memref<2x8x2x8x128xf32, #tpu.memory_space<vmem>>[vector<16xi32>, vector<16xi32>, vector<16xi32>, vector<16xi32>, vector<16xi32>], vector<16xf32>,
      %mul3A_878 = arith.mulf %gather3A_876, %gather3A_877 : vector<16xf32>
      %add3A_879 = arith.addf %add3A_871, %mul3A_878 : vector<16xf32>
      %broadcast_in_dim3A_880 = arith.constant 1 : i32
      %broadcast_in_dim3A_881 = vector.broadcast %broadcast_in_dim3A_880 : i32 to vector<16xi32>
      %broadcast_in_dim3A_882 = arith.constant 7 : i32
      %broadcast_in_dim3A_883 = vector.broadcast %broadcast_in_dim3A_882 : i32 to vector<16xi32>
      %gather3A_884 = tpu.vector_load_idx %arg10[%broadcast_in_dim3A_760, %and3A_397, %broadcast_in_dim3A_881, %broadcast_in_dim3A_883, %and3A_756] : memref<2x8x2x8x128xf32, #tpu.memory_space<vmem>>[vector<16xi32>, vector<16xi32>, vector<16xi32>, vector<16xi32>, vector<16xi32>], vector<16xf32>,
      %gather3A_885 = tpu.vector_load_idx %arg11[%broadcast_in_dim3A_760, %and3A_397, %broadcast_in_dim3A_881, %broadcast_in_dim3A_883, %and3A_759] : memref<2x8x2x8x128xf32, #tpu.memory_space<vmem>>[vector<16xi32>, vector<16xi32>, vector<16xi32>, vector<16xi32>, vector<16xi32>], vector<16xf32>,
      %mul3A_886 = arith.mulf %gather3A_884, %gather3A_885 : vector<16xf32>
      %add3A_887 = arith.addf %add3A_879, %mul3A_886 : vector<16xf32>
      %swap3A = arith.index_cast %mul3A_749 : i32 to index
      %swap3A_888 = tpu.vector_load %arg9[%swap3A] {strides = array<i32>} : memref<528xf32, #tpu.memory_space<vmem>>, vector<16xf32>,
      tpu.vector_store %arg9[%swap3A], %add3A_887 {strides = array<i32>} : memref<528xf32, #tpu.memory_space<vmem>>, vector<16xf32>,
      %scan3A_889 = arith.constant 0 : i32
      scf.yield %scan3A_889 : i32
    }
    %scan3A_404 = arith.constant 64 : i32
    "tpu.region"() ({
      %run_scoped3A = tpu.sem_alloc : memref<!tpu.dma_semaphore, #tpu.memory_space<semaphore_mem>>
      %dma_start3A_405 = arith.constant 0 : i32
      %dma_start3A_406 = tpu.memref_slice %arg9[%dma_start3A_405] : memref<528xf32, #tpu.memory_space<vmem>> -> memref<512xf32, #tpu.memory_space<vmem>>
      %dma_start3A_407 = tpu.memref_slice %arg6[%mul3A_2] : memref<16384xf32, #tpu.memory_space<hbm>> -> memref<512xf32, #tpu.memory_space<hbm>>
      %dma_start3A_408 = tpu.memref_slice %arg6[%mul3A_2] : memref<16384xf32, #tpu.memory_space<hbm>> -> memref<512xf32, #tpu.memory_space<hbm>>
      %dma_start3A_409 = arith.constant 0 : i32
      %dma_start3A_410 = tpu.memref_slice %arg9[%dma_start3A_409] : memref<528xf32, #tpu.memory_space<vmem>> -> memref<512xf32, #tpu.memory_space<vmem>>
      tpu.enqueue_dma source(%dma_start3A_410 : memref<512xf32, #tpu.memory_space<vmem>>) target(%dma_start3A_408 : memref<512xf32, #tpu.memory_space<hbm>>) target_semaphore(%run_scoped3A : memref<!tpu.dma_semaphore, #tpu.memory_space<semaphore_mem>>)
      %dma_wait3A = arith.constant 0 : i32
      %dma_wait3A_411 = tpu.memref_slice %arg9[%dma_wait3A] : memref<528xf32, #tpu.memory_space<vmem>> -> memref<512xf32, #tpu.memory_space<vmem>>
      %dma_wait3A_412 = tpu.memref_slice %arg6[%mul3A_2] : memref<16384xf32, #tpu.memory_space<hbm>> -> memref<512xf32, #tpu.memory_space<hbm>>
      %dma_wait3A_413 = tpu.memref_slice %arg6[%mul3A_2] : memref<16384xf32, #tpu.memory_space<hbm>> -> memref<512xf32, #tpu.memory_space<hbm>>
      %dma_wait3A_414 = arith.constant 0 : i32
      %dma_wait3A_415 = tpu.memref_slice %arg9[%dma_wait3A_414] : memref<528xf32, #tpu.memory_space<vmem>> -> memref<512xf32, #tpu.memory_space<vmem>>
      tpu.wait_dma2 semaphore(%run_scoped3A : memref<!tpu.dma_semaphore, #tpu.memory_space<semaphore_mem>>) src(%dma_wait3A_415 : memref<512xf32, #tpu.memory_space<vmem>>) dst(%dma_wait3A_413 : memref<512xf32, #tpu.memory_space<hbm>>)
      tpu.yield
    }) : () -> ()
    return
  }
}

</mosaic_0001>

<sc_bundles>
// kernel: kernel.4.cloned.1.call-start
scs
__scs_entry_jumppad:
0x0: {  	(pc) =	sbr.rel $0x88, $3  }
0x1: {  	(tag) =	ssettag $0x0;
	lr =	simm.s32 $0x1  }
0x2: {  	[smem:$0x3F9B] =	sst lr;
	_ =	strace $0xD0000000  }
0x3: {  	_ = 	snop  }
0x4: {  	_ = 	snop  }
0x5: {  	_ = 	snop  }
0x6: {  	_ = 	snop  }
0x7: {  	_ = 	snop  }
__scs_overlays_trampoline_lowered:
0x8: {  	[smem:$0x3FAA] =	sst s0  }
0x9: {  	[smem:$0x3FAB] =	sst s1  }
0xa: {  	[smem:$0x3FAC] =	sst s2  }
0xb: {  	[smem:$0x3FAD] =	sst s3  }
0xc: {  	[smem:$0x3FAE] =	sst s4  }
0xd: {  	[smem:$0x3FAF] =	sst s5  }
0xe: {  	[smem:$0x3FB0] =	sst s6  }
0xf: {  	[smem:$0x3FB1] =	sst s7  }
0x10: {  	[smem:$0x3FB2] =	sst s8  }
0x11: {  	[smem:$0x3FB3] =	sst s9;
	s0 =	simm.s32 @!p0 $0x0  }
0x12: {  	s1 =	sld [smem:$0x3F99];
	s0 =	simm.s32 @p0 $0x1  }
0x13: {  	[smem:$0x3FB4] =	sst s0;
	s0 =	simm.s32 @!p1 $0x0  }
0x14: {  	s2 =	sld [smem:$0x3F98];
	s0 =	simm.s32 @p1 $0x1  }
0x15: {  	[smem:$0x3FB5] =	sst s0;
	s0 =	simm.s32 @!p2 $0x0  }
0x16: {  	s3 =	sld [smem:$0x3FDB];
	s0 =	simm.s32 @p2 $0x1  }
0x17: {  	s4 =	simm.s32 $0x1BF5;
	[smem:$0x3FB7] =	sst s0  }
0x18: {  	s0 =	sld [smem:$0x3F9A];
	_ =	swait.ge [sflag:s4], $0x0  }
0x19: {  	s7 =	sld [smem:$0x3F9B]  }
0x1a: {  	s8 =	sadd.s32 $0xFFFFE003, lr  }
0x1b: {  	s9 =	sadd.s32 $0xFFFFFEF7, lr;
	s5 =	simm.s32 $0xFFFFFFFF;
	p2 =	slt.u32 s8, $0xFFFFF086  }
0x1c: {  	p1 =	slt.u32 s9, $0xF7A;
	s5 =	simm.s32 @!p2 $0x0  }
0x1d: {  	s5 =	simm.s32 @p1 $0x1;
	p0 =	seq.s32 s7, s2  }
0x1e: {  	s7 =	smul.u32 @!p0 $0xF7A, s2;
	p2 =	seq.s32 @!p0 s5, $0x0  }
0x1f: {  	s9 =	smul.u32 $0xF7A, s1;
	s8 =	simm.s32 @!p0 $0x1BF5;
	p2 =	por !p2, p0  }
0x20: {  	[sflag:s8] =	ssyncset.s32 @!p0 $0xFFFFF086;
	s6 =	sadd.s32 @!p0 s3, s7;
	s7 =	simm.s32 @!p0 $0x108  }
0x21: {  	s3 =	sadd.s32 s3, s9;
	s6 =	sadd.s32 @!p0 $0x88, s6;
	s7 =	simm.s32 @p2 $0x1082  }
0x22: {  	[simem:s7], [sflag:s8] =	dma.local @!p0 [hbm:s6], $0xF7A  }
0x23: {  	s9 =	sor.u32 $0xD0000000, s2;
	s6 =	simm.s32 $0x108;
	_ =	swait.ge @!p0 [sflag:s8], $0x0  }
0x24: {  	s3 =	sadd.s32 $0x88, s3;
	s6 =	simm.s32 @!p1 $0x1082;
	[sflag:s4] =	ssyncset.s32 $0xFFFFF086  }
0x25: {  	[simem:s6], [sflag:s4] =	dma.local [hbm:s3], $0xF7A  }
0x26: {  	[smem:$0x3F9B] =	sst s1;
	(tag) =	ssettag s2;
	_ =	strace s9  }
0x27: {  	s1 =	sld [smem:$0x3FAB]  }
0x28: {  	s2 =	sld [smem:$0x3FAC]  }
0x29: {  	s4 =	sld [smem:$0x3FAE]  }
0x2a: {  	p0 =	seq.s32 s5, $0x0;
	s5 =	sld [smem:$0x3FAF]  }
0x2b: {  	s6 =	sld [smem:$0x3FB0]  }
0x2c: {  	s7 =	sld [smem:$0x3FB1]  }
0x2d: {  	s3 =	simm.s32 $0x108;
	s8 =	sld [smem:$0x3FB2]  }
0x2e: {  	s3 =	simm.s32 @!p0 $0x1082;
	s9 =	sld [smem:$0x3FB3]  }
0x2f: {  	lr =	sadd.s32 s0, s3;
	s0 =	sld [smem:$0x3FAA]  }
0x30: {  	s3 =	sld [smem:$0x3FAD]  }
0x31: {  	[smem:$0x3FB6] =	sst s10  }
0x32: {  	s10 =	sld [smem:$0x3FB4];
	_ =	sdelay $0x3  }
0x33: {  	p0 =	seq.s32 s10, $0x1;
	s10 =	sld [smem:$0x3FB6];
	_ =	sdelay $0x3  }
0x34: {  	[smem:$0x3FB6] =	sst s10  }
0x35: {  	s10 =	sld [smem:$0x3FB5];
	_ =	sdelay $0x3  }
0x36: {  	p1 =	seq.s32 s10, $0x1;
	s10 =	sld [smem:$0x3FB6];
	_ =	sdelay $0x3  }
0x37: {  	[smem:$0x3FB6] =	sst s10  }
0x38: {  	s10 =	sld [smem:$0x3FB7]  }
0x39: {  	_ = 	snop;
	(pc) =	sbr.ind lr, $3  }
0x3a: {  	_ = 	snop  }
0x3b: {  	_ = 	snop  }
0x3c: {  	p2 =	seq.s32 s10, $0x1;
	s10 =	sld [smem:$0x3FB6]  }
0x3d: {  	_ =	shalt  }
0x3e: {  	_ =	shalt  }
0x3f: {  	_ =	shalt  }
0x40: {  	_ =	shalt  }
0x41: {  	_ =	shalt  }
0x42: {  	_ =	shalt  }
0x43: {  	_ =	shalt  }
0x44: {  	_ =	shalt  }
0x45: {  	_ =	shalt  }
0x46: {  	_ =	shalt  }
0x47: {  	_ =	shalt  }
0x48: {  	_ =	shalt  }
0x49: {  	_ =	shalt  }
0x4a: {  	_ =	shalt  }
0x4b: {  	_ =	shalt  }
0x4c: {  	_ =	shalt  }
0x4d: {  	_ =	shalt  }
0x4e: {  	_ =	shalt  }
0x4f: {  	_ =	shalt  }
0x50: {  	_ =	shalt  }
0x51: {  	_ =	shalt  }
0x52: {  	_ =	shalt  }
0x53: {  	_ =	shalt  }
0x54: {  	_ =	shalt  }
0x55: {  	_ =	shalt  }
0x56: {  	_ =	shalt  }
0x57: {  	_ =	shalt  }
0x58: {  	_ =	shalt  }
0x59: {  	_ =	shalt  }
0x5a: {  	_ =	shalt  }
0x5b: {  	_ =	shalt  }
0x5c: {  	_ =	shalt  }
0x5d: {  	_ =	shalt  }
0x5e: {  	_ =	shalt  }
0x5f: {  	_ =	shalt  }
0x60: {  	_ =	shalt  }
0x61: {  	_ =	shalt  }
0x62: {  	_ =	shalt  }
0x63: {  	_ =	shalt  }
0x64: {  	_ =	shalt  }
0x65: {  	_ =	shalt  }
0x66: {  	_ =	shalt  }
0x67: {  	_ =	shalt  }
0x68: {  	_ =	shalt  }
0x69: {  	_ =	shalt  }
0x6a: {  	_ =	shalt  }
0x6b: {  	_ =	shalt  }
0x6c: {  	_ =	shalt  }
0x6d: {  	_ =	shalt  }
0x6e: {  	_ =	shalt  }
0x6f: {  	_ =	shalt  }
0x70: {  	_ =	shalt  }
0x71: {  	_ =	shalt  }
0x72: {  	_ =	shalt  }
0x73: {  	_ =	shalt  }
0x74: {  	_ =	shalt  }
0x75: {  	_ =	shalt  }
0x76: {  	_ =	shalt  }
0x77: {  	_ =	shalt  }
0x78: {  	_ =	shalt  }
0x79: {  	_ =	shalt  }
0x7a: {  	_ =	shalt  }
0x7b: {  	_ =	shalt  }
0x7c: {  	_ =	shalt  }
0x7d: {  	_ =	shalt  }
0x7e: {  	_ =	shalt  }
0x7f: {  	_ =	shalt  }
0x80: {  	_ =	shalt  }
0x81: {  	_ =	shalt  }
0x82: {  	_ =	shalt  }
0x83: {  	_ =	shalt  }
0x84: {  	_ =	shalt  }
0x85: {  	_ =	shalt  }
0x86: {  	_ =	shalt  }
0x87: {  	_ =	shalt  }
.Lfunc_end0:
.L_simem_size_0:
called_computation_lowered:
.L_overlay_start_0:
0x88: {  	s2 =	sld [smem:$0x3FD9]  }
0x89: {  	s3 =	sld [smem:$0x3FFE];
	_ =	sdelay $0x1  }
0x8a: {  	s1 =	srdreg.scid  }
0x8b: {  	s0 =	sand.u32 $0x1, s1  }
0x8c: {  	s17 =	sshll.u32 s0, $0xA;
	s2 =	sadd.s32 s3, s2  }
0x8d: {  	s2 =	sadd.s32 s2, s17  }
0x8e: {  	[smem:$0x3FC2] =	sst s2  }
0x8f: {  	_ = 	snop  }
0x90: {  	s2 =	sld [smem:$0x3FC8]  }
0x91: {  	s18 =	sld [smem:$0x3FC7];
	(tm) =	ssettm $0x1  }
0x92: {  	s4 =	sld [smem:$0x3FFB];
	_ =	sdelay $0x3  }
0x93: {  	_ =	strace s4  }
0x94: {  	s4 =	sld [smem:$0x3FFC];
	_ =	sdelay $0x3  }
0x95: {  	_ =	strace s4  }
0x96: {  	s4 =	sld [smem:$0x3FFD];
	_ =	sdelay $0x3  }
0x97: {  	_ =	strace s4  }
0x98: {  	_ =	strace $0x8FFFFFFF  }
0x99: {  	s19 =	sld [smem:$0x3FDB];
	_ =	sdelay $0x1  }
0x9a: {  	s5 =	simm.s32 $_scs_section_size  }
0x9b: {  	s6 =	simm.s32 $_size__tile_overlayer_lowered;
	s7 =	simm.s32 $_tile_overlayer_lowered  }
0x9c: {  	s22 =	simm.s32 $0x1BFF;
	s21 =	sshll.u32 s7, $0x1;
	s4 =	sadd.s32 s5, s19  }
0x9d: {  	s8 =	simm.s32 $0x0;
	s20 =	sshll.u32 s6, $0x1;
	s6 =	sadd.s32 s21, s4  }
0x9e: {  	[timem:s8], [sflag:s22] =	dma.local [hbm:s6], s20  }
0x9f: {  	_ =	swait.ge [sflag:s22], s20  }
0xa0: {  	s5 =	ssub.s32 $0x0, s20;
	[sflag:s22] =	ssyncset.done $0x0  }
0xa1: {  	[sflag:s22] =	ssyncadd.s32 s5;
	_ =	sdelay $0x1  }
0xa2: {  	s23 =	simm.s32 $0x1B8B  }
0xa3: {  	_ =	swait.ge [sflag:s23], $0x1  }
0xa4: {  	[sflag:s23] =	ssyncset.done $0x0  }
0xa5: {  	s25 =	simm.s32 $0x1B8E;
	s24 =	sld [smem:$0x3FFE];
	[sflag:s23] =	ssyncadd.s32 $0xFFFFFFFF  }
0xa6: {  	s26 =	simm.s32 $execute0_lowered;
	[smem:$0x3FD2] =	sst s25  }
0xa7: {  	s6 =	sshll.u32 s26, $0x1;
	_ =	strace $0x80000046;
	[dreg:$0x1] =	wrdreg $0xFFFFFFFF  }
0xa8: {  	s28 =	simm.s32 $_size_execute0_lowered;
	s4 =	sadd.s32 s4, s6;
	[dreg:$0x0] =	wrdreg $0x0  }
0xa9: {  	s6 =	sshll.u32 s28, $0x1;
	[dreg:$0x2] =	wrdreg s4  }
0xaa: {  	[dreg:$0x3] =	wrdreg s6  }
0xab: {  	[dreg:$0x4] =	wrdreg $0xC0  }
0xac: {  	_ =	task [dreg:s8], $0x5FFFF  }
0xad: {  	[dreg:$0x1] =	wrdreg $0xFFFFFFFF  }
0xae: {  	[dreg:$0x0] =	wrdreg $0x60  }
0xaf: {  	[dreg:$0x2] =	wrdreg s24  }
0xb0: {  	[dreg:$0x3] =	wrdreg s2  }
0xb1: {  	[dreg:$0x4] =	wrdreg s18  }
0xb2: {  	[dreg:$0x5] =	wrdreg $0x9  }
0xb3: {  	_ =	task.clear_ibuf [dreg:s8], $0x6FFFF;
	_ =	strace $0x90000046  }
0xb4: {  	s29 =	simm.s32 $0x9;
	_ =	strace $0x80000048  }
0xb5: {  	_ =	swait.ge [sflag:s29], $0x1  }
0xb6: {  	[sflag:s29] =	ssyncadd.s32 $0xFFFFFFFF  }
0xb7: {  	_ =	strace $0x90000048  }
0xb8: {  	_ =	sfence  }
0xb9: {  	s30 =	sld [smem:$0x0];
	_ =	sdelay $0x2  }
0xba: {  	s31 =	sshll.u32 s1, $0xD;
	s1 =	sshrl.u32 s1, $0x2  }
0xbb: {  	s3 =	sand.u32 $0x4000, s31;
	s1 =	sadd.s32 s1, s30  }
0xbc: {  	s0 =	sor.u32 s3, s0;
	s1 =	sshll.u32 s1, $0x11  }
0xbd: {  	s0 =	sor.u32 s1, s0  }
0xbe: {  	s0 =	sadd.s32 $0x8F2B, s0  }
0xbf: {  	[sflag:s0] =	ssyncadd.remote.s32 $0x1  }
0xc0: {  	_ =	sfence.sel $0xFFFF  }
0xc1: {  	[dreg:$0x0] =	wrdreg $0xFFFFFFFF;
	(pc) =	sbr.abs _section_cstart, $3  }
0xc2: {  	[dreg:$0x1] =	wrdreg $0xFFFFFFFF  }
0xc3: {  	_ =	task.clear_ibuf [dreg:s8], $0x2FFFF;
	_ =	strace $0x9FFFFFFF  }
0xc4: {  	(tm) =	ssettm $0x7FFFFFFF  }
0xc5: {  	_ =	shalt  }
tec
execute0_lowered:
.L_overlay_start_1:
0x0: {  	(tag) =	ssettag $0x1  }
0x1: {  	s0 =	rddreg [dreg:$0x0]  }
0x2: {  	s2 =	rddreg [dreg:$0x1]  }
0x3: {  	s3 =	rddreg [dreg:$0x2]  }
0x4: {  	s1 =	srdreg.scid;
	s5 =	stileid.u32;
	s4 =	simm.s32 $0x0  }
0x5: {  	s9 =	simm.s32 $0x3;
	s11 =	simm.s32 $0x400;
	s12 =	simm.s32 $0x7A1400  }
0x6: {  	v0 =	vlaneseq.u32;
	s13 =	simm.s32 $0x780;
	s14 =	simm.s32 $0x8780;
	s21 =	simm.s32 $0x2780  }
0x7: {  	s22 =	simm.s32 $0xA780;
	s23 =	simm.s32 $0x2F80;
	s24 =	simm.s32 $0xAF80;
	v0 =	vand.u32 $0x7, v0  }
0x8: {  	s25 =	simm.s32 $0x3780;
	s28 =	simm.s32 $0x3F80;
	s29 =	simm.s32 $0xBF80;
	v0 =	vmul.u32 $0x800, v0  }
0x9: {  	s30 =	simm.s32 $0x500;
	s31 =	simm.s32 $0x0;
	s1 =	sand.u32 $0x1, s1  }
.Ltmp0:
0xa: {  	s5 =	sshll.u32 s5, $0x7;
	s6 =	sshll.u32 s1, $0x6;
	v1 =	vor.u32 $0x80, v0;
	v2 =	vor.u32 $0x100, v0;
	v3 =	vor.u32 $0x180, v0;
	(pc) =	sbr.rel .LBB2_1-.Ltmp0, $4  }
0xb: {  	[smem:$0x7FF] =	sst s4;
	s1 =	ssub.s32 $0x2, s1;
	s5 =	sor.u32 s6, s5;
	v4 =	vor.u32 $0x200, v0;
	v5 =	vor.u32 $0x280, v0;
	v6 =	vor.u32 $0x300, v0  }
0xc: {  	_ =	strace $0x80000047;
	s26 =	sshrl.u32 s1, $0x1;
	s0 =	sadd.s32 s5, s0;
	v7 =	vor.u32 $0x380, v0;
	v8 =	vor.u32 $0x400, v0;
	v9 =	vor.u32 $0x480, v0  }
0xd: {  	s1 =	ssub.s32 s1, s26;
	v10 =	vor.u32 $0x500, v0;
	v11 =	vor.u32 $0x580, v0;
	v12 =	vor.u32 $0x600, v0;
	s26 =	simm.s32 $0xB780;
	s5 =	sadd.s32 $0xC00, s0  }
0xe: {  	v13 =	vor.u32 $0x680, v0;
	v14 =	vor.u32 $0x700, v0;
	v15 =	vor.u32 $0x780, v0;
	s6 =	sadd.s32 $0x400, s0;
	s7 =	sadd.s32 $0x1400, s0;
	s8 =	smax.u32 s1, $0x1  }
.LBB2_5:
0xf: {  	s31 =	sadd.s32 $0x1, s31  }
0x10: {  	p0 =	sne.s32 s31, s8  }
.Ltmp1:
0x11: {  	_ = 	snop;
	(pc) =	sbr.rel @!p0 .LBB2_6-.Ltmp1, $4  }
0x12: {  	[hbm4b:s7+s4] =	stream.linear.scatter [tilespmem:s30], [sflag:$0x3], $0x200, $0x38;
	[tilespmem:$0x10780] =	vst v63  }
0x13: {  	_ =	swait.ge [sflag:s9], $0x200  }
0x14: {  	[sflag:s9] =	ssyncset.done $0x0  }
0x15: {  	[sflag:s9] =	ssyncadd.s32 $0xFFFFFE00  }
.LBB2_1:
0x16: {  	[tilespmem:s4], [sflag:$0x3] =	stream.linear.gather [hbm4b:s5+s4], $0x200, $0x38;
	[tilespmem:$0x10780] =	vst v63  }
0x17: {  	_ =	swait.ge [sflag:s9], $0x200  }
0x18: {  	[sflag:s9] =	ssyncset.done $0x0  }
0x19: {  	s0 =	simm.s32 $0x280;
	[sflag:s9] =	ssyncadd.s32 $0xFFFFFE00  }
0x1a: {  	[tilespmem:s0], [sflag:$0x3] =	stream.linear.gather [hbm4b:s6+s4], $0x200, $0x38;
	[tilespmem:$0x10780] =	vst v63  }
0x1b: {  	_ =	swait.ge [sflag:s9], $0x200  }
0x1c: {  	[sflag:s9] =	ssyncset.done $0x0  }
0x1d: {  	[sflag:s9] =	ssyncadd.s32 $0xFFFFFE00  }
0x1e: {  	v16 =	vld [tilespmem:$0x0];
	_ =	sdelay $0x1  }
0x1f: {  	v17 =	vld [tilespmem:$0x280];
	_ =	sdelay $0x2  }
0x20: {  	v16 =	vand.u32 $0xFFFFFF80, v16  }
0x21: {  	v16 =	vadd.s32 s2, v16  }
0x22: {  	v17 =	vand.u32 $0xFFFFFF80, v17;
	(v2sf) =	vpush v16, $0x0  }
0x23: {  	v17 =	vadd.s32 s3, v17  }
0x24: {  	(v2sf) =	vpush v17, $0x0;
	_ =	sdelay $0x1  }
0x25: {  	(v2sf) =	vpush v16, $0x1;
	_ =	sdelay $0x1  }
0x26: {  	(v2sf) =	vpush v17, $0x1;
	_ =	sdelay $0x1  }
0x27: {  	(v2sf) =	vpush v16, $0x2;
	_ =	sdelay $0x1  }
0x28: {  	(v2sf) =	vpush v17, $0x2;
	_ =	sdelay $0x1  }
0x29: {  	(v2sf) =	vpush v16, $0x3;
	_ =	sdelay $0x1  }
0x2a: {  	(v2sf) =	vpush v17, $0x3  }
0x2b: {  	s16 =	spop (v2sf)  }
0x2c: {  	(v2sf) =	vpush v16, $0x4;
	[tilespmem:s13], [sflag:$0x1] =	stream.strided.gather [hbm4b:s16+s11], $0x800, s12, s11, $0x38;
	[tilespmem:$0x10780] =	vst v63  }
0x2d: {  	s17 =	spop (v2sf)  }
0x2e: {  	(v2sf) =	vpush v17, $0x4;
	[tilespmem:s14], [sflag:$0x1] =	stream.strided.gather [hbm4b:s17+s11], $0x800, s12, s11, $0x38;
	[tilespmem:$0x10780] =	vst v63  }
0x2f: {  	s1 =	simm.s32 $0xF80;
	s18 =	spop (v2sf)  }
0x30: {  	(v2sf) =	vpush v16, $0x5;
	[tilespmem:s1], [sflag:$0x1] =	stream.strided.gather [hbm4b:s18+s11], $0x800, s12, s11, $0x38;
	[tilespmem:$0x10780] =	vst v63  }
0x31: {  	s20 =	simm.s32 $0x8F80;
	s19 =	spop (v2sf)  }
0x32: {  	(v2sf) =	vpush v17, $0x5;
	[tilespmem:s20], [sflag:$0x1] =	stream.strided.gather [hbm4b:s19+s11], $0x800, s12, s11, $0x38;
	[tilespmem:$0x10780] =	vst v63  }
0x33: {  	s10 =	simm.s32 $0x1780;
	s1 =	spop (v2sf)  }
0x34: {  	(v2sf) =	vpush v16, $0x6;
	[tilespmem:s10], [sflag:$0x1] =	stream.strided.gather [hbm4b:s1+s11], $0x800, s12, s11, $0x38;
	[tilespmem:$0x10780] =	vst v63  }
0x35: {  	s16 =	simm.s32 $0x9780;
	s15 =	spop (v2sf)  }
0x36: {  	(v2sf) =	vpush v17, $0x6;
	[tilespmem:s16], [sflag:$0x1] =	stream.strided.gather [hbm4b:s15+s11], $0x800, s12, s11, $0x38;
	[tilespmem:$0x10780] =	vst v63  }
0x37: {  	s18 =	simm.s32 $0x1F80;
	s17 =	spop (v2sf)  }
0x38: {  	[tilespmem:s18], [sflag:$0x1] =	stream.strided.gather [hbm4b:s17+s11], $0x800, s12, s11, $0x38;
	[tilespmem:$0x10780] =	vst v63  }
0x39: {  	(v2sf) =	vpush v16, $0x7;
	s20 =	simm.s32 $0x9F80;
	s19 =	spop (v2sf)  }
0x3a: {  	[tilespmem:s20], [sflag:$0x1] =	stream.strided.gather [hbm4b:s19+s11], $0x800, s12, s11, $0x38;
	[tilespmem:$0x10780] =	vst v63  }
0x3b: {  	(v2sf) =	vpush v17, $0x7;
	s1 =	spop (v2sf)  }
0x3c: {  	[tilespmem:s21], [sflag:$0x1] =	stream.strided.gather [hbm4b:s1+s11], $0x800, s12, s11, $0x38;
	[tilespmem:$0x10780] =	vst v63  }
0x3d: {  	s10 =	spop (v2sf)  }
0x3e: {  	[tilespmem:s22], [sflag:$0x1] =	stream.strided.gather [hbm4b:s10+s11], $0x800, s12, s11, $0x38;
	[tilespmem:$0x10780] =	vst v63  }
0x3f: {  	s15 =	spop (v2sf)  }
0x40: {  	[tilespmem:s23], [sflag:$0x1] =	stream.strided.gather [hbm4b:s15+s11], $0x800, s12, s11, $0x38;
	[tilespmem:$0x10780] =	vst v63  }
0x41: {  	s16 =	spop (v2sf)  }
0x42: {  	[tilespmem:s24], [sflag:$0x1] =	stream.strided.gather [hbm4b:s16+s11], $0x800, s12, s11, $0x38;
	[tilespmem:$0x10780] =	vst v63  }
0x43: {  	s17 =	spop (v2sf)  }
0x44: {  	[tilespmem:s25], [sflag:$0x1] =	stream.strided.gather [hbm4b:s17+s11], $0x800, s12, s11, $0x38;
	[tilespmem:$0x10780] =	vst v63  }
0x45: {  	s18 =	spop (v2sf)  }
0x46: {  	[tilespmem:s26], [sflag:$0x1] =	stream.strided.gather [hbm4b:s18+s11], $0x800, s12, s11, $0x38;
	[tilespmem:$0x10780] =	vst v63  }
.Ltmp2:
0x47: {  	_ = 	snop;
	(pc) =	sbr.rel .LBB2_2-.Ltmp2, $4  }
0x48: {  	s0 =	simm.s32 $0x8;
	s1 =	simm.s32 $0x288;
	s19 =	spop (v2sf)  }
0x49: {  	[tilespmem:s28], [sflag:$0x1] =	stream.strided.gather [hbm4b:s19+s11], $0x800, s12, s11, $0x38;
	[tilespmem:$0x10780] =	vst v63  }
0x4a: {  	s10 =	simm.s32 $0x500;
	s15 =	simm.s32 $0x0;
	s20 =	spop (v2sf)  }
0x4b: {  	[tilespmem:s29], [sflag:$0x1] =	stream.strided.gather [hbm4b:s20+s11], $0x800, s12, s11, $0x38;
	[tilespmem:$0x10780] =	vst v63  }
.LBB2_4:
0x4c: {  	s17 =	sadd.s32 $0x1, s16  }
0x4d: {  	_ =	swait.ge [sflag:s17], $0x800  }
0x4e: {  	[sflag:s17] =	ssyncset.done $0x0  }
0x4f: {  	[sflag:s17] =	ssyncadd.s32 $0xFFFFF800  }
0x50: {  	_ =	swait.ge [sflag:s17], $0x800  }
0x51: {  	[sflag:s17] =	ssyncset.done $0x0  }
0x52: {  	[sflag:s17] =	ssyncadd.s32 $0xFFFFF800  }
0x53: {  	_ =	swait.ge [sflag:s17], $0x800  }
0x54: {  	[sflag:s17] =	ssyncset.done $0x0  }
0x55: {  	[sflag:s17] =	ssyncadd.s32 $0xFFFFF800  }
0x56: {  	_ =	swait.ge [sflag:s17], $0x800  }
0x57: {  	[sflag:s17] =	ssyncset.done $0x0  }
0x58: {  	[sflag:s17] =	ssyncadd.s32 $0xFFFFF800  }
0x59: {  	_ =	swait.ge [sflag:s17], $0x800  }
0x5a: {  	[sflag:s17] =	ssyncset.done $0x0  }
0x5b: {  	[sflag:s17] =	ssyncadd.s32 $0xFFFFF800  }
0x5c: {  	_ =	swait.ge [sflag:s17], $0x800  }
0x5d: {  	[sflag:s17] =	ssyncset.done $0x0  }
0x5e: {  	[sflag:s17] =	ssyncadd.s32 $0xFFFFF800  }
0x5f: {  	_ =	swait.ge [sflag:s17], $0x800  }
0x60: {  	[sflag:s17] =	ssyncset.done $0x0  }
0x61: {  	[sflag:s17] =	ssyncadd.s32 $0xFFFFF800  }
0x62: {  	_ =	swait.ge [sflag:s17], $0x800  }
0x63: {  	[sflag:s17] =	ssyncset.done $0x0  }
0x64: {  	[sflag:s17] =	ssyncadd.s32 $0xFFFFF800  }
0x65: {  	_ =	swait.ge [sflag:s17], $0x800  }
0x66: {  	[sflag:s17] =	ssyncset.done $0x0  }
0x67: {  	[sflag:s17] =	ssyncadd.s32 $0xFFFFF800  }
0x68: {  	_ =	swait.ge [sflag:s17], $0x800  }
0x69: {  	[sflag:s17] =	ssyncset.done $0x0  }
0x6a: {  	[sflag:s17] =	ssyncadd.s32 $0xFFFFF800  }
0x6b: {  	_ =	swait.ge [sflag:s17], $0x800  }
0x6c: {  	[sflag:s17] =	ssyncset.done $0x0  }
0x6d: {  	[sflag:s17] =	ssyncadd.s32 $0xFFFFF800  }
0x6e: {  	_ =	swait.ge [sflag:s17], $0x800  }
0x6f: {  	[sflag:s17] =	ssyncset.done $0x0  }
0x70: {  	[sflag:s17] =	ssyncadd.s32 $0xFFFFF800  }
0x71: {  	_ =	swait.ge [sflag:s17], $0x800  }
0x72: {  	[sflag:s17] =	ssyncset.done $0x0  }
0x73: {  	[sflag:s17] =	ssyncadd.s32 $0xFFFFF800  }
0x74: {  	_ =	swait.ge [sflag:s17], $0x800  }
0x75: {  	[sflag:s17] =	ssyncset.done $0x0  }
0x76: {  	[sflag:s17] =	ssyncadd.s32 $0xFFFFF800  }
0x77: {  	_ =	swait.ge [sflag:s17], $0x800  }
0x78: {  	[sflag:s17] =	ssyncset.done $0x0  }
0x79: {  	[sflag:s17] =	ssyncadd.s32 $0xFFFFF800  }
0x7a: {  	_ =	swait.ge [sflag:s17], $0x800  }
0x7b: {  	[sflag:s17] =	ssyncset.done $0x0  }
0x7c: {  	[sflag:s17] =	ssyncadd.s32 $0xFFFFF800  }
0x7d: {  	v16 =	vld [tilespmem:s0+$0xFFFFFFF8]  }
0x7e: {  	v17 =	vld [tilespmem:s1+$0xFFFFFFF8];
	_ =	sdelay $0x2  }
0x7f: {  	s20 =	sshll.u32 s16, $0xE  }
0x80: {  	v18 =	vor.u32 s20, v0;
	v16 =	vand.u32 $0x7F, v16  }
0x81: {  	v17 =	vand.u32 $0x7F, v17;
	v19 =	vor.u32 v18, v16  }
0x82: {  	v20 =	vor.u32 s20, v1;
	v18 =	vor.u32 v18, v17  }
0x83: {  	v21 =	vor.u32 v20, v16  }
0x84: {  	v22 =	vor.u32 s20, v2;
	v20 =	vor.u32 v20, v17  }
0x85: {  	v23 =	vor.u32 v22, v16  }
0x86: {  	v24 =	vor.u32 s20, v3;
	v22 =	vor.u32 v22, v17;
	v19 =	vld.idx.msk [tilespmem:v19+s13+$0x0], $0xffff  }
0x87: {  	v25 =	vor.u32 v24, v16;
	v18 =	vld.idx.msk [tilespmem:v18+s14+$0x0], $0xffff  }
0x88: {  	v26 =	vor.u32 s20, v4;
	v24 =	vor.u32 v24, v17;
	v21 =	vld.idx.msk [tilespmem:v21+s13+$0x0], $0xffff  }
0x89: {  	v27 =	vor.u32 v26, v16;
	v20 =	vld.idx.msk [tilespmem:v20+s14+$0x0], $0xffff  }
0x8a: {  	v28 =	vor.u32 s20, v5;
	v26 =	vor.u32 v26, v17;
	v23 =	vld.idx.msk [tilespmem:v23+s13+$0x0], $0xffff  }
0x8b: {  	v46 =	vor.u32 v28, v16;
	v45 =	vld.idx.msk [tilespmem:v22+s14+$0x0], $0xffff  }
0x8c: {  	v29 =	vor.u32 s20, v6;
	v28 =	vor.u32 v28, v17;
	v25 =	vld.idx.msk [tilespmem:v25+s13+$0x0], $0xffff;
	v18 =	vmul.f32 v18, v19  }
0x8d: {  	v30 =	vor.u32 s20, v7;
	v48 =	vor.u32 v29, v16;
	v47 =	vld.idx.msk [tilespmem:v24+s14+$0x0], $0xffff  }
0x8e: {  	v29 =	vor.u32 v29, v17;
	v27 =	vld.idx.msk [tilespmem:v27+s13+$0x0], $0xffff;
	v20 =	vmul.f32 v20, v21;
	v18 =	vadd.f32 $0.0e+00, v18  }
0x8f: {  	v52 =	vor.u32 s20, v8;
	v50 =	vor.u32 v30, v16;
	v49 =	vld.idx.msk [tilespmem:v26+s14+$0x0], $0xffff  }
0x90: {  	v51 =	vor.u32 v30, v17;
	v22 =	vld.idx.msk [tilespmem:v46+s13+$0x0], $0xffff;
	v19 =	vmul.f32 v45, v23;
	v18 =	vadd.f32 v20, v18  }
0x91: {  	v57 =	vor.u32 s20, v9;
	v31 =	vor.u32 v52, v16;
	v28 =	vld.idx.msk [tilespmem:v28+s14+$0x0], $0xffff  }
0x92: {  	v55 =	vor.u32 v52, v17;
	v54 =	vld.idx.msk [tilespmem:v48+s13+$0x0], $0xffff;
	v53 =	vmul.f32 v47, v25;
	v18 =	vadd.f32 v19, v18  }
0x93: {  	v62 =	vor.u32 s20, v10;
	v60 =	vor.u32 v57, v16;
	v56 =	vld.idx.msk [tilespmem:v29+s14+$0x0], $0xffff  }
0x94: {  	v61 =	vor.u32 v57, v17;
	v59 =	vld.idx.msk [tilespmem:v50+s13+$0x0], $0xffff;
	v58 =	vmul.f32 v49, v27;
	v18 =	vadd.f32 v53, v18  }
0x95: {  	v35 =	vor.u32 s20, v11;
	v34 =	vor.u32 v62, v16;
	v23 =	vld.idx.msk [tilespmem:v51+s14+$0x0], $0xffff  }
0x96: {  	v33 =	vld.idx.msk [tilespmem:v31+s13+$0x0], $0xffff;
	v29 =	vor.u32 v62, v17;
	v63 =	vmul.f32 v28, v22;
	v18 =	vadd.f32 v58, v18  }
0x97: {  	v40 =	vor.u32 s20, v12;
	v39 =	vor.u32 v35, v17;
	v24 =	vld.idx.msk [tilespmem:v55+s14+$0x0], $0xffff  }
0x98: {  	v37 =	vor.u32 v35, v16;
	v38 =	vld.idx.msk [tilespmem:v60+s13+$0x0], $0xffff;
	v36 =	vmul.f32 v56, v54;
	v18 =	vadd.f32 v63, v18  }
0x99: {  	v43 =	vor.u32 v40, v16;
	v42 =	vld.idx.msk [tilespmem:v61+s14+$0x0], $0xffff;
	v46 =	vor.u32 s20, v13  }
0x9a: {  	v44 =	vld.idx.msk [tilespmem:v34+s13+$0x0], $0xffff;
	v45 =	vor.u32 v40, v17;
	v41 =	vmul.f32 v23, v59;
	v18 =	vadd.f32 v36, v18  }
0x9b: {  	v50 =	vor.u32 v46, v17;
	v48 =	vld.idx.msk [tilespmem:v29+s14+$0x0], $0xffff;
	v49 =	vor.u32 v46, v16  }
0x9c: {  	v52 =	vld.idx.msk [tilespmem:v39+s14+$0x0], $0xffff;
	v47 =	vmul.f32 v24, v33;
	v51 =	vor.u32 s20, v14;
	v18 =	vadd.f32 v41, v18  }
0x9d: {  	v55 =	vor.u32 s20, v15;
	v21 =	vld.idx.msk [tilespmem:v37+s13+$0x0], $0xffff;
	v54 =	vor.u32 v51, v17  }
0x9e: {  	v20 =	vmul.f32 v42, v38;
	v23 =	vld.idx.msk [tilespmem:v43+s13+$0x0], $0xffff;
	v53 =	vor.u32 v51, v16;
	v18 =	vadd.f32 v47, v18  }
0x9f: {  	v17 =	vor.u32 v55, v17;
	v28 =	vld.idx.msk [tilespmem:v45+s14+$0x0], $0xffff  }
0xa0: {  	v56 =	vmul.f32 v48, v44;
	v57 =	vld.idx.msk [tilespmem:v49+s13+$0x0], $0xffff;
	v16 =	vor.u32 v55, v16;
	v18 =	vadd.f32 v20, v18  }
0xa1: {  	v58 =	vld.idx.msk [tilespmem:v50+s14+$0x0], $0xffff  }
0xa2: {  	v19 =	vmul.f32 v52, v21;
	v60 =	vld.idx.msk [tilespmem:v54+s14+$0x0], $0xffff;
	v18 =	vadd.f32 v56, v18  }
0xa3: {  	v59 =	vld.idx.msk [tilespmem:v53+s13+$0x0], $0xffff  }
0xa4: {  	v17 =	vld.idx.msk [tilespmem:v17+s14+$0x0], $0xffff;
	v61 =	vmul.f32 v28, v23;
	v18 =	vadd.f32 v19, v18  }
0xa5: {  	v16 =	vld.idx.msk [tilespmem:v16+s13+$0x0], $0xffff  }
0xa6: {  	v62 =	vmul.f32 v58, v57;
	v18 =	vadd.f32 v61, v18;
	_ =	sdelay $0x1  }
0xa7: {  	s15 =	sadd.s32 $0x1, s15;
	v63 =	vmul.f32 v60, v59;
	v18 =	vadd.f32 v62, v18  }
0xa8: {  	p0 =	sne.s32 s15, $0x40  }
.Ltmp3:
0xa9: {  	v16 =	vmul.f32 v17, v16;
	v18 =	vadd.f32 v63, v18;
	(pc) =	sbr.rel @!p0 .LBB2_5-.Ltmp3, $3  }
0xaa: {  	_ = 	snop  }
0xab: {  	v16 =	vadd.f32 v16, v18;
	_ =	sdelay $0x1  }
0xac: {  	s0 =	sadd.s32 $0x8, s0;
	s1 =	sadd.s32 $0x8, s1;
	[tilespmem:s10+$0x0] =	vst v16;
	s10 =	sadd.s32 $0x8, s10  }
.LBB2_2:
0xad: {  	p0 =	seq.s32 s15, $0x3F  }
.Ltmp4:
0xae: {  	_ = 	snop;
	(pc) =	sbr.rel @p0 .LBB2_4-.Ltmp4, $2  }
0xaf: {  	_ =	sdelay $0x2  }
0xb0: {  	s16 =	sand.u32 $0x1, s15  }
0xb1: {  	v16 =	vld [tilespmem:s0+$0x0];
	_ =	sdelay $0x1  }
0xb2: {  	v17 =	vld [tilespmem:s1+$0x0];
	_ =	sdelay $0x2  }
0xb3: {  	v16 =	vand.u32 $0xFFFFFF80, v16  }
0xb4: {  	v16 =	vadd.s32 s2, v16  }
0xb5: {  	v17 =	vand.u32 $0xFFFFFF80, v17;
	(v2sf) =	vpush v16, $0x0  }
0xb6: {  	v17 =	vadd.s32 s3, v17  }
0xb7: {  	(v2sf) =	vpush v17, $0x0;
	_ =	sdelay $0x1  }
0xb8: {  	(v2sf) =	vpush v16, $0x1;
	_ =	sdelay $0x1  }
0xb9: {  	(v2sf) =	vpush v17, $0x1;
	_ =	sdelay $0x1  }
0xba: {  	(v2sf) =	vpush v16, $0x2;
	_ =	sdelay $0x1  }
0xbb: {  	(v2sf) =	vpush v17, $0x2;
	_ =	sdelay $0x1  }
0xbc: {  	(v2sf) =	vpush v16, $0x3  }
0xbd: {  	s17 =	sxor.u32 $0x1, s16  }
0xbe: {  	s18 =	sshll.u32 s17, $0xE;
	(v2sf) =	vpush v17, $0x3  }
0xbf: {  	s17 =	sadd.s32 $0x1, s17;
	s19 =	sor.u32 $0x780, s18;
	s20 =	spop (v2sf)  }
0xc0: {  	(v2sf) =	vpush v16, $0x4;
	[tilespmem:s19], [sflag:s17] =	stream.strided.gather [hbm4b:s20+s11], $0x800, s12, s11, $0x38;
	[tilespmem:$0x10780] =	vst v63  }
0xc1: {  	s19 =	sor.u32 $0x8780, s18;
	s20 =	spop (v2sf)  }
0xc2: {  	(v2sf) =	vpush v17, $0x4;
	[tilespmem:s19], [sflag:s17] =	stream.strided.gather [hbm4b:s20+s11], $0x800, s12, s11, $0x38;
	[tilespmem:$0x10780] =	vst v63  }
0xc3: {  	s19 =	sor.u32 $0xF80, s18;
	s20 =	spop (v2sf)  }
0xc4: {  	(v2sf) =	vpush v16, $0x5;
	[tilespmem:s19], [sflag:s17] =	stream.strided.gather [hbm4b:s20+s11], $0x800, s12, s11, $0x38;
	[tilespmem:$0x10780] =	vst v63  }
0xc5: {  	s19 =	sor.u32 $0x8F80, s18;
	s20 =	spop (v2sf)  }
0xc6: {  	(v2sf) =	vpush v17, $0x5;
	[tilespmem:s19], [sflag:s17] =	stream.strided.gather [hbm4b:s20+s11], $0x800, s12, s11, $0x38;
	[tilespmem:$0x10780] =	vst v63  }
0xc7: {  	s19 =	sor.u32 $0x1780, s18;
	s20 =	spop (v2sf)  }
0xc8: {  	(v2sf) =	vpush v16, $0x6;
	[tilespmem:s19], [sflag:s17] =	stream.strided.gather [hbm4b:s20+s11], $0x800, s12, s11, $0x38;
	[tilespmem:$0x10780] =	vst v63  }
0xc9: {  	s19 =	sor.u32 $0x9780, s18;
	s20 =	spop (v2sf)  }
0xca: {  	(v2sf) =	vpush v17, $0x6;
	[tilespmem:s19], [sflag:s17] =	stream.strided.gather [hbm4b:s20+s11], $0x800, s12, s11, $0x38;
	[tilespmem:$0x10780] =	vst v63  }
0xcb: {  	s19 =	sor.u32 $0x1F80, s18;
	s20 =	spop (v2sf)  }
0xcc: {  	[tilespmem:s19], [sflag:s17] =	stream.strided.gather [hbm4b:s20+s11], $0x800, s12, s11, $0x38;
	[tilespmem:$0x10780] =	vst v63  }
0xcd: {  	(v2sf) =	vpush v16, $0x7;
	s19 =	sor.u32 $0x9F80, s18;
	s20 =	spop (v2sf)  }
0xce: {  	[tilespmem:s19], [sflag:s17] =	stream.strided.gather [hbm4b:s20+s11], $0x800, s12, s11, $0x38;
	[tilespmem:$0x10780] =	vst v63  }
0xcf: {  	(v2sf) =	vpush v17, $0x7;
	s19 =	spop (v2sf);
	s20 =	sor.u32 $0x2780, s18  }
0xd0: {  	[tilespmem:s20], [sflag:s17] =	stream.strided.gather [hbm4b:s19+s11], $0x800, s12, s11, $0x38;
	[tilespmem:$0x10780] =	vst v63  }
0xd1: {  	s19 =	spop (v2sf);
	s20 =	sor.u32 $0xA780, s18  }
0xd2: {  	[tilespmem:s20], [sflag:s17] =	stream.strided.gather [hbm4b:s19+s11], $0x800, s12, s11, $0x38;
	[tilespmem:$0x10780] =	vst v63  }
0xd3: {  	s19 =	spop (v2sf);
	s20 =	sor.u32 $0x2F80, s18  }
0xd4: {  	[tilespmem:s20], [sflag:s17] =	stream.strided.gather [hbm4b:s19+s11], $0x800, s12, s11, $0x38;
	[tilespmem:$0x10780] =	vst v63  }
0xd5: {  	s19 =	spop (v2sf);
	s20 =	sor.u32 $0xAF80, s18  }
0xd6: {  	[tilespmem:s20], [sflag:s17] =	stream.strided.gather [hbm4b:s19+s11], $0x800, s12, s11, $0x38;
	[tilespmem:$0x10780] =	vst v63  }
0xd7: {  	s19 =	spop (v2sf);
	s20 =	sor.u32 $0x3780, s18  }
0xd8: {  	[tilespmem:s20], [sflag:s17] =	stream.strided.gather [hbm4b:s19+s11], $0x800, s12, s11, $0x38;
	[tilespmem:$0x10780] =	vst v63  }
0xd9: {  	s19 =	spop (v2sf);
	s20 =	sor.u32 $0xB780, s18  }
0xda: {  	[tilespmem:s20], [sflag:s17] =	stream.strided.gather [hbm4b:s19+s11], $0x800, s12, s11, $0x38;
	[tilespmem:$0x10780] =	vst v63  }
.Ltmp5:
0xdb: {  	_ = 	snop;
	(pc) =	sbr.rel .LBB2_4-.Ltmp5, $4  }
0xdc: {  	s19 =	spop (v2sf);
	s20 =	sor.u32 $0x3F80, s18  }
0xdd: {  	[tilespmem:s20], [sflag:s17] =	stream.strided.gather [hbm4b:s19+s11], $0x800, s12, s11, $0x38;
	[tilespmem:$0x10780] =	vst v63  }
0xde: {  	s18 =	sor.u32 $0xBF80, s18;
	s20 =	spop (v2sf)  }
0xdf: {  	[tilespmem:s18], [sflag:s17] =	stream.strided.gather [hbm4b:s20+s11], $0x800, s12, s11, $0x38;
	[tilespmem:$0x10780] =	vst v63  }
.LBB2_6:
0xe0: {  	_ =	sfence.sel $0x180000  }
0xe1: {  	[bflag:$0x0] =	sbarrier.arrive $0xFFFF  }
0xe2: {  	_ =	strace $0x90000047  }
0xe3: {  	s0 =	stileid.u32;
	[bflag:$0x2] =	sbarrier.arrive $0xFFFF  }
0xe4: {  	p0 =	sne.s32 s0, $0x0;
	s0 =	rddreg [dreg:$0x3]  }
0xe5: {  	s0 =	sadd.s32 @!p0 $0x100000, s0  }
0xe6: {  	[sflag:s0] =	ssyncadd.tile.s32 @!p0 $0x1;
	_ =	shalt  }
.Lfunc_end2:
_tile_overlayer_lowered:
.L_overlay_start_2:
0xe7: {  	(tag) =	ssettag $0x2  }
0xe8: {  	s0 =	rddreg [dreg:$0x0];
	s2 =	stileid.u32  }
0xe9: {  	s1 =	rddreg [dreg:$0x1];
	p0 =	sne.s32 s2, $0x0  }
0xea: {  	s3 =	rddreg [dreg:$0x2];
	[bflag:$0x3] =	sbarrier.arrive $0xFFFF;
	s2 =	simm.s32 @!p0 $0x1C03  }
0xeb: {  	[timem:s3], [sflag:s2] =	dma.local @!p0 [hbm:s0], s1  }
0xec: {  	s0 =	simm.s32 @!p0 $0x3  }
0xed: {  	_ =	swait.ge @!p0 [sflag:s0], s1  }
0xee: {  	s1 =	ssub.s32 @!p0 $0x0, s1;
	[sflag:s0] =	ssyncset.done @!p0 $0x0  }
0xef: {  	[sflag:s0] =	ssyncadd.s32 @!p0 s1  }
0xf0: {  	[bflag:$0x3] =	sbarrier.arrive $0xFFFF  }
0xf1: {  	_ =	shalt  }

// kernel: kernel.7.cloned.1.call-start
scs
__scs_entry_jumppad:
0x0: {  	(pc) =	sbr.rel $0x88, $3  }
0x1: {  	(tag) =	ssettag $0x0;
	lr =	simm.s32 $0x1  }
0x2: {  	[smem:$0x3F9B] =	sst lr;
	_ =	strace $0xD0000000  }
0x3: {  	_ = 	snop  }
0x4: {  	_ = 	snop  }
0x5: {  	_ = 	snop  }
0x6: {  	_ = 	snop  }
0x7: {  	_ = 	snop  }
__scs_overlays_trampoline_lowered:
0x8: {  	[smem:$0x3FAA] =	sst s0  }
0x9: {  	[smem:$0x3FAB] =	sst s1  }
0xa: {  	[smem:$0x3FAC] =	sst s2  }
0xb: {  	[smem:$0x3FAD] =	sst s3  }
0xc: {  	[smem:$0x3FAE] =	sst s4  }
0xd: {  	[smem:$0x3FAF] =	sst s5  }
0xe: {  	[smem:$0x3FB0] =	sst s6  }
0xf: {  	[smem:$0x3FB1] =	sst s7  }
0x10: {  	[smem:$0x3FB2] =	sst s8  }
0x11: {  	[smem:$0x3FB3] =	sst s9;
	s0 =	simm.s32 @!p0 $0x0  }
0x12: {  	s1 =	sld [smem:$0x3F99];
	s0 =	simm.s32 @p0 $0x1  }
0x13: {  	[smem:$0x3FB4] =	sst s0;
	s0 =	simm.s32 @!p1 $0x0  }
0x14: {  	s2 =	sld [smem:$0x3F98];
	s0 =	simm.s32 @p1 $0x1  }
0x15: {  	[smem:$0x3FB5] =	sst s0;
	s0 =	simm.s32 @!p2 $0x0  }
0x16: {  	s3 =	sld [smem:$0x3FDB];
	s0 =	simm.s32 @p2 $0x1  }
0x17: {  	s4 =	simm.s32 $0x1BF5;
	[smem:$0x3FB7] =	sst s0  }
0x18: {  	s0 =	sld [smem:$0x3F9A];
	_ =	swait.ge [sflag:s4], $0x0  }
0x19: {  	s7 =	sld [smem:$0x3F9B]  }
0x1a: {  	s8 =	sadd.s32 $0xFFFFE003, lr  }
0x1b: {  	s9 =	sadd.s32 $0xFFFFFEF7, lr;
	s5 =	simm.s32 $0xFFFFFFFF;
	p2 =	slt.u32 s8, $0xFFFFF086  }
0x1c: {  	p1 =	slt.u32 s9, $0xF7A;
	s5 =	simm.s32 @!p2 $0x0  }
0x1d: {  	s5 =	simm.s32 @p1 $0x1;
	p0 =	seq.s32 s7, s2  }
0x1e: {  	s7 =	smul.u32 @!p0 $0xF7A, s2;
	p2 =	seq.s32 @!p0 s5, $0x0  }
0x1f: {  	s9 =	smul.u32 $0xF7A, s1;
	s8 =	simm.s32 @!p0 $0x1BF5;
	p2 =	por !p2, p0  }
0x20: {  	[sflag:s8] =	ssyncset.s32 @!p0 $0xFFFFF086;
	s6 =	sadd.s32 @!p0 s3, s7;
	s7 =	simm.s32 @!p0 $0x108  }
0x21: {  	s3 =	sadd.s32 s3, s9;
	s6 =	sadd.s32 @!p0 $0x88, s6;
	s7 =	simm.s32 @p2 $0x1082  }
0x22: {  	[simem:s7], [sflag:s8] =	dma.local @!p0 [hbm:s6], $0xF7A  }
0x23: {  	s9 =	sor.u32 $0xD0000000, s2;
	s6 =	simm.s32 $0x108;
	_ =	swait.ge @!p0 [sflag:s8], $0x0  }
0x24: {  	s3 =	sadd.s32 $0x88, s3;
	s6 =	simm.s32 @!p1 $0x1082;
	[sflag:s4] =	ssyncset.s32 $0xFFFFF086  }
0x25: {  	[simem:s6], [sflag:s4] =	dma.local [hbm:s3], $0xF7A  }
0x26: {  	[smem:$0x3F9B] =	sst s1;
	(tag) =	ssettag s2;
	_ =	strace s9  }
0x27: {  	s1 =	sld [smem:$0x3FAB]  }
0x28: {  	s2 =	sld [smem:$0x3FAC]  }
0x29: {  	s4 =	sld [smem:$0x3FAE]  }
0x2a: {  	p0 =	seq.s32 s5, $0x0;
	s5 =	sld [smem:$0x3FAF]  }
0x2b: {  	s6 =	sld [smem:$0x3FB0]  }
0x2c: {  	s7 =	sld [smem:$0x3FB1]  }
0x2d: {  	s3 =	simm.s32 $0x108;
	s8 =	sld [smem:$0x3FB2]  }
0x2e: {  	s3 =	simm.s32 @!p0 $0x1082;
	s9 =	sld [smem:$0x3FB3]  }
0x2f: {  	lr =	sadd.s32 s0, s3;
	s0 =	sld [smem:$0x3FAA]  }
0x30: {  	s3 =	sld [smem:$0x3FAD]  }
0x31: {  	[smem:$0x3FB6] =	sst s10  }
0x32: {  	s10 =	sld [smem:$0x3FB4];
	_ =	sdelay $0x3  }
0x33: {  	p0 =	seq.s32 s10, $0x1;
	s10 =	sld [smem:$0x3FB6];
	_ =	sdelay $0x3  }
0x34: {  	[smem:$0x3FB6] =	sst s10  }
0x35: {  	s10 =	sld [smem:$0x3FB5];
	_ =	sdelay $0x3  }
0x36: {  	p1 =	seq.s32 s10, $0x1;
	s10 =	sld [smem:$0x3FB6];
	_ =	sdelay $0x3  }
0x37: {  	[smem:$0x3FB6] =	sst s10  }
0x38: {  	s10 =	sld [smem:$0x3FB7]  }
0x39: {  	_ = 	snop;
	(pc) =	sbr.ind lr, $3  }
0x3a: {  	_ = 	snop  }
0x3b: {  	_ = 	snop  }
0x3c: {  	p2 =	seq.s32 s10, $0x1;
	s10 =	sld [smem:$0x3FB6]  }
0x3d: {  	_ =	shalt  }
0x3e: {  	_ =	shalt  }
0x3f: {  	_ =	shalt  }
0x40: {  	_ =	shalt  }
0x41: {  	_ =	shalt  }
0x42: {  	_ =	shalt  }
0x43: {  	_ =	shalt  }
0x44: {  	_ =	shalt  }
0x45: {  	_ =	shalt  }
0x46: {  	_ =	shalt  }
0x47: {  	_ =	shalt  }
0x48: {  	_ =	shalt  }
0x49: {  	_ =	shalt  }
0x4a: {  	_ =	shalt  }
0x4b: {  	_ =	shalt  }
0x4c: {  	_ =	shalt  }
0x4d: {  	_ =	shalt  }
0x4e: {  	_ =	shalt  }
0x4f: {  	_ =	shalt  }
0x50: {  	_ =	shalt  }
0x51: {  	_ =	shalt  }
0x52: {  	_ =	shalt  }
0x53: {  	_ =	shalt  }
0x54: {  	_ =	shalt  }
0x55: {  	_ =	shalt  }
0x56: {  	_ =	shalt  }
0x57: {  	_ =	shalt  }
0x58: {  	_ =	shalt  }
0x59: {  	_ =	shalt  }
0x5a: {  	_ =	shalt  }
0x5b: {  	_ =	shalt  }
0x5c: {  	_ =	shalt  }
0x5d: {  	_ =	shalt  }
0x5e: {  	_ =	shalt  }
0x5f: {  	_ =	shalt  }
0x60: {  	_ =	shalt  }
0x61: {  	_ =	shalt  }
0x62: {  	_ =	shalt  }
0x63: {  	_ =	shalt  }
0x64: {  	_ =	shalt  }
0x65: {  	_ =	shalt  }
0x66: {  	_ =	shalt  }
0x67: {  	_ =	shalt  }
0x68: {  	_ =	shalt  }
0x69: {  	_ =	shalt  }
0x6a: {  	_ =	shalt  }
0x6b: {  	_ =	shalt  }
0x6c: {  	_ =	shalt  }
0x6d: {  	_ =	shalt  }
0x6e: {  	_ =	shalt  }
0x6f: {  	_ =	shalt  }
0x70: {  	_ =	shalt  }
0x71: {  	_ =	shalt  }
0x72: {  	_ =	shalt  }
0x73: {  	_ =	shalt  }
0x74: {  	_ =	shalt  }
0x75: {  	_ =	shalt  }
0x76: {  	_ =	shalt  }
0x77: {  	_ =	shalt  }
0x78: {  	_ =	shalt  }
0x79: {  	_ =	shalt  }
0x7a: {  	_ =	shalt  }
0x7b: {  	_ =	shalt  }
0x7c: {  	_ =	shalt  }
0x7d: {  	_ =	shalt  }
0x7e: {  	_ =	shalt  }
0x7f: {  	_ =	shalt  }
0x80: {  	_ =	shalt  }
0x81: {  	_ =	shalt  }
0x82: {  	_ =	shalt  }
0x83: {  	_ =	shalt  }
0x84: {  	_ =	shalt  }
0x85: {  	_ =	shalt  }
0x86: {  	_ =	shalt  }
0x87: {  	_ =	shalt  }
.Lfunc_end0:
.L_simem_size_0:
called_computation.1_lowered:
.L_overlay_start_0:
0x88: {  	s2 =	sld [smem:$0x3FD9]  }
0x89: {  	s3 =	sld [smem:$0x3FFE];
	_ =	sdelay $0x1  }
0x8a: {  	s1 =	srdreg.scid  }
0x8b: {  	s0 =	sand.u32 $0x1, s1  }
0x8c: {  	s17 =	sshll.u32 s0, $0xA;
	s2 =	sadd.s32 s3, s2  }
0x8d: {  	s2 =	sadd.s32 s2, s17  }
0x8e: {  	[smem:$0x3FC2] =	sst s2  }
0x8f: {  	_ = 	snop  }
0x90: {  	s2 =	sld [smem:$0x3FD0];
	(tm) =	ssettm $0x1  }
0x91: {  	s18 =	sld [smem:$0x3FFB];
	_ =	sdelay $0x3  }
0x92: {  	_ =	strace s18  }
0x93: {  	s3 =	sld [smem:$0x3FFC];
	_ =	sdelay $0x3  }
0x94: {  	_ =	strace s3  }
0x95: {  	s3 =	sld [smem:$0x3FFD];
	_ =	sdelay $0x3  }
0x96: {  	_ =	strace s3  }
0x97: {  	_ =	strace $0x8FFFFFFF  }
0x98: {  	s19 =	sld [smem:$0x3FDB];
	_ =	sdelay $0x1  }
0x99: {  	s4 =	simm.s32 $_scs_section_size  }
0x9a: {  	s5 =	simm.s32 $_size__tile_overlayer_lowered;
	s6 =	simm.s32 $_tile_overlayer_lowered  }
0x9b: {  	s22 =	simm.s32 $0x1BFF;
	s21 =	sshll.u32 s6, $0x1;
	s3 =	sadd.s32 s4, s19  }
0x9c: {  	s7 =	simm.s32 $0x0;
	s20 =	sshll.u32 s5, $0x1;
	s5 =	sadd.s32 s21, s3  }
0x9d: {  	[timem:s7], [sflag:s22] =	dma.local [hbm:s5], s20  }
0x9e: {  	_ =	swait.ge [sflag:s22], s20  }
0x9f: {  	s4 =	ssub.s32 $0x0, s20;
	[sflag:s22] =	ssyncset.done $0x0  }
0xa0: {  	[sflag:s22] =	ssyncadd.s32 s4;
	_ =	sdelay $0x1  }
0xa1: {  	s23 =	simm.s32 $0x1B8B  }
0xa2: {  	_ =	swait.ge [sflag:s23], $0x1  }
0xa3: {  	[sflag:s23] =	ssyncset.done $0x0  }
0xa4: {  	s25 =	simm.s32 $0x1B8E;
	s24 =	sld [smem:$0x3FFE];
	[sflag:s23] =	ssyncadd.s32 $0xFFFFFFFF  }
0xa5: {  	s26 =	simm.s32 $execute0_lowered;
	[smem:$0x3FD2] =	sst s25  }
0xa6: {  	s5 =	sshll.u32 s26, $0x1;
	_ =	strace $0x80000049;
	[dreg:$0x1] =	wrdreg $0xFFFFFFFF  }
0xa7: {  	s28 =	simm.s32 $_size_execute0_lowered;
	s3 =	sadd.s32 s3, s5;
	[dreg:$0x0] =	wrdreg $0x0  }
0xa8: {  	s5 =	sshll.u32 s28, $0x1;
	[dreg:$0x2] =	wrdreg s3  }
0xa9: {  	[dreg:$0x3] =	wrdreg s5  }
0xaa: {  	[dreg:$0x4] =	wrdreg $0xC0  }
0xab: {  	_ =	task [dreg:s7], $0x5FFFF  }
0xac: {  	[dreg:$0x1] =	wrdreg $0xFFFFFFFF  }
0xad: {  	[dreg:$0x0] =	wrdreg $0x60  }
0xae: {  	[dreg:$0x2] =	wrdreg s24  }
0xaf: {  	[dreg:$0x3] =	wrdreg s2  }
0xb0: {  	[dreg:$0x4] =	wrdreg $0x9  }
0xb1: {  	_ =	task.clear_ibuf [dreg:s7], $0x5FFFF;
	_ =	strace $0x90000049  }
0xb2: {  	s29 =	simm.s32 $0x9;
	_ =	strace $0x8000004B  }
0xb3: {  	_ =	swait.ge [sflag:s29], $0x1  }
0xb4: {  	[sflag:s29] =	ssyncadd.s32 $0xFFFFFFFF  }
0xb5: {  	_ =	strace $0x9000004B  }
0xb6: {  	_ =	sfence  }
0xb7: {  	s30 =	sld [smem:$0x0];
	_ =	sdelay $0x2  }
0xb8: {  	s31 =	sshll.u32 s1, $0xD;
	s1 =	sshrl.u32 s1, $0x2  }
0xb9: {  	s3 =	sand.u32 $0x4000, s31;
	s1 =	sadd.s32 s1, s30  }
0xba: {  	s0 =	sor.u32 s3, s0;
	s1 =	sshll.u32 s1, $0x11  }
0xbb: {  	s0 =	sor.u32 s1, s0  }
0xbc: {  	s0 =	sadd.s32 $0x8F2B, s0  }
0xbd: {  	[sflag:s0] =	ssyncadd.remote.s32 $0x1  }
0xbe: {  	_ =	sfence.sel $0xFFFF  }
0xbf: {  	[dreg:$0x0] =	wrdreg $0xFFFFFFFF;
	(pc) =	sbr.abs _section_cstart, $3  }
0xc0: {  	[dreg:$0x1] =	wrdreg $0xFFFFFFFF  }
0xc1: {  	_ =	task.clear_ibuf [dreg:s7], $0x2FFFF;
	_ =	strace $0x9FFFFFFF  }
0xc2: {  	(tm) =	ssettm $0x7FFFFFFF  }
0xc3: {  	_ =	shalt  }
tec
execute0_lowered:
.L_overlay_start_1:
0x0: {  	(tag) =	ssettag $0x1  }
0x1: {  	s0 =	rddreg [dreg:$0x0]  }
0x2: {  	s1 =	rddreg [dreg:$0x1]  }
0x3: {  	s2 =	simm.s32 $0x0;
	s3 =	srdreg.scid;
	s4 =	stileid.u32  }
0x4: {  	s11 =	simm.s32 $0x2;
	s12 =	simm.s32 $0x200;
	s15 =	simm.s32 $0x80  }
0x5: {  	s17 =	simm.s32 $0x600;
	s18 =	simm.s32 $0x480;
	s19 =	simm.s32 $0x280  }
0x6: {  	s20 =	simm.s32 $0x680;
	s21 =	simm.s32 $0x100;
	s22 =	simm.s32 $0x500  }
0x7: {  	s23 =	simm.s32 $0x300;
	s24 =	simm.s32 $0x700;
	s28 =	simm.s32 $0x380  }
0x8: {  	s29 =	simm.s32 $0x780;
	s30 =	simm.s32 $0x1;
	s31 =	simm.s32 $0xA10  }
0x9: {  	[smem:$0x7FF] =	sst s2;
	s5 =	sand.u32 $0x1, s3;
	s3 =	sadd.s32 $0x1C00, s0  }
0xa: {  	s6 =	sshll.u32 s4, $0x7;
	s4 =	sadd.s32 $0x20600, s0;
	s7 =	sshll.u32 s5, $0x6  }
0xb: {  	_ =	strace $0x8000004A;
	s25 =	ssub.s32 $0x2, s5;
	s9 =	sor.u32 s7, s6  }
0xc: {  	s5 =	sadd.s32 $0x3F000, s0;
	s26 =	sshrl.u32 s25, $0x1;
	s0 =	sadd.s32 s9, s0  }
0xd: {  	s10 =	ssub.s32 s25, s26;
	s9 =	sadd.s32 s1, s9;
	s25 =	simm.s32 $0x180  }
0xe: {  	s26 =	simm.s32 $0x580;
	s6 =	sadd.s32 $0xC00, s0;
	s7 =	sadd.s32 $0x400, s0  }
0xf: {  	s8 =	sadd.s32 $0x1400, s0;
	s10 =	smax.u32 s10, $0x1;
	s0 =	simm.s32 $0x0  }
.LBB2_1:
0x10: {  	[tilespmem:s2], [sflag:$0x2] =	stream.linear.gather [hbm4b:s6+s2], $0x200, $0x38;
	[tilespmem:$0xC10] =	vst v63  }
0x11: {  	_ =	swait.ge [sflag:s11], $0x200  }
0x12: {  	[sflag:s11] =	ssyncset.done $0x0  }
0x13: {  	[sflag:s11] =	ssyncadd.s32 $0xFFFFFE00  }
0x14: {  	[tilespmem:s12], [sflag:$0x2] =	stream.linear.gather [hbm4b:s7+s2], $0x200, $0x38;
	[tilespmem:$0xC10] =	vst v63  }
0x15: {  	_ =	swait.ge [sflag:s11], $0x200  }
0x16: {  	[sflag:s11] =	ssyncset.done $0x0  }
0x17: {  	s1 =	simm.s32 $0x810;
	[sflag:s11] =	ssyncadd.s32 $0xFFFFFE00  }
0x18: {  	[tilespmem:s1], [sflag:$0x2] =	stream.linear.gather [hbm4b:s8+s2], $0x200, $0x38;
	[tilespmem:$0xC10] =	vst v63  }
0x19: {  	_ =	swait.ge [sflag:s11], $0x200  }
0x1a: {  	[sflag:s11] =	ssyncset.done $0x0  }
0x1b: {  	s14 =	simm.s32 $0x800;
	[sflag:s11] =	ssyncadd.s32 $0xFFFFFE00  }
0x1c: {  	[tilespmem:s14], [sflag:$0x2] =	stream.linear.gather [hbm4b:s5+s2], $0x10, $0x38;
	[tilespmem:$0xC10] =	vst v63  }
0x1d: {  	_ =	swait.ge [sflag:s11], $0x10  }
0x1e: {  	[sflag:s11] =	ssyncset.done $0x0  }
0x1f: {  	s16 =	simm.s32 $0x400;
	[sflag:s11] =	ssyncadd.s32 $0xFFFFFFF0  }
0x20: {  	[tilespmem:s16], [sflag:$0x1] =	stream.indirect.gather [hbm4b:s3+s15], $0x1, s2, s15, $0xb8;
	[tilespmem:$0xC10] =	vst v63  }
0x21: {  	_ = 	snop  }
0x22: {  	[tilespmem:s17], [sflag:$0x1] =	stream.indirect.gather [hbm4b:s4+s15], $0x1, s12, s15, $0xb8;
	[tilespmem:$0xC10] =	vst v63  }
0x23: {  	_ = 	snop  }
0x24: {  	[tilespmem:s18], [sflag:$0x1] =	stream.indirect.gather [hbm4b:s3+s15], $0x1, s15, s15, $0xb8;
	[tilespmem:$0xC10] =	vst v63  }
0x25: {  	_ = 	snop  }
0x26: {  	[tilespmem:s20], [sflag:$0x1] =	stream.indirect.gather [hbm4b:s4+s15], $0x1, s19, s15, $0xb8;
	[tilespmem:$0xC10] =	vst v63  }
0x27: {  	_ = 	snop  }
0x28: {  	[tilespmem:s22], [sflag:$0x1] =	stream.indirect.gather [hbm4b:s3+s15], $0x1, s21, s15, $0xb8;
	[tilespmem:$0xC10] =	vst v63  }
0x29: {  	_ = 	snop  }
0x2a: {  	[tilespmem:s24], [sflag:$0x1] =	stream.indirect.gather [hbm4b:s4+s15], $0x1, s23, s15, $0xb8;
	[tilespmem:$0xC10] =	vst v63  }
0x2b: {  	_ = 	snop  }
0x2c: {  	[tilespmem:s26], [sflag:$0x1] =	stream.indirect.gather [hbm4b:s3+s15], $0x1, s25, s15, $0xb8;
	[tilespmem:$0xC10] =	vst v63  }
0x2d: {  	_ = 	snop  }
0x2e: {  	[tilespmem:s29], [sflag:$0x1] =	stream.indirect.gather [hbm4b:s4+s15], $0x1, s28, s15, $0xb8;
	[tilespmem:$0xC10] =	vst v63  }
0x2f: {  	_ =	swait.ge [sflag:s30], $0x80  }
0x30: {  	[sflag:s30] =	ssyncset.done $0x0  }
0x31: {  	[sflag:s30] =	ssyncadd.s32 $0xFFFFFF80  }
0x32: {  	_ =	swait.ge [sflag:s30], $0x80  }
0x33: {  	[sflag:s30] =	ssyncset.done $0x0  }
0x34: {  	[sflag:s30] =	ssyncadd.s32 $0xFFFFFF80  }
0x35: {  	_ =	swait.ge [sflag:s30], $0x80  }
0x36: {  	[sflag:s30] =	ssyncset.done $0x0  }
0x37: {  	[sflag:s30] =	ssyncadd.s32 $0xFFFFFF80  }
0x38: {  	_ =	swait.ge [sflag:s30], $0x80  }
0x39: {  	[sflag:s30] =	ssyncset.done $0x0  }
0x3a: {  	[sflag:s30] =	ssyncadd.s32 $0xFFFFFF80  }
0x3b: {  	_ =	swait.ge [sflag:s30], $0x80  }
0x3c: {  	[sflag:s30] =	ssyncset.done $0x0  }
0x3d: {  	[sflag:s30] =	ssyncadd.s32 $0xFFFFFF80  }
0x3e: {  	_ =	swait.ge [sflag:s30], $0x80  }
0x3f: {  	[sflag:s30] =	ssyncset.done $0x0  }
0x40: {  	[sflag:s30] =	ssyncadd.s32 $0xFFFFFF80  }
0x41: {  	_ =	swait.ge [sflag:s30], $0x80  }
0x42: {  	[sflag:s30] =	ssyncset.done $0x0  }
0x43: {  	[sflag:s30] =	ssyncadd.s32 $0xFFFFFF80  }
0x44: {  	_ =	swait.ge [sflag:s30], $0x80  }
0x45: {  	[sflag:s30] =	ssyncset.done $0x0  }
0x46: {  	s1 =	simm.s32 $0x0;
	[sflag:s30] =	ssyncadd.s32 $0xFFFFFF80  }
0x47: {  	v1 =	vld [tilespmem:s1+$0x810]  }
0x48: {  	v2 =	vld [tilespmem:s1+$0x400];
	_ =	sdelay $0x1  }
0x49: {  	v3 =	vld [tilespmem:s1+$0x600];
	_ =	sdelay $0x2  }
0x4a: {  	s13 =	simm.s32 $0x10;
	v0 =	vld [tilespmem:$0x800];
	v2 =	vadd.f32 v2, v1  }
0x4b: {  	v1 =	vld [tilespmem:s13+$0x810]  }
0x4c: {  	v4 =	vadd.f32 v3, v2;
	v3 =	vld [tilespmem:s13+$0x400];
	_ =	sdelay $0x1  }
0x4d: {  	v2 =	vld [tilespmem:s13+$0x600]  }
0x4e: {  	s14 =	simm.s32 $0x80;
	v4 =	vadd.f32 v4, v0  }
.LBB2_2:
0x4f: {  	s16 =	sshra.s32 s14, $0x2;
	p0 =	sne.s32 s14, $0x7C0  }
.Ltmp0:
0x50: {  	s14 =	sadd.s32 $0x40, s14;
	v5 =	vadd.f32 v3, v1;
	v1 =	vld [tilespmem:s16+$0x810];
	[tilespmem:s1+$0xA10] =	vst v4;
	(pc) =	sbr.rel @p0 .LBB2_2-.Ltmp0, $4  }
0x51: {  	s1 =	smov.u32 s13;
	s13 =	smov.u32 s16;
	v3 =	vld [tilespmem:s16+$0x400]  }
0x52: {  	v4 =	vadd.f32 v2, v5  }
0x53: {  	v2 =	vld [tilespmem:s13+$0x600]  }
0x54: {  	v4 =	vadd.f32 v4, v0  }
0x55: {  	_ = 	snop  }
0x56: {  	v1 =	vadd.f32 v3, v1;
	_ =	sdelay $0x1  }
0x57: {  	v1 =	vadd.f32 v2, v1;
	_ =	sdelay $0x1  }
0x58: {  	s0 =	sadd.s32 $0x1, s0;
	v0 =	vadd.f32 v1, v0  }
0x59: {  	[tilespmem:s1+$0xA10] =	vst v4;
	p0 =	sne.s32 s0, s10  }
.Ltmp1:
0x5a: {  	[tilespmem:s13+$0xA10] =	vst v0;
	(pc) =	sbr.rel @p0 .LBB2_1-.Ltmp1, $4  }
0x5b: {  	[hbm4b:s9+s2] =	stream.linear.scatter [tilespmem:s31], [sflag:$0x2], $0x200, $0x38;
	[tilespmem:$0xC10] =	vst v63  }
0x5c: {  	_ =	swait.ge [sflag:s11], $0x200  }
0x5d: {  	[sflag:s11] =	ssyncset.done $0x0  }
0x5e: {  	[sflag:s11] =	ssyncadd.s32 $0xFFFFFE00  }
0x5f: {  	_ =	sfence.sel $0x180000  }
0x60: {  	[bflag:$0x0] =	sbarrier.arrive $0xFFFF  }
0x61: {  	_ =	strace $0x9000004A  }
0x62: {  	s0 =	stileid.u32;
	[bflag:$0x2] =	sbarrier.arrive $0xFFFF  }
0x63: {  	p0 =	sne.s32 s0, $0x0;
	s0 =	rddreg [dreg:$0x2]  }
0x64: {  	s0 =	sadd.s32 @!p0 $0x100000, s0  }
0x65: {  	[sflag:s0] =	ssyncadd.tile.s32 @!p0 $0x1;
	_ =	shalt  }
.Lfunc_end2:
_tile_overlayer_lowered:
.L_overlay_start_2:
0x66: {  	(tag) =	ssettag $0x2  }
0x67: {  	s0 =	rddreg [dreg:$0x0];
	s2 =	stileid.u32  }
0x68: {  	s1 =	rddreg [dreg:$0x1];
	p0 =	sne.s32 s2, $0x0  }
0x69: {  	s3 =	rddreg [dreg:$0x2];
	[bflag:$0x3] =	sbarrier.arrive $0xFFFF;
	s2 =	simm.s32 @!p0 $0x1C02  }
0x6a: {  	[timem:s3], [sflag:s2] =	dma.local @!p0 [hbm:s0], s1  }
0x6b: {  	s0 =	simm.s32 @!p0 $0x2  }
0x6c: {  	_ =	swait.ge @!p0 [sflag:s0], s1  }
0x6d: {  	s1 =	ssub.s32 @!p0 $0x0, s1;
	[sflag:s0] =	ssyncset.done @!p0 $0x0  }
0x6e: {  	[sflag:s0] =	ssyncadd.s32 @!p0 s1  }
0x6f: {  	[bflag:$0x3] =	sbarrier.arrive $0xFFFF  }
0x70: {  	_ =	shalt  }

</sc_bundles>
